<compile_context>
chip_gen: v7x
topology: tpu7x:2x2x1
jax: 0.10.2.dev20260603
libtpu: 0.0.44.dev20260713+nightly
codegen_flags: <defaults>
</compile_context>

<pallas_src>
import functools

import jax
import jax.numpy as jnp
from jax import lax
from jax.experimental import pallas as pl
from jax.experimental.pallas import tpu as pltpu
from jax.experimental.pallas import tpu_sc as plsc

N = 10000
E = 320000
DF = 128
D1 = 64
D2 = 32
NPAD = 10000

NC = 2
NS = 16
NW = NC * NS
K = 125
NCHUNK = 80
RPT = NPAD // NS

_MESH = plsc.VectorSubcoreMesh(
    core_axis_name="c", subcore_axis_name="s", num_cores=NC, num_subcores=NS)
_SC_PARAMS = pltpu.CompilerParams(use_tc_tiling_on_sc=False)



DW = 16
NBUF = 8
NOUTER = NCHUNK // NBUF
DEGW = 6


def _make_deg_kernel():
  @functools.partial(
      pl.kernel,
      out_type=jax.ShapeDtypeStruct((NC * NPAD, 8), jnp.float32),
      mesh=_MESH,
      compiler_params=_SC_PARAMS,
      scratch_types=[
          pltpu.VMEM_SHARED((NPAD, DW), jnp.float32),
          pltpu.VMEM((NCHUNK, K), jnp.int32),
          pltpu.VMEM((K, DW), jnp.float32),
          pltpu.SemaphoreType.DMA,
      ],
  )
  def deg_kernel(dst4_hbm, zeros_hbm, ones_hbm, out_hbm, acc, didx3, ones_v,
                 dsem):
    c = lax.axis_index("c")
    s = lax.axis_index("s")
    r0 = s * RPT
    w = s * NC + c
    pltpu.sync_copy(zeros_hbm.at[pl.ds(r0, RPT), :], acc.at[pl.ds(r0, RPT), :])
    pltpu.sync_copy(dst4_hbm.at[w], didx3)
    pltpu.sync_copy(ones_hbm, ones_v)
    plsc.subcore_barrier()

    def drain_one():
      pltpu.make_async_copy(ones_v, acc.at[didx3.at[0]], dsem).wait()

    def loop(j, carry):
      pltpu.async_copy(ones_v, acc.at[didx3.at[j]], dsem, add=True)

      @pl.when(j >= DEGW)
      def _():
        drain_one()

      return carry

    lax.fori_loop(0, NCHUNK, loop, 0)

    def tail(i, carry):
      drain_one()
      return carry

    lax.fori_loop(0, DEGW, tail, 0)
    plsc.subcore_barrier()
    pltpu.sync_copy(acc.at[pl.ds(r0, RPT), pl.ds(0, 8)],
                    out_hbm.at[pl.ds(c * NPAD + r0, RPT), :])

  return deg_kernel


def _make_agg_kernel(d):
  scratch = [
      pltpu.VMEM_SHARED((NPAD, d), jnp.bfloat16),
      pltpu.VMEM((NCHUNK, K), jnp.int32),
      pltpu.VMEM((NCHUNK, K), jnp.int32),
  ]
  scratch += [pltpu.VMEM((K, d), jnp.bfloat16) for _ in range(NBUF)]
  scratch += [pltpu.SemaphoreType.DMA for _ in range(2 * NBUF)]

  @functools.partial(
      pl.kernel,
      out_type=jax.ShapeDtypeStruct((NC * NPAD, d), jnp.bfloat16),
      mesh=_MESH,
      compiler_params=_SC_PARAMS,
      scratch_types=scratch,
  )
  def agg_kernel(tab_hbm, src4_hbm, dst4_hbm, zeros_hbm, out_hbm,
                 acc, sidx3, didx3, *bufs):
    rows = bufs[:NBUF]
    gsem = bufs[NBUF:2 * NBUF]
    ssem = bufs[2 * NBUF:3 * NBUF]
    c = lax.axis_index("c")
    s = lax.axis_index("s")
    r0 = s * RPT
    w = s * NC + c
    pltpu.sync_copy(zeros_hbm.at[pl.ds(r0, RPT), :], acc.at[pl.ds(r0, RPT), :])
    pltpu.sync_copy(src4_hbm.at[w], sidx3)
    pltpu.sync_copy(dst4_hbm.at[w], didx3)
    plsc.subcore_barrier()

    def gfire(j, b):
      pltpu.async_copy(tab_hbm.at[sidx3.at[j]], rows[b], gsem[b])

    def gwait(b):
      pltpu.make_async_copy(
          tab_hbm.at[sidx3.at[0]], rows[b], gsem[b]).wait()

    def sfire(j, b):
      pltpu.async_copy(rows[b], acc.at[didx3.at[j]], ssem[b], add=True)

    def swait(b):
      pltpu.make_async_copy(rows[b], acc.at[didx3.at[0]], ssem[b]).wait()

    for b in range(NBUF - 1):
      gfire(b, b)

    def outer(t, carry):
      for b in range(NBUF):
        j = t * NBUF + b
        b1 = (b - 1) % NBUF
        gwait(b)
        sfire(j, b)

        @pl.when(j > 0)
        def _():
          swait(b1)

        @pl.when(j + NBUF - 1 < NCHUNK)
        def _():
          gfire(j + NBUF - 1, b1)

      return carry

    lax.fori_loop(0, NOUTER, outer, 0)
    swait((NCHUNK - 1) % NBUF)
    plsc.subcore_barrier()
    pltpu.sync_copy(acc.at[pl.ds(r0, RPT), :],
                    out_hbm.at[pl.ds(c * NPAD + r0, RPT), :])

  return agg_kernel


_deg_kernel = _make_deg_kernel()
_agg64 = _make_agg_kernel(D1)
_agg32 = _make_agg_kernel(D2)



BN = 2000


def _tc1_body(d0, d1, x, w1, hp_o, dis_o):
  deg = (d0[...] + d1[...] + 1.0)[:, :1]
  dis = lax.rsqrt(deg)
  h = jnp.dot(x[...], w1[...], preferred_element_type=jnp.float32)
  hp_o[...] = (h * dis).astype(jnp.bfloat16)
  dis_o[...] = dis


_tc1 = pl.pallas_call(
    _tc1_body,
    grid=(N // BN,),
    in_specs=[
        pl.BlockSpec((BN, 8), lambda i: (i, 0)),
        pl.BlockSpec((BN, 8), lambda i: (NPAD // BN + i, 0)),
        pl.BlockSpec((BN, DF), lambda i: (i, 0)),
        pl.BlockSpec((DF, D1), lambda i: (0, 0)),
    ],
    out_specs=[
        pl.BlockSpec((BN, D1), lambda i: (i, 0)),
        pl.BlockSpec((BN, 1), lambda i: (i, 0)),
    ],
    out_shape=[
        jax.ShapeDtypeStruct((N, D1), jnp.bfloat16),
        jax.ShapeDtypeStruct((N, 1), jnp.float32),
    ],
)


def _tc2_body(p0, p1, hp, dis, b1, w2, g_o):
  s = (p0[...].astype(jnp.float32) + p1[...].astype(jnp.float32)
       + hp[...].astype(jnp.float32))
  h1 = jnp.maximum(dis[...] * s + b1[...], 0.0)
  g = jnp.dot(h1, w2[...], preferred_element_type=jnp.float32) * dis[...]
  g_o[...] = g.astype(jnp.bfloat16)


_tc2 = pl.pallas_call(
    _tc2_body,
    grid=(N // BN,),
    in_specs=[
        pl.BlockSpec((BN, D1), lambda i: (i, 0)),
        pl.BlockSpec((BN, D1), lambda i: (NPAD // BN + i, 0)),
        pl.BlockSpec((BN, D1), lambda i: (i, 0)),
        pl.BlockSpec((BN, 1), lambda i: (i, 0)),
        pl.BlockSpec((1, D1), lambda i: (0, 0)),
        pl.BlockSpec((D1, D2), lambda i: (0, 0)),
    ],
    out_specs=pl.BlockSpec((BN, D2), lambda i: (i, 0)),
    out_shape=jax.ShapeDtypeStruct((N, D2), jnp.bfloat16),
)


def _tc3_body(q0, q1, g, dis, b2, o):
  s = (q0[...].astype(jnp.float32) + q1[...].astype(jnp.float32)
       + g[...].astype(jnp.float32))
  h2 = dis[...] * s + b2[...]
  m = jnp.max(h2, axis=1, keepdims=True)
  e = jnp.exp(h2 - m)
  lse = jnp.log(jnp.sum(e, axis=1, keepdims=True)) + m
  o[...] = h2 - lse


_tc3 = pl.pallas_call(
    _tc3_body,
    grid=(N // BN,),
    in_specs=[
        pl.BlockSpec((BN, D2), lambda i: (i, 0)),
        pl.BlockSpec((BN, D2), lambda i: (NPAD // BN + i, 0)),
        pl.BlockSpec((BN, D2), lambda i: (i, 0)),
        pl.BlockSpec((BN, 1), lambda i: (i, 0)),
        pl.BlockSpec((1, D2), lambda i: (0, 0)),
    ],
    out_specs=pl.BlockSpec((BN, D2), lambda i: (i, 0)),
    out_shape=jax.ShapeDtypeStruct((N, D2), jnp.float32),
)



def kernel(features, edges, W1, b1, W2, b2):
  src4 = edges[0].astype(jnp.int32).reshape(NW, NCHUNK, K)
  dst4 = edges[1].astype(jnp.int32).reshape(NW, NCHUNK, K)

  zerosd = jnp.zeros((NPAD, DW), jnp.float32)
  ones_k = jnp.ones((K, DW), jnp.float32)
  degp = _deg_kernel(dst4, zerosd, ones_k)

  hp, dis = _tc1(degp, degp, features, W1)

  zeros64 = jnp.zeros((NPAD, D1), jnp.bfloat16)
  p = _agg64(hp, src4, dst4, zeros64)
  g = _tc2(p, p, hp, dis, b1.reshape(1, D1), W2)

  zeros32 = jnp.zeros((NPAD, D2), jnp.bfloat16)
  q = _agg32(g, src4, dst4, zeros32)
  out = _tc3(q, q, g, dis, b2.reshape(1, D2))
  return out

# --- scband reference (transcript-rebuilt; emitter-appended) ---
"""Pipeline reference for scband-macro-gcn-20203526160738 (READ-ONLY COPY).

The authoritative reference and input builder live on the scoring server;
editing this copy changes nothing except your own understanding.
"""

import jax, jax.numpy as jnp
import numpy as np

N_NODES = 10000
N_EDGES = 320000
D_FEAT = 128
D_HID = 64
N_LABELS = 32


def gcn_conv(x, edge_index, W, b, n_nodes):
    # PyG-style GCNConv: linear transform, add self-loops, symmetric normalization, scatter-add
    x = x @ W
    src = edge_index[0]
    dst = edge_index[1]
    loop = jnp.arange(n_nodes, dtype=src.dtype)
    src = jnp.concatenate([src, loop])
    dst = jnp.concatenate([dst, loop])
    ones = jnp.ones_like(dst, dtype=x.dtype)
    deg = jax.ops.segment_sum(ones, dst, num_segments=n_nodes)
    deg_inv_sqrt = jnp.where(deg > 0, 1.0 / jnp.sqrt(deg), 0.0)
    norm = deg_inv_sqrt[src] * deg_inv_sqrt[dst]
    msg = x[src] * norm[:, None]
    out = jax.ops.segment_sum(msg, dst, num_segments=n_nodes)
    return out + b


def setup_inputs(seed: int = 0) -> dict:
    key = jax.random.key(seed)
    k1, k2, k3, k4, k5, k6 = jax.random.split(key, 6)
    features = jax.random.normal(k1, (N_NODES, D_FEAT), dtype=jnp.float32)
    edges = jax.random.randint(k2, (2, N_EDGES), 0, N_NODES, dtype=jnp.int64)
    s1 = 1.0 / np.sqrt(D_FEAT)
    s2 = 1.0 / np.sqrt(D_HID)
    W1 = jax.random.uniform(k3, (D_FEAT, D_HID), dtype=jnp.float32, minval=-s1, maxval=s1)
    b1 = jax.random.uniform(k4, (D_HID,), dtype=jnp.float32, minval=-s1, maxval=s1)
    W2 = jax.random.uniform(k5, (D_HID, N_LABELS), dtype=jnp.float32, minval=-s2, maxval=s2)
    b2 = jax.random.uniform(k6, (N_LABELS,), dtype=jnp.float32, minval=-s2, maxval=s2)
    return {"features": features, "edges": edges, "W1": W1, "b1": b1, "W2": W2, "b2": b2}


def reference(features, edges, W1, b1, W2, b2):
    n_nodes = features.shape[0]
    h1 = jax.nn.relu(gcn_conv(features, edges, W1, b1, n_nodes))
    h2 = gcn_conv(h1, edges, W2, b2, n_nodes)
    predictions = jax.nn.log_softmax(h2, axis=1)
    return predictions

if __name__ == "__main__":
    import jax
    _d = setup_inputs()
    print(jax.jit(kernel)(*tuple(_d.values())))

</pallas_src>

<mosaic_0001>
#map = affine_map<(d0, d1) -> (0, 0)>
#map1 = affine_map<(d0, d1) -> (0, 0, 0)>
module attributes {stable_mosaic.version = 14 : i64} {
  func.func @agg_kernel(%arg0: i32, %arg1: i32, %arg2: memref<10000x32xbf16, #tpu.memory_space<hbm>>, %arg3: memref<32x80x125xi32, #tpu.memory_space<hbm>>, %arg4: memref<32x80x125xi32, #tpu.memory_space<hbm>>, %arg5: memref<10000x32xbf16, #tpu.memory_space<hbm>>, %arg6: memref<20000x32xbf16, #tpu.memory_space<hbm>>, %arg7: memref<10000x32xbf16, #tpu.memory_space<vmem_shared>>, %arg8: memref<80x125xi32, #tpu.memory_space<vmem>>, %arg9: memref<80x125xi32, #tpu.memory_space<vmem>>, %arg10: memref<125x32xbf16, #tpu.memory_space<vmem>>, %arg11: memref<125x32xbf16, #tpu.memory_space<vmem>>, %arg12: memref<125x32xbf16, #tpu.memory_space<vmem>>, %arg13: memref<125x32xbf16, #tpu.memory_space<vmem>>, %arg14: memref<125x32xbf16, #tpu.memory_space<vmem>>, %arg15: memref<125x32xbf16, #tpu.memory_space<vmem>>, %arg16: memref<125x32xbf16, #tpu.memory_space<vmem>>, %arg17: memref<125x32xbf16, #tpu.memory_space<vmem>>, %arg18: memref<!tpu.dma_semaphore, #tpu.memory_space<semaphore_mem>>, %arg19: memref<!tpu.dma_semaphore, #tpu.memory_space<semaphore_mem>>, %arg20: memref<!tpu.dma_semaphore, #tpu.memory_space<semaphore_mem>>, %arg21: memref<!tpu.dma_semaphore, #tpu.memory_space<semaphore_mem>>, %arg22: memref<!tpu.dma_semaphore, #tpu.memory_space<semaphore_mem>>, %arg23: memref<!tpu.dma_semaphore, #tpu.memory_space<semaphore_mem>>, %arg24: memref<!tpu.dma_semaphore, #tpu.memory_space<semaphore_mem>>, %arg25: memref<!tpu.dma_semaphore, #tpu.memory_space<semaphore_mem>>, %arg26: memref<!tpu.dma_semaphore, #tpu.memory_space<semaphore_mem>>, %arg27: memref<!tpu.dma_semaphore, #tpu.memory_space<semaphore_mem>>, %arg28: memref<!tpu.dma_semaphore, #tpu.memory_space<semaphore_mem>>, %arg29: memref<!tpu.dma_semaphore, #tpu.memory_space<semaphore_mem>>, %arg30: memref<!tpu.dma_semaphore, #tpu.memory_space<semaphore_mem>>, %arg31: memref<!tpu.dma_semaphore, #tpu.memory_space<semaphore_mem>>, %arg32: memref<!tpu.dma_semaphore, #tpu.memory_space<semaphore_mem>>, %arg33: memref<!tpu.dma_semaphore, #tpu.memory_space<semaphore_mem>>) attributes {dimension_semantics = [#tpu.dimension_semantics<core_parallel>, #tpu.dimension_semantics<subcore_parallel>], iteration_bounds = array<i64: 2, 16>, scalar_prefetch = 0 : i64, scratch_operands = 27 : i64, tpu.core_type = #tpu.core_type<sc_vector_subcore>, window_params = [{transform_indices = #map}, {transform_indices = #map1}, {transform_indices = #map1}, {transform_indices = #map}, {transform_indices = #map}]} {
    %mul3A = arith.constant 625 : i32
    %mul3A_0 = arith.muli %arg1, %mul3A : i32
    %mul3A_1 = arith.constant 2 : i32
    %mul3A_2 = arith.muli %arg1, %mul3A_1 : i32
    %add3A = arith.addi %mul3A_2, %arg0 : i32
    "tpu.region"() ({
      %run_scoped3A = tpu.sem_alloc : memref<!tpu.dma_semaphore, #tpu.memory_space<semaphore_mem>>
      %dma_start3A_66 = arith.constant 0 : i32
      %dma_start3A_67 = tpu.memref_slice %arg7[%mul3A_0, %dma_start3A_66] : memref<10000x32xbf16, #tpu.memory_space<vmem_shared>> -> memref<625x32xbf16, #tpu.memory_space<vmem_shared>>
      %dma_start3A_68 = arith.constant 0 : i32
      %dma_start3A_69 = tpu.memref_slice %arg5[%mul3A_0, %dma_start3A_68] : memref<10000x32xbf16, #tpu.memory_space<hbm>> -> memref<625x32xbf16, #tpu.memory_space<hbm>>
      tpu.enqueue_dma source(%dma_start3A_69 : memref<625x32xbf16, #tpu.memory_space<hbm>>) target(%dma_start3A_67 : memref<625x32xbf16, #tpu.memory_space<vmem_shared>>) target_semaphore(%run_scoped3A : memref<!tpu.dma_semaphore, #tpu.memory_space<semaphore_mem>>)
      %dma_wait3A_70 = arith.constant 0 : i32
      %dma_wait3A_71 = tpu.memref_slice %arg7[%mul3A_0, %dma_wait3A_70] : memref<10000x32xbf16, #tpu.memory_space<vmem_shared>> -> memref<625x32xbf16, #tpu.memory_space<vmem_shared>>
      %dma_wait3A_72 = arith.constant 0 : i32
      %dma_wait3A_73 = tpu.memref_slice %arg5[%mul3A_0, %dma_wait3A_72] : memref<10000x32xbf16, #tpu.memory_space<hbm>> -> memref<625x32xbf16, #tpu.memory_space<hbm>>
      tpu.wait_dma2 semaphore(%run_scoped3A : memref<!tpu.dma_semaphore, #tpu.memory_space<semaphore_mem>>) src(%dma_wait3A_73 : memref<625x32xbf16, #tpu.memory_space<hbm>>) dst(%dma_wait3A_71 : memref<625x32xbf16, #tpu.memory_space<vmem_shared>>)
      tpu.yield
    }) : () -> ()
    "tpu.region"() ({
      %run_scoped3A = tpu.sem_alloc : memref<!tpu.dma_semaphore, #tpu.memory_space<semaphore_mem>>
      %dma_start3A_66 = arith.constant 0 : i32
      %dma_start3A_67 = arith.constant 0 : i32
      %dma_start3A_68 = tpu.memref_slice %arg3[%add3A, %dma_start3A_66, %dma_start3A_67] : memref<32x80x125xi32, #tpu.memory_space<hbm>> -> memref<1x80x125xi32, #tpu.memory_space<hbm>>
      %dma_start3A_69 = tpu.memref_squeeze %dma_start3A_68 : memref<1x80x125xi32, #tpu.memory_space<hbm>> -> memref<80x125xi32, #tpu.memory_space<hbm>>
      %dma_start3A_70 = arith.constant 0 : i32
      %dma_start3A_71 = arith.constant 0 : i32
      %dma_start3A_72 = tpu.memref_slice %arg3[%add3A, %dma_start3A_70, %dma_start3A_71] : memref<32x80x125xi32, #tpu.memory_space<hbm>> -> memref<1x80x125xi32, #tpu.memory_space<hbm>>
      %dma_start3A_73 = tpu.memref_squeeze %dma_start3A_72 : memref<1x80x125xi32, #tpu.memory_space<hbm>> -> memref<80x125xi32, #tpu.memory_space<hbm>>
      tpu.enqueue_dma source(%dma_start3A_73 : memref<80x125xi32, #tpu.memory_space<hbm>>) target(%arg8 : memref<80x125xi32, #tpu.memory_space<vmem>>) target_semaphore(%run_scoped3A : memref<!tpu.dma_semaphore, #tpu.memory_space<semaphore_mem>>)
      %dma_wait3A_74 = arith.constant 0 : i32
      %dma_wait3A_75 = arith.constant 0 : i32
      %dma_wait3A_76 = tpu.memref_slice %arg3[%add3A, %dma_wait3A_74, %dma_wait3A_75] : memref<32x80x125xi32, #tpu.memory_space<hbm>> -> memref<1x80x125xi32, #tpu.memory_space<hbm>>
      %dma_wait3A_77 = tpu.memref_squeeze %dma_wait3A_76 : memref<1x80x125xi32, #tpu.memory_space<hbm>> -> memref<80x125xi32, #tpu.memory_space<hbm>>
      %dma_wait3A_78 = arith.constant 0 : i32
      %dma_wait3A_79 = arith.constant 0 : i32
      %dma_wait3A_80 = tpu.memref_slice %arg3[%add3A, %dma_wait3A_78, %dma_wait3A_79] : memref<32x80x125xi32, #tpu.memory_space<hbm>> -> memref<1x80x125xi32, #tpu.memory_space<hbm>>
      %dma_wait3A_81 = tpu.memref_squeeze %dma_wait3A_80 : memref<1x80x125xi32, #tpu.memory_space<hbm>> -> memref<80x125xi32, #tpu.memory_space<hbm>>
      tpu.wait_dma2 semaphore(%run_scoped3A : memref<!tpu.dma_semaphore, #tpu.memory_space<semaphore_mem>>) src(%dma_wait3A_81 : memref<80x125xi32, #tpu.memory_space<hbm>>) dst(%arg8 : memref<80x125xi32, #tpu.memory_space<vmem>>)
      tpu.yield
    }) : () -> ()
    "tpu.region"() ({
      %run_scoped3A = tpu.sem_alloc : memref<!tpu.dma_semaphore, #tpu.memory_space<semaphore_mem>>
      %dma_start3A_66 = arith.constant 0 : i32
      %dma_start3A_67 = arith.constant 0 : i32
      %dma_start3A_68 = tpu.memref_slice %arg4[%add3A, %dma_start3A_66, %dma_start3A_67] : memref<32x80x125xi32, #tpu.memory_space<hbm>> -> memref<1x80x125xi32, #tpu.memory_space<hbm>>
      %dma_start3A_69 = tpu.memref_squeeze %dma_start3A_68 : memref<1x80x125xi32, #tpu.memory_space<hbm>> -> memref<80x125xi32, #tpu.memory_space<hbm>>
      %dma_start3A_70 = arith.constant 0 : i32
      %dma_start3A_71 = arith.constant 0 : i32
      %dma_start3A_72 = tpu.memref_slice %arg4[%add3A, %dma_start3A_70, %dma_start3A_71] : memref<32x80x125xi32, #tpu.memory_space<hbm>> -> memref<1x80x125xi32, #tpu.memory_space<hbm>>
      %dma_start3A_73 = tpu.memref_squeeze %dma_start3A_72 : memref<1x80x125xi32, #tpu.memory_space<hbm>> -> memref<80x125xi32, #tpu.memory_space<hbm>>
      tpu.enqueue_dma source(%dma_start3A_73 : memref<80x125xi32, #tpu.memory_space<hbm>>) target(%arg9 : memref<80x125xi32, #tpu.memory_space<vmem>>) target_semaphore(%run_scoped3A : memref<!tpu.dma_semaphore, #tpu.memory_space<semaphore_mem>>)
      %dma_wait3A_74 = arith.constant 0 : i32
      %dma_wait3A_75 = arith.constant 0 : i32
      %dma_wait3A_76 = tpu.memref_slice %arg4[%add3A, %dma_wait3A_74, %dma_wait3A_75] : memref<32x80x125xi32, #tpu.memory_space<hbm>> -> memref<1x80x125xi32, #tpu.memory_space<hbm>>
      %dma_wait3A_77 = tpu.memref_squeeze %dma_wait3A_76 : memref<1x80x125xi32, #tpu.memory_space<hbm>> -> memref<80x125xi32, #tpu.memory_space<hbm>>
      %dma_wait3A_78 = arith.constant 0 : i32
      %dma_wait3A_79 = arith.constant 0 : i32
      %dma_wait3A_80 = tpu.memref_slice %arg4[%add3A, %dma_wait3A_78, %dma_wait3A_79] : memref<32x80x125xi32, #tpu.memory_space<hbm>> -> memref<1x80x125xi32, #tpu.memory_space<hbm>>
      %dma_wait3A_81 = tpu.memref_squeeze %dma_wait3A_80 : memref<1x80x125xi32, #tpu.memory_space<hbm>> -> memref<80x125xi32, #tpu.memory_space<hbm>>
      tpu.wait_dma2 semaphore(%run_scoped3A : memref<!tpu.dma_semaphore, #tpu.memory_space<semaphore_mem>>) src(%dma_wait3A_81 : memref<80x125xi32, #tpu.memory_space<hbm>>) dst(%arg9 : memref<80x125xi32, #tpu.memory_space<vmem>>)
      tpu.yield
    }) : () -> ()
    %barrier3A = arith.constant 0 : index
    tpu.barrier barrier_id(%barrier3A)
    %dma_start3A = arith.constant 0 : i32
    %dma_start3A_3 = arith.constant 0 : i32
    %dma_start3A_4 = tpu.memref_slice %arg8[%dma_start3A, %dma_start3A_3] : memref<80x125xi32, #tpu.memory_space<vmem>> -> memref<1x125xi32, #tpu.memory_space<vmem>>
    %dma_start3A_5 = tpu.memref_squeeze %dma_start3A_4 : memref<1x125xi32, #tpu.memory_space<vmem>> -> memref<125xi32, #tpu.memory_space<vmem>>
    %dma_start3A_6 = arith.constant 0 : i32
    %dma_start3A_7 = arith.constant 0 : i32
    %dma_start3A_8 = tpu.memref_slice %arg2[%dma_start3A_6, %dma_start3A_7] : memref<10000x32xbf16, #tpu.memory_space<hbm>> -> memref<10000x32xbf16, #tpu.memory_space<hbm>>
    tpu.enqueue_indirect_dma source(%dma_start3A_8 : memref<10000x32xbf16, #tpu.memory_space<hbm>>) target(%arg10 : memref<125x32xbf16, #tpu.memory_space<vmem>>) offsets(%dma_start3A_5 : memref<125xi32, #tpu.memory_space<vmem>>) semaphore(%arg18 : memref<!tpu.dma_semaphore, #tpu.memory_space<semaphore_mem>>)
    %dma_start3A_9 = arith.constant 1 : i32
    %dma_start3A_10 = arith.constant 0 : i32
    %dma_start3A_11 = tpu.memref_slice %arg8[%dma_start3A_9, %dma_start3A_10] : memref<80x125xi32, #tpu.memory_space<vmem>> -> memref<1x125xi32, #tpu.memory_space<vmem>>
    %dma_start3A_12 = tpu.memref_squeeze %dma_start3A_11 : memref<1x125xi32, #tpu.memory_space<vmem>> -> memref<125xi32, #tpu.memory_space<vmem>>
    %dma_start3A_13 = arith.constant 0 : i32
    %dma_start3A_14 = arith.constant 0 : i32
    %dma_start3A_15 = tpu.memref_slice %arg2[%dma_start3A_13, %dma_start3A_14] : memref<10000x32xbf16, #tpu.memory_space<hbm>> -> memref<10000x32xbf16, #tpu.memory_space<hbm>>
    tpu.enqueue_indirect_dma source(%dma_start3A_15 : memref<10000x32xbf16, #tpu.memory_space<hbm>>) target(%arg11 : memref<125x32xbf16, #tpu.memory_space<vmem>>) offsets(%dma_start3A_12 : memref<125xi32, #tpu.memory_space<vmem>>) semaphore(%arg19 : memref<!tpu.dma_semaphore, #tpu.memory_space<semaphore_mem>>)
    %dma_start3A_16 = arith.constant 2 : i32
    %dma_start3A_17 = arith.constant 0 : i32
    %dma_start3A_18 = tpu.memref_slice %arg8[%dma_start3A_16, %dma_start3A_17] : memref<80x125xi32, #tpu.memory_space<vmem>> -> memref<1x125xi32, #tpu.memory_space<vmem>>
    %dma_start3A_19 = tpu.memref_squeeze %dma_start3A_18 : memref<1x125xi32, #tpu.memory_space<vmem>> -> memref<125xi32, #tpu.memory_space<vmem>>
    %dma_start3A_20 = arith.constant 0 : i32
    %dma_start3A_21 = arith.constant 0 : i32
    %dma_start3A_22 = tpu.memref_slice %arg2[%dma_start3A_20, %dma_start3A_21] : memref<10000x32xbf16, #tpu.memory_space<hbm>> -> memref<10000x32xbf16, #tpu.memory_space<hbm>>
    tpu.enqueue_indirect_dma source(%dma_start3A_22 : memref<10000x32xbf16, #tpu.memory_space<hbm>>) target(%arg12 : memref<125x32xbf16, #tpu.memory_space<vmem>>) offsets(%dma_start3A_19 : memref<125xi32, #tpu.memory_space<vmem>>) semaphore(%arg20 : memref<!tpu.dma_semaphore, #tpu.memory_space<semaphore_mem>>)
    %dma_start3A_23 = arith.constant 3 : i32
    %dma_start3A_24 = arith.constant 0 : i32
    %dma_start3A_25 = tpu.memref_slice %arg8[%dma_start3A_23, %dma_start3A_24] : memref<80x125xi32, #tpu.memory_space<vmem>> -> memref<1x125xi32, #tpu.memory_space<vmem>>
    %dma_start3A_26 = tpu.memref_squeeze %dma_start3A_25 : memref<1x125xi32, #tpu.memory_space<vmem>> -> memref<125xi32, #tpu.memory_space<vmem>>
    %dma_start3A_27 = arith.constant 0 : i32
    %dma_start3A_28 = arith.constant 0 : i32
    %dma_start3A_29 = tpu.memref_slice %arg2[%dma_start3A_27, %dma_start3A_28] : memref<10000x32xbf16, #tpu.memory_space<hbm>> -> memref<10000x32xbf16, #tpu.memory_space<hbm>>
    tpu.enqueue_indirect_dma source(%dma_start3A_29 : memref<10000x32xbf16, #tpu.memory_space<hbm>>) target(%arg13 : memref<125x32xbf16, #tpu.memory_space<vmem>>) offsets(%dma_start3A_26 : memref<125xi32, #tpu.memory_space<vmem>>) semaphore(%arg21 : memref<!tpu.dma_semaphore, #tpu.memory_space<semaphore_mem>>)
    %dma_start3A_30 = arith.constant 4 : i32
    %dma_start3A_31 = arith.constant 0 : i32
    %dma_start3A_32 = tpu.memref_slice %arg8[%dma_start3A_30, %dma_start3A_31] : memref<80x125xi32, #tpu.memory_space<vmem>> -> memref<1x125xi32, #tpu.memory_space<vmem>>
    %dma_start3A_33 = tpu.memref_squeeze %dma_start3A_32 : memref<1x125xi32, #tpu.memory_space<vmem>> -> memref<125xi32, #tpu.memory_space<vmem>>
    %dma_start3A_34 = arith.constant 0 : i32
    %dma_start3A_35 = arith.constant 0 : i32
    %dma_start3A_36 = tpu.memref_slice %arg2[%dma_start3A_34, %dma_start3A_35] : memref<10000x32xbf16, #tpu.memory_space<hbm>> -> memref<10000x32xbf16, #tpu.memory_space<hbm>>
    tpu.enqueue_indirect_dma source(%dma_start3A_36 : memref<10000x32xbf16, #tpu.memory_space<hbm>>) target(%arg14 : memref<125x32xbf16, #tpu.memory_space<vmem>>) offsets(%dma_start3A_33 : memref<125xi32, #tpu.memory_space<vmem>>) semaphore(%arg22 : memref<!tpu.dma_semaphore, #tpu.memory_space<semaphore_mem>>)
    %dma_start3A_37 = arith.constant 5 : i32
    %dma_start3A_38 = arith.constant 0 : i32
    %dma_start3A_39 = tpu.memref_slice %arg8[%dma_start3A_37, %dma_start3A_38] : memref<80x125xi32, #tpu.memory_space<vmem>> -> memref<1x125xi32, #tpu.memory_space<vmem>>
    %dma_start3A_40 = tpu.memref_squeeze %dma_start3A_39 : memref<1x125xi32, #tpu.memory_space<vmem>> -> memref<125xi32, #tpu.memory_space<vmem>>
    %dma_start3A_41 = arith.constant 0 : i32
    %dma_start3A_42 = arith.constant 0 : i32
    %dma_start3A_43 = tpu.memref_slice %arg2[%dma_start3A_41, %dma_start3A_42] : memref<10000x32xbf16, #tpu.memory_space<hbm>> -> memref<10000x32xbf16, #tpu.memory_space<hbm>>
    tpu.enqueue_indirect_dma source(%dma_start3A_43 : memref<10000x32xbf16, #tpu.memory_space<hbm>>) target(%arg15 : memref<125x32xbf16, #tpu.memory_space<vmem>>) offsets(%dma_start3A_40 : memref<125xi32, #tpu.memory_space<vmem>>) semaphore(%arg23 : memref<!tpu.dma_semaphore, #tpu.memory_space<semaphore_mem>>)
    %dma_start3A_44 = arith.constant 6 : i32
    %dma_start3A_45 = arith.constant 0 : i32
    %dma_start3A_46 = tpu.memref_slice %arg8[%dma_start3A_44, %dma_start3A_45] : memref<80x125xi32, #tpu.memory_space<vmem>> -> memref<1x125xi32, #tpu.memory_space<vmem>>
    %dma_start3A_47 = tpu.memref_squeeze %dma_start3A_46 : memref<1x125xi32, #tpu.memory_space<vmem>> -> memref<125xi32, #tpu.memory_space<vmem>>
    %dma_start3A_48 = arith.constant 0 : i32
    %dma_start3A_49 = arith.constant 0 : i32
    %dma_start3A_50 = tpu.memref_slice %arg2[%dma_start3A_48, %dma_start3A_49] : memref<10000x32xbf16, #tpu.memory_space<hbm>> -> memref<10000x32xbf16, #tpu.memory_space<hbm>>
    tpu.enqueue_indirect_dma source(%dma_start3A_50 : memref<10000x32xbf16, #tpu.memory_space<hbm>>) target(%arg16 : memref<125x32xbf16, #tpu.memory_space<vmem>>) offsets(%dma_start3A_47 : memref<125xi32, #tpu.memory_space<vmem>>) semaphore(%arg24 : memref<!tpu.dma_semaphore, #tpu.memory_space<semaphore_mem>>)
    %scan3A = arith.constant 0 : i32
    %scan3A_51 = arith.constant 0 : i32
    %scan3A_52 = arith.constant 10 : i32
    %scan3A_53 = arith.addi %scan3A_51, %scan3A_52 : i32
    %scan3A_54 = arith.constant 1 : i32
    scf.for %scan3A_66 = %scan3A_51 to %scan3A_53 step %scan3A_54  : i32 {
      %mul3A_67 = arith.constant 8 : i32
      %mul3A_68 = arith.muli %scan3A_66, %mul3A_67 : i32
      %add3A_69 = arith.constant 0 : i32
      %add3A_70 = arith.addi %mul3A_68, %add3A_69 : i32
      %dma_wait3A_71 = arith.constant 0 : i32
      %dma_wait3A_72 = arith.constant 0 : i32
      %dma_wait3A_73 = tpu.memref_slice %arg8[%dma_wait3A_71, %dma_wait3A_72] : memref<80x125xi32, #tpu.memory_space<vmem>> -> memref<1x125xi32, #tpu.memory_space<vmem>>
      %dma_wait3A_74 = tpu.memref_squeeze %dma_wait3A_73 : memref<1x125xi32, #tpu.memory_space<vmem>> -> memref<125xi32, #tpu.memory_space<vmem>>
      %dma_wait3A_75 = arith.constant 0 : i32
      %dma_wait3A_76 = arith.constant 0 : i32
      %dma_wait3A_77 = tpu.memref_slice %arg2[%dma_wait3A_75, %dma_wait3A_76] : memref<10000x32xbf16, #tpu.memory_space<hbm>> -> memref<10000x32xbf16, #tpu.memory_space<hbm>>
      tpu.wait_indirect_dma semaphore(%arg18 : memref<!tpu.dma_semaphore, #tpu.memory_space<semaphore_mem>>) src(%dma_wait3A_77 : memref<10000x32xbf16, #tpu.memory_space<hbm>>) dst(%arg10 : memref<125x32xbf16, #tpu.memory_space<vmem>>)
      %dma_start3A_78 = arith.constant 0 : i32
      %dma_start3A_79 = tpu.memref_slice %arg9[%add3A_70, %dma_start3A_78] : memref<80x125xi32, #tpu.memory_space<vmem>> -> memref<1x125xi32, #tpu.memory_space<vmem>>
      %dma_start3A_80 = tpu.memref_squeeze %dma_start3A_79 : memref<1x125xi32, #tpu.memory_space<vmem>> -> memref<125xi32, #tpu.memory_space<vmem>>
      %dma_start3A_81 = arith.constant 0 : i32
      %dma_start3A_82 = arith.constant 0 : i32
      %dma_start3A_83 = tpu.memref_slice %arg7[%dma_start3A_81, %dma_start3A_82] : memref<10000x32xbf16, #tpu.memory_space<vmem_shared>> -> memref<10000x32xbf16, #tpu.memory_space<vmem_shared>>
      tpu.enqueue_indirect_dma source(%arg10 : memref<125x32xbf16, #tpu.memory_space<vmem>>) target(%dma_start3A_83 : memref<10000x32xbf16, #tpu.memory_space<vmem_shared>>) offsets(%dma_start3A_80 : memref<125xi32, #tpu.memory_space<vmem>>) semaphore(%arg26 : memref<!tpu.dma_semaphore, #tpu.memory_space<semaphore_mem>>) {add = true}
      %gt3A = arith.constant 0 : i32
      %gt3A_84 = arith.cmpi sgt, %add3A_70, %gt3A : i32
      %convert_element_type3A = arith.extui %gt3A_84 : i1 to i32
      %cond3A = arith.constant 0 : i32
      %cond3A_85 = arith.cmpi ne, %convert_element_type3A, %cond3A : i32
      scf.if %cond3A_85 {
        %dma_wait3A_310 = arith.constant 0 : i32
        %dma_wait3A_311 = arith.constant 0 : i32
        %dma_wait3A_312 = tpu.memref_slice %arg9[%dma_wait3A_310, %dma_wait3A_311] : memref<80x125xi32, #tpu.memory_space<vmem>> -> memref<1x125xi32, #tpu.memory_space<vmem>>
        %dma_wait3A_313 = tpu.memref_squeeze %dma_wait3A_312 : memref<1x125xi32, #tpu.memory_space<vmem>> -> memref<125xi32, #tpu.memory_space<vmem>>
        %dma_wait3A_314 = arith.constant 0 : i32
        %dma_wait3A_315 = arith.constant 0 : i32
        %dma_wait3A_316 = tpu.memref_slice %arg7[%dma_wait3A_314, %dma_wait3A_315] : memref<10000x32xbf16, #tpu.memory_space<vmem_shared>> -> memref<10000x32xbf16, #tpu.memory_space<vmem_shared>>
        tpu.wait_indirect_dma semaphore(%arg33 : memref<!tpu.dma_semaphore, #tpu.memory_space<semaphore_mem>>) src(%arg17 : memref<125x32xbf16, #tpu.memory_space<vmem>>) dst(%dma_wait3A_316 : memref<10000x32xbf16, #tpu.memory_space<vmem_shared>>)
      } else {
      }
      %add3A_86 = arith.constant 8 : i32
      %add3A_87 = arith.addi %add3A_70, %add3A_86 : i32
      %sub3A = arith.constant 1 : i32
      %sub3A_88 = arith.subi %add3A_87, %sub3A : i32
      %lt3A = arith.constant 80 : i32
      %lt3A_89 = arith.cmpi slt, %sub3A_88, %lt3A : i32
      %convert_element_type3A_90 = arith.extui %lt3A_89 : i1 to i32
      %cond3A_91 = arith.constant 0 : i32
      %cond3A_92 = arith.cmpi ne, %convert_element_type3A_90, %cond3A_91 : i32
      scf.if %cond3A_92 {
        %add3A_310 = arith.constant 8 : i32
        %add3A_311 = arith.addi %add3A_70, %add3A_310 : i32
        %sub3A_312 = arith.constant 1 : i32
        %sub3A_313 = arith.subi %add3A_311, %sub3A_312 : i32
        %dma_start3A_314 = arith.constant 0 : i32
        %dma_start3A_315 = tpu.memref_slice %arg8[%sub3A_313, %dma_start3A_314] : memref<80x125xi32, #tpu.memory_space<vmem>> -> memref<1x125xi32, #tpu.memory_space<vmem>>
        %dma_start3A_316 = tpu.memref_squeeze %dma_start3A_315 : memref<1x125xi32, #tpu.memory_space<vmem>> -> memref<125xi32, #tpu.memory_space<vmem>>
        %dma_start3A_317 = arith.constant 0 : i32
        %dma_start3A_318 = arith.constant 0 : i32
        %dma_start3A_319 = tpu.memref_slice %arg2[%dma_start3A_317, %dma_start3A_318] : memref<10000x32xbf16, #tpu.memory_space<hbm>> -> memref<10000x32xbf16, #tpu.memory_space<hbm>>
        tpu.enqueue_indirect_dma source(%dma_start3A_319 : memref<10000x32xbf16, #tpu.memory_space<hbm>>) target(%arg17 : memref<125x32xbf16, #tpu.memory_space<vmem>>) offsets(%dma_start3A_316 : memref<125xi32, #tpu.memory_space<vmem>>) semaphore(%arg25 : memref<!tpu.dma_semaphore, #tpu.memory_space<semaphore_mem>>)
      } else {
      }
      %mul3A_93 = arith.constant 8 : i32
      %mul3A_94 = arith.muli %scan3A_66, %mul3A_93 : i32
      %add3A_95 = arith.constant 1 : i32
      %add3A_96 = arith.addi %mul3A_94, %add3A_95 : i32
      %dma_wait3A_97 = arith.constant 0 : i32
      %dma_wait3A_98 = arith.constant 0 : i32
      %dma_wait3A_99 = tpu.memref_slice %arg8[%dma_wait3A_97, %dma_wait3A_98] : memref<80x125xi32, #tpu.memory_space<vmem>> -> memref<1x125xi32, #tpu.memory_space<vmem>>
      %dma_wait3A_100 = tpu.memref_squeeze %dma_wait3A_99 : memref<1x125xi32, #tpu.memory_space<vmem>> -> memref<125xi32, #tpu.memory_space<vmem>>
      %dma_wait3A_101 = arith.constant 0 : i32
      %dma_wait3A_102 = arith.constant 0 : i32
      %dma_wait3A_103 = tpu.memref_slice %arg2[%dma_wait3A_101, %dma_wait3A_102] : memref<10000x32xbf16, #tpu.memory_space<hbm>> -> memref<10000x32xbf16, #tpu.memory_space<hbm>>
      tpu.wait_indirect_dma semaphore(%arg19 : memref<!tpu.dma_semaphore, #tpu.memory_space<semaphore_mem>>) src(%dma_wait3A_103 : memref<10000x32xbf16, #tpu.memory_space<hbm>>) dst(%arg11 : memref<125x32xbf16, #tpu.memory_space<vmem>>)
      %dma_start3A_104 = arith.constant 0 : i32
      %dma_start3A_105 = tpu.memref_slice %arg9[%add3A_96, %dma_start3A_104] : memref<80x125xi32, #tpu.memory_space<vmem>> -> memref<1x125xi32, #tpu.memory_space<vmem>>
      %dma_start3A_106 = tpu.memref_squeeze %dma_start3A_105 : memref<1x125xi32, #tpu.memory_space<vmem>> -> memref<125xi32, #tpu.memory_space<vmem>>
      %dma_start3A_107 = arith.constant 0 : i32
      %dma_start3A_108 = arith.constant 0 : i32
      %dma_start3A_109 = tpu.memref_slice %arg7[%dma_start3A_107, %dma_start3A_108] : memref<10000x32xbf16, #tpu.memory_space<vmem_shared>> -> memref<10000x32xbf16, #tpu.memory_space<vmem_shared>>
      tpu.enqueue_indirect_dma source(%arg11 : memref<125x32xbf16, #tpu.memory_space<vmem>>) target(%dma_start3A_109 : memref<10000x32xbf16, #tpu.memory_space<vmem_shared>>) offsets(%dma_start3A_106 : memref<125xi32, #tpu.memory_space<vmem>>) semaphore(%arg27 : memref<!tpu.dma_semaphore, #tpu.memory_space<semaphore_mem>>) {add = true}
      %gt3A_110 = arith.constant 0 : i32
      %gt3A_111 = arith.cmpi sgt, %add3A_96, %gt3A_110 : i32
      %convert_element_type3A_112 = arith.extui %gt3A_111 : i1 to i32
      %cond3A_113 = arith.constant 0 : i32
      %cond3A_114 = arith.cmpi ne, %convert_element_type3A_112, %cond3A_113 : i32
      scf.if %cond3A_114 {
        %dma_wait3A_310 = arith.constant 0 : i32
        %dma_wait3A_311 = arith.constant 0 : i32
        %dma_wait3A_312 = tpu.memref_slice %arg9[%dma_wait3A_310, %dma_wait3A_311] : memref<80x125xi32, #tpu.memory_space<vmem>> -> memref<1x125xi32, #tpu.memory_space<vmem>>
        %dma_wait3A_313 = tpu.memref_squeeze %dma_wait3A_312 : memref<1x125xi32, #tpu.memory_space<vmem>> -> memref<125xi32, #tpu.memory_space<vmem>>
        %dma_wait3A_314 = arith.constant 0 : i32
        %dma_wait3A_315 = arith.constant 0 : i32
        %dma_wait3A_316 = tpu.memref_slice %arg7[%dma_wait3A_314, %dma_wait3A_315] : memref<10000x32xbf16, #tpu.memory_space<vmem_shared>> -> memref<10000x32xbf16, #tpu.memory_space<vmem_shared>>
        tpu.wait_indirect_dma semaphore(%arg26 : memref<!tpu.dma_semaphore, #tpu.memory_space<semaphore_mem>>) src(%arg10 : memref<125x32xbf16, #tpu.memory_space<vmem>>) dst(%dma_wait3A_316 : memref<10000x32xbf16, #tpu.memory_space<vmem_shared>>)
      } else {
      }
      %add3A_115 = arith.constant 8 : i32
      %add3A_116 = arith.addi %add3A_96, %add3A_115 : i32
      %sub3A_117 = arith.constant 1 : i32
      %sub3A_118 = arith.subi %add3A_116, %sub3A_117 : i32
      %lt3A_119 = arith.constant 80 : i32
      %lt3A_120 = arith.cmpi slt, %sub3A_118, %lt3A_119 : i32
      %convert_element_type3A_121 = arith.extui %lt3A_120 : i1 to i32
      %cond3A_122 = arith.constant 0 : i32
      %cond3A_123 = arith.cmpi ne, %convert_element_type3A_121, %cond3A_122 : i32
      scf.if %cond3A_123 {
        %add3A_310 = arith.constant 8 : i32
        %add3A_311 = arith.addi %add3A_96, %add3A_310 : i32
        %sub3A_312 = arith.constant 1 : i32
        %sub3A_313 = arith.subi %add3A_311, %sub3A_312 : i32
        %dma_start3A_314 = arith.constant 0 : i32
        %dma_start3A_315 = tpu.memref_slice %arg8[%sub3A_313, %dma_start3A_314] : memref<80x125xi32, #tpu.memory_space<vmem>> -> memref<1x125xi32, #tpu.memory_space<vmem>>
        %dma_start3A_316 = tpu.memref_squeeze %dma_start3A_315 : memref<1x125xi32, #tpu.memory_space<vmem>> -> memref<125xi32, #tpu.memory_space<vmem>>
        %dma_start3A_317 = arith.constant 0 : i32
        %dma_start3A_318 = arith.constant 0 : i32
        %dma_start3A_319 = tpu.memref_slice %arg2[%dma_start3A_317, %dma_start3A_318] : memref<10000x32xbf16, #tpu.memory_space<hbm>> -> memref<10000x32xbf16, #tpu.memory_space<hbm>>
        tpu.enqueue_indirect_dma source(%dma_start3A_319 : memref<10000x32xbf16, #tpu.memory_space<hbm>>) target(%arg10 : memref<125x32xbf16, #tpu.memory_space<vmem>>) offsets(%dma_start3A_316 : memref<125xi32, #tpu.memory_space<vmem>>) semaphore(%arg18 : memref<!tpu.dma_semaphore, #tpu.memory_space<semaphore_mem>>)
      } else {
      }
      %mul3A_124 = arith.constant 8 : i32
      %mul3A_125 = arith.muli %scan3A_66, %mul3A_124 : i32
      %add3A_126 = arith.constant 2 : i32
      %add3A_127 = arith.addi %mul3A_125, %add3A_126 : i32
      %dma_wait3A_128 = arith.constant 0 : i32
      %dma_wait3A_129 = arith.constant 0 : i32
      %dma_wait3A_130 = tpu.memref_slice %arg8[%dma_wait3A_128, %dma_wait3A_129] : memref<80x125xi32, #tpu.memory_space<vmem>> -> memref<1x125xi32, #tpu.memory_space<vmem>>
      %dma_wait3A_131 = tpu.memref_squeeze %dma_wait3A_130 : memref<1x125xi32, #tpu.memory_space<vmem>> -> memref<125xi32, #tpu.memory_space<vmem>>
      %dma_wait3A_132 = arith.constant 0 : i32
      %dma_wait3A_133 = arith.constant 0 : i32
      %dma_wait3A_134 = tpu.memref_slice %arg2[%dma_wait3A_132, %dma_wait3A_133] : memref<10000x32xbf16, #tpu.memory_space<hbm>> -> memref<10000x32xbf16, #tpu.memory_space<hbm>>
      tpu.wait_indirect_dma semaphore(%arg20 : memref<!tpu.dma_semaphore, #tpu.memory_space<semaphore_mem>>) src(%dma_wait3A_134 : memref<10000x32xbf16, #tpu.memory_space<hbm>>) dst(%arg12 : memref<125x32xbf16, #tpu.memory_space<vmem>>)
      %dma_start3A_135 = arith.constant 0 : i32
      %dma_start3A_136 = tpu.memref_slice %arg9[%add3A_127, %dma_start3A_135] : memref<80x125xi32, #tpu.memory_space<vmem>> -> memref<1x125xi32, #tpu.memory_space<vmem>>
      %dma_start3A_137 = tpu.memref_squeeze %dma_start3A_136 : memref<1x125xi32, #tpu.memory_space<vmem>> -> memref<125xi32, #tpu.memory_space<vmem>>
      %dma_start3A_138 = arith.constant 0 : i32
      %dma_start3A_139 = arith.constant 0 : i32
      %dma_start3A_140 = tpu.memref_slice %arg7[%dma_start3A_138, %dma_start3A_139] : memref<10000x32xbf16, #tpu.memory_space<vmem_shared>> -> memref<10000x32xbf16, #tpu.memory_space<vmem_shared>>
      tpu.enqueue_indirect_dma source(%arg12 : memref<125x32xbf16, #tpu.memory_space<vmem>>) target(%dma_start3A_140 : memref<10000x32xbf16, #tpu.memory_space<vmem_shared>>) offsets(%dma_start3A_137 : memref<125xi32, #tpu.memory_space<vmem>>) semaphore(%arg28 : memref<!tpu.dma_semaphore, #tpu.memory_space<semaphore_mem>>) {add = true}
      %gt3A_141 = arith.constant 0 : i32
      %gt3A_142 = arith.cmpi sgt, %add3A_127, %gt3A_141 : i32
      %convert_element_type3A_143 = arith.extui %gt3A_142 : i1 to i32
      %cond3A_144 = arith.constant 0 : i32
      %cond3A_145 = arith.cmpi ne, %convert_element_type3A_143, %cond3A_144 : i32
      scf.if %cond3A_145 {
        %dma_wait3A_310 = arith.constant 0 : i32
        %dma_wait3A_311 = arith.constant 0 : i32
        %dma_wait3A_312 = tpu.memref_slice %arg9[%dma_wait3A_310, %dma_wait3A_311] : memref<80x125xi32, #tpu.memory_space<vmem>> -> memref<1x125xi32, #tpu.memory_space<vmem>>
        %dma_wait3A_313 = tpu.memref_squeeze %dma_wait3A_312 : memref<1x125xi32, #tpu.memory_space<vmem>> -> memref<125xi32, #tpu.memory_space<vmem>>
        %dma_wait3A_314 = arith.constant 0 : i32
        %dma_wait3A_315 = arith.constant 0 : i32
        %dma_wait3A_316 = tpu.memref_slice %arg7[%dma_wait3A_314, %dma_wait3A_315] : memref<10000x32xbf16, #tpu.memory_space<vmem_shared>> -> memref<10000x32xbf16, #tpu.memory_space<vmem_shared>>
        tpu.wait_indirect_dma semaphore(%arg27 : memref<!tpu.dma_semaphore, #tpu.memory_space<semaphore_mem>>) src(%arg11 : memref<125x32xbf16, #tpu.memory_space<vmem>>) dst(%dma_wait3A_316 : memref<10000x32xbf16, #tpu.memory_space<vmem_shared>>)
      } else {
      }
      %add3A_146 = arith.constant 8 : i32
      %add3A_147 = arith.addi %add3A_127, %add3A_146 : i32
      %sub3A_148 = arith.constant 1 : i32
      %sub3A_149 = arith.subi %add3A_147, %sub3A_148 : i32
      %lt3A_150 = arith.constant 80 : i32
      %lt3A_151 = arith.cmpi slt, %sub3A_149, %lt3A_150 : i32
      %convert_element_type3A_152 = arith.extui %lt3A_151 : i1 to i32
      %cond3A_153 = arith.constant 0 : i32
      %cond3A_154 = arith.cmpi ne, %convert_element_type3A_152, %cond3A_153 : i32
      scf.if %cond3A_154 {
        %add3A_310 = arith.constant 8 : i32
        %add3A_311 = arith.addi %add3A_127, %add3A_310 : i32
        %sub3A_312 = arith.constant 1 : i32
        %sub3A_313 = arith.subi %add3A_311, %sub3A_312 : i32
        %dma_start3A_314 = arith.constant 0 : i32
        %dma_start3A_315 = tpu.memref_slice %arg8[%sub3A_313, %dma_start3A_314] : memref<80x125xi32, #tpu.memory_space<vmem>> -> memref<1x125xi32, #tpu.memory_space<vmem>>
        %dma_start3A_316 = tpu.memref_squeeze %dma_start3A_315 : memref<1x125xi32, #tpu.memory_space<vmem>> -> memref<125xi32, #tpu.memory_space<vmem>>
        %dma_start3A_317 = arith.constant 0 : i32
        %dma_start3A_318 = arith.constant 0 : i32
        %dma_start3A_319 = tpu.memref_slice %arg2[%dma_start3A_317, %dma_start3A_318] : memref<10000x32xbf16, #tpu.memory_space<hbm>> -> memref<10000x32xbf16, #tpu.memory_space<hbm>>
        tpu.enqueue_indirect_dma source(%dma_start3A_319 : memref<10000x32xbf16, #tpu.memory_space<hbm>>) target(%arg11 : memref<125x32xbf16, #tpu.memory_space<vmem>>) offsets(%dma_start3A_316 : memref<125xi32, #tpu.memory_space<vmem>>) semaphore(%arg19 : memref<!tpu.dma_semaphore, #tpu.memory_space<semaphore_mem>>)
      } else {
      }
      %mul3A_155 = arith.constant 8 : i32
      %mul3A_156 = arith.muli %scan3A_66, %mul3A_155 : i32
      %add3A_157 = arith.constant 3 : i32
      %add3A_158 = arith.addi %mul3A_156, %add3A_157 : i32
      %dma_wait3A_159 = arith.constant 0 : i32
      %dma_wait3A_160 = arith.constant 0 : i32
      %dma_wait3A_161 = tpu.memref_slice %arg8[%dma_wait3A_159, %dma_wait3A_160] : memref<80x125xi32, #tpu.memory_space<vmem>> -> memref<1x125xi32, #tpu.memory_space<vmem>>
      %dma_wait3A_162 = tpu.memref_squeeze %dma_wait3A_161 : memref<1x125xi32, #tpu.memory_space<vmem>> -> memref<125xi32, #tpu.memory_space<vmem>>
      %dma_wait3A_163 = arith.constant 0 : i32
      %dma_wait3A_164 = arith.constant 0 : i32
      %dma_wait3A_165 = tpu.memref_slice %arg2[%dma_wait3A_163, %dma_wait3A_164] : memref<10000x32xbf16, #tpu.memory_space<hbm>> -> memref<10000x32xbf16, #tpu.memory_space<hbm>>
      tpu.wait_indirect_dma semaphore(%arg21 : memref<!tpu.dma_semaphore, #tpu.memory_space<semaphore_mem>>) src(%dma_wait3A_165 : memref<10000x32xbf16, #tpu.memory_space<hbm>>) dst(%arg13 : memref<125x32xbf16, #tpu.memory_space<vmem>>)
      %dma_start3A_166 = arith.constant 0 : i32
      %dma_start3A_167 = tpu.memref_slice %arg9[%add3A_158, %dma_start3A_166] : memref<80x125xi32, #tpu.memory_space<vmem>> -> memref<1x125xi32, #tpu.memory_space<vmem>>
      %dma_start3A_168 = tpu.memref_squeeze %dma_start3A_167 : memref<1x125xi32, #tpu.memory_space<vmem>> -> memref<125xi32, #tpu.memory_space<vmem>>
      %dma_start3A_169 = arith.constant 0 : i32
      %dma_start3A_170 = arith.constant 0 : i32
      %dma_start3A_171 = tpu.memref_slice %arg7[%dma_start3A_169, %dma_start3A_170] : memref<10000x32xbf16, #tpu.memory_space<vmem_shared>> -> memref<10000x32xbf16, #tpu.memory_space<vmem_shared>>
      tpu.enqueue_indirect_dma source(%arg13 : memref<125x32xbf16, #tpu.memory_space<vmem>>) target(%dma_start3A_171 : memref<10000x32xbf16, #tpu.memory_space<vmem_shared>>) offsets(%dma_start3A_168 : memref<125xi32, #tpu.memory_space<vmem>>) semaphore(%arg29 : memref<!tpu.dma_semaphore, #tpu.memory_space<semaphore_mem>>) {add = true}
      %gt3A_172 = arith.constant 0 : i32
      %gt3A_173 = arith.cmpi sgt, %add3A_158, %gt3A_172 : i32
      %convert_element_type3A_174 = arith.extui %gt3A_173 : i1 to i32
      %cond3A_175 = arith.constant 0 : i32
      %cond3A_176 = arith.cmpi ne, %convert_element_type3A_174, %cond3A_175 : i32
      scf.if %cond3A_176 {
        %dma_wait3A_310 = arith.constant 0 : i32
        %dma_wait3A_311 = arith.constant 0 : i32
        %dma_wait3A_312 = tpu.memref_slice %arg9[%dma_wait3A_310, %dma_wait3A_311] : memref<80x125xi32, #tpu.memory_space<vmem>> -> memref<1x125xi32, #tpu.memory_space<vmem>>
        %dma_wait3A_313 = tpu.memref_squeeze %dma_wait3A_312 : memref<1x125xi32, #tpu.memory_space<vmem>> -> memref<125xi32, #tpu.memory_space<vmem>>
        %dma_wait3A_314 = arith.constant 0 : i32
        %dma_wait3A_315 = arith.constant 0 : i32
        %dma_wait3A_316 = tpu.memref_slice %arg7[%dma_wait3A_314, %dma_wait3A_315] : memref<10000x32xbf16, #tpu.memory_space<vmem_shared>> -> memref<10000x32xbf16, #tpu.memory_space<vmem_shared>>
        tpu.wait_indirect_dma semaphore(%arg28 : memref<!tpu.dma_semaphore, #tpu.memory_space<semaphore_mem>>) src(%arg12 : memref<125x32xbf16, #tpu.memory_space<vmem>>) dst(%dma_wait3A_316 : memref<10000x32xbf16, #tpu.memory_space<vmem_shared>>)
      } else {
      }
      %add3A_177 = arith.constant 8 : i32
      %add3A_178 = arith.addi %add3A_158, %add3A_177 : i32
      %sub3A_179 = arith.constant 1 : i32
      %sub3A_180 = arith.subi %add3A_178, %sub3A_179 : i32
      %lt3A_181 = arith.constant 80 : i32
      %lt3A_182 = arith.cmpi slt, %sub3A_180, %lt3A_181 : i32
      %convert_element_type3A_183 = arith.extui %lt3A_182 : i1 to i32
      %cond3A_184 = arith.constant 0 : i32
      %cond3A_185 = arith.cmpi ne, %convert_element_type3A_183, %cond3A_184 : i32
      scf.if %cond3A_185 {
        %add3A_310 = arith.constant 8 : i32
        %add3A_311 = arith.addi %add3A_158, %add3A_310 : i32
        %sub3A_312 = arith.constant 1 : i32
        %sub3A_313 = arith.subi %add3A_311, %sub3A_312 : i32
        %dma_start3A_314 = arith.constant 0 : i32
        %dma_start3A_315 = tpu.memref_slice %arg8[%sub3A_313, %dma_start3A_314] : memref<80x125xi32, #tpu.memory_space<vmem>> -> memref<1x125xi32, #tpu.memory_space<vmem>>
        %dma_start3A_316 = tpu.memref_squeeze %dma_start3A_315 : memref<1x125xi32, #tpu.memory_space<vmem>> -> memref<125xi32, #tpu.memory_space<vmem>>
        %dma_start3A_317 = arith.constant 0 : i32
        %dma_start3A_318 = arith.constant 0 : i32
        %dma_start3A_319 = tpu.memref_slice %arg2[%dma_start3A_317, %dma_start3A_318] : memref<10000x32xbf16, #tpu.memory_space<hbm>> -> memref<10000x32xbf16, #tpu.memory_space<hbm>>
        tpu.enqueue_indirect_dma source(%dma_start3A_319 : memref<10000x32xbf16, #tpu.memory_space<hbm>>) target(%arg12 : memref<125x32xbf16, #tpu.memory_space<vmem>>) offsets(%dma_start3A_316 : memref<125xi32, #tpu.memory_space<vmem>>) semaphore(%arg20 : memref<!tpu.dma_semaphore, #tpu.memory_space<semaphore_mem>>)
      } else {
      }
      %mul3A_186 = arith.constant 8 : i32
      %mul3A_187 = arith.muli %scan3A_66, %mul3A_186 : i32
      %add3A_188 = arith.constant 4 : i32
      %add3A_189 = arith.addi %mul3A_187, %add3A_188 : i32
      %dma_wait3A_190 = arith.constant 0 : i32
      %dma_wait3A_191 = arith.constant 0 : i32
      %dma_wait3A_192 = tpu.memref_slice %arg8[%dma_wait3A_190, %dma_wait3A_191] : memref<80x125xi32, #tpu.memory_space<vmem>> -> memref<1x125xi32, #tpu.memory_space<vmem>>
      %dma_wait3A_193 = tpu.memref_squeeze %dma_wait3A_192 : memref<1x125xi32, #tpu.memory_space<vmem>> -> memref<125xi32, #tpu.memory_space<vmem>>
      %dma_wait3A_194 = arith.constant 0 : i32
      %dma_wait3A_195 = arith.constant 0 : i32
      %dma_wait3A_196 = tpu.memref_slice %arg2[%dma_wait3A_194, %dma_wait3A_195] : memref<10000x32xbf16, #tpu.memory_space<hbm>> -> memref<10000x32xbf16, #tpu.memory_space<hbm>>
      tpu.wait_indirect_dma semaphore(%arg22 : memref<!tpu.dma_semaphore, #tpu.memory_space<semaphore_mem>>) src(%dma_wait3A_196 : memref<10000x32xbf16, #tpu.memory_space<hbm>>) dst(%arg14 : memref<125x32xbf16, #tpu.memory_space<vmem>>)
      %dma_start3A_197 = arith.constant 0 : i32
      %dma_start3A_198 = tpu.memref_slice %arg9[%add3A_189, %dma_start3A_197] : memref<80x125xi32, #tpu.memory_space<vmem>> -> memref<1x125xi32, #tpu.memory_space<vmem>>
      %dma_start3A_199 = tpu.memref_squeeze %dma_start3A_198 : memref<1x125xi32, #tpu.memory_space<vmem>> -> memref<125xi32, #tpu.memory_space<vmem>>
      %dma_start3A_200 = arith.constant 0 : i32
      %dma_start3A_201 = arith.constant 0 : i32
      %dma_start3A_202 = tpu.memref_slice %arg7[%dma_start3A_200, %dma_start3A_201] : memref<10000x32xbf16, #tpu.memory_space<vmem_shared>> -> memref<10000x32xbf16, #tpu.memory_space<vmem_shared>>
      tpu.enqueue_indirect_dma source(%arg14 : memref<125x32xbf16, #tpu.memory_space<vmem>>) target(%dma_start3A_202 : memref<10000x32xbf16, #tpu.memory_space<vmem_shared>>) offsets(%dma_start3A_199 : memref<125xi32, #tpu.memory_space<vmem>>) semaphore(%arg30 : memref<!tpu.dma_semaphore, #tpu.memory_space<semaphore_mem>>) {add = true}
      %gt3A_203 = arith.constant 0 : i32
      %gt3A_204 = arith.cmpi sgt, %add3A_189, %gt3A_203 : i32
      %convert_element_type3A_205 = arith.extui %gt3A_204 : i1 to i32
      %cond3A_206 = arith.constant 0 : i32
      %cond3A_207 = arith.cmpi ne, %convert_element_type3A_205, %cond3A_206 : i32
      scf.if %cond3A_207 {
        %dma_wait3A_310 = arith.constant 0 : i32
        %dma_wait3A_311 = arith.constant 0 : i32
        %dma_wait3A_312 = tpu.memref_slice %arg9[%dma_wait3A_310, %dma_wait3A_311] : memref<80x125xi32, #tpu.memory_space<vmem>> -> memref<1x125xi32, #tpu.memory_space<vmem>>
        %dma_wait3A_313 = tpu.memref_squeeze %dma_wait3A_312 : memref<1x125xi32, #tpu.memory_space<vmem>> -> memref<125xi32, #tpu.memory_space<vmem>>
        %dma_wait3A_314 = arith.constant 0 : i32
        %dma_wait3A_315 = arith.constant 0 : i32
        %dma_wait3A_316 = tpu.memref_slice %arg7[%dma_wait3A_314, %dma_wait3A_315] : memref<10000x32xbf16, #tpu.memory_space<vmem_shared>> -> memref<10000x32xbf16, #tpu.memory_space<vmem_shared>>
        tpu.wait_indirect_dma semaphore(%arg29 : memref<!tpu.dma_semaphore, #tpu.memory_space<semaphore_mem>>) src(%arg13 : memref<125x32xbf16, #tpu.memory_space<vmem>>) dst(%dma_wait3A_316 : memref<10000x32xbf16, #tpu.memory_space<vmem_shared>>)
      } else {
      }
      %add3A_208 = arith.constant 8 : i32
      %add3A_209 = arith.addi %add3A_189, %add3A_208 : i32
      %sub3A_210 = arith.constant 1 : i32
      %sub3A_211 = arith.subi %add3A_209, %sub3A_210 : i32
      %lt3A_212 = arith.constant 80 : i32
      %lt3A_213 = arith.cmpi slt, %sub3A_211, %lt3A_212 : i32
      %convert_element_type3A_214 = arith.extui %lt3A_213 : i1 to i32
      %cond3A_215 = arith.constant 0 : i32
      %cond3A_216 = arith.cmpi ne, %convert_element_type3A_214, %cond3A_215 : i32
      scf.if %cond3A_216 {
        %add3A_310 = arith.constant 8 : i32
        %add3A_311 = arith.addi %add3A_189, %add3A_310 : i32
        %sub3A_312 = arith.constant 1 : i32
        %sub3A_313 = arith.subi %add3A_311, %sub3A_312 : i32
        %dma_start3A_314 = arith.constant 0 : i32
        %dma_start3A_315 = tpu.memref_slice %arg8[%sub3A_313, %dma_start3A_314] : memref<80x125xi32, #tpu.memory_space<vmem>> -> memref<1x125xi32, #tpu.memory_space<vmem>>
        %dma_start3A_316 = tpu.memref_squeeze %dma_start3A_315 : memref<1x125xi32, #tpu.memory_space<vmem>> -> memref<125xi32, #tpu.memory_space<vmem>>
        %dma_start3A_317 = arith.constant 0 : i32
        %dma_start3A_318 = arith.constant 0 : i32
        %dma_start3A_319 = tpu.memref_slice %arg2[%dma_start3A_317, %dma_start3A_318] : memref<10000x32xbf16, #tpu.memory_space<hbm>> -> memref<10000x32xbf16, #tpu.memory_space<hbm>>
        tpu.enqueue_indirect_dma source(%dma_start3A_319 : memref<10000x32xbf16, #tpu.memory_space<hbm>>) target(%arg13 : memref<125x32xbf16, #tpu.memory_space<vmem>>) offsets(%dma_start3A_316 : memref<125xi32, #tpu.memory_space<vmem>>) semaphore(%arg21 : memref<!tpu.dma_semaphore, #tpu.memory_space<semaphore_mem>>)
      } else {
      }
      %mul3A_217 = arith.constant 8 : i32
      %mul3A_218 = arith.muli %scan3A_66, %mul3A_217 : i32
      %add3A_219 = arith.constant 5 : i32
      %add3A_220 = arith.addi %mul3A_218, %add3A_219 : i32
      %dma_wait3A_221 = arith.constant 0 : i32
      %dma_wait3A_222 = arith.constant 0 : i32
      %dma_wait3A_223 = tpu.memref_slice %arg8[%dma_wait3A_221, %dma_wait3A_222] : memref<80x125xi32, #tpu.memory_space<vmem>> -> memref<1x125xi32, #tpu.memory_space<vmem>>
      %dma_wait3A_224 = tpu.memref_squeeze %dma_wait3A_223 : memref<1x125xi32, #tpu.memory_space<vmem>> -> memref<125xi32, #tpu.memory_space<vmem>>
      %dma_wait3A_225 = arith.constant 0 : i32
      %dma_wait3A_226 = arith.constant 0 : i32
      %dma_wait3A_227 = tpu.memref_slice %arg2[%dma_wait3A_225, %dma_wait3A_226] : memref<10000x32xbf16, #tpu.memory_space<hbm>> -> memref<10000x32xbf16, #tpu.memory_space<hbm>>
      tpu.wait_indirect_dma semaphore(%arg23 : memref<!tpu.dma_semaphore, #tpu.memory_space<semaphore_mem>>) src(%dma_wait3A_227 : memref<10000x32xbf16, #tpu.memory_space<hbm>>) dst(%arg15 : memref<125x32xbf16, #tpu.memory_space<vmem>>)
      %dma_start3A_228 = arith.constant 0 : i32
      %dma_start3A_229 = tpu.memref_slice %arg9[%add3A_220, %dma_start3A_228] : memref<80x125xi32, #tpu.memory_space<vmem>> -> memref<1x125xi32, #tpu.memory_space<vmem>>
      %dma_start3A_230 = tpu.memref_squeeze %dma_start3A_229 : memref<1x125xi32, #tpu.memory_space<vmem>> -> memref<125xi32, #tpu.memory_space<vmem>>
      %dma_start3A_231 = arith.constant 0 : i32
      %dma_start3A_232 = arith.constant 0 : i32
      %dma_start3A_233 = tpu.memref_slice %arg7[%dma_start3A_231, %dma_start3A_232] : memref<10000x32xbf16, #tpu.memory_space<vmem_shared>> -> memref<10000x32xbf16, #tpu.memory_space<vmem_shared>>
      tpu.enqueue_indirect_dma source(%arg15 : memref<125x32xbf16, #tpu.memory_space<vmem>>) target(%dma_start3A_233 : memref<10000x32xbf16, #tpu.memory_space<vmem_shared>>) offsets(%dma_start3A_230 : memref<125xi32, #tpu.memory_space<vmem>>) semaphore(%arg31 : memref<!tpu.dma_semaphore, #tpu.memory_space<semaphore_mem>>) {add = true}
      %gt3A_234 = arith.constant 0 : i32
      %gt3A_235 = arith.cmpi sgt, %add3A_220, %gt3A_234 : i32
      %convert_element_type3A_236 = arith.extui %gt3A_235 : i1 to i32
      %cond3A_237 = arith.constant 0 : i32
      %cond3A_238 = arith.cmpi ne, %convert_element_type3A_236, %cond3A_237 : i32
      scf.if %cond3A_238 {
        %dma_wait3A_310 = arith.constant 0 : i32
        %dma_wait3A_311 = arith.constant 0 : i32
        %dma_wait3A_312 = tpu.memref_slice %arg9[%dma_wait3A_310, %dma_wait3A_311] : memref<80x125xi32, #tpu.memory_space<vmem>> -> memref<1x125xi32, #tpu.memory_space<vmem>>
        %dma_wait3A_313 = tpu.memref_squeeze %dma_wait3A_312 : memref<1x125xi32, #tpu.memory_space<vmem>> -> memref<125xi32, #tpu.memory_space<vmem>>
        %dma_wait3A_314 = arith.constant 0 : i32
        %dma_wait3A_315 = arith.constant 0 : i32
        %dma_wait3A_316 = tpu.memref_slice %arg7[%dma_wait3A_314, %dma_wait3A_315] : memref<10000x32xbf16, #tpu.memory_space<vmem_shared>> -> memref<10000x32xbf16, #tpu.memory_space<vmem_shared>>
        tpu.wait_indirect_dma semaphore(%arg30 : memref<!tpu.dma_semaphore, #tpu.memory_space<semaphore_mem>>) src(%arg14 : memref<125x32xbf16, #tpu.memory_space<vmem>>) dst(%dma_wait3A_316 : memref<10000x32xbf16, #tpu.memory_space<vmem_shared>>)
      } else {
      }
      %add3A_239 = arith.constant 8 : i32
      %add3A_240 = arith.addi %add3A_220, %add3A_239 : i32
      %sub3A_241 = arith.constant 1 : i32
      %sub3A_242 = arith.subi %add3A_240, %sub3A_241 : i32
      %lt3A_243 = arith.constant 80 : i32
      %lt3A_244 = arith.cmpi slt, %sub3A_242, %lt3A_243 : i32
      %convert_element_type3A_245 = arith.extui %lt3A_244 : i1 to i32
      %cond3A_246 = arith.constant 0 : i32
      %cond3A_247 = arith.cmpi ne, %convert_element_type3A_245, %cond3A_246 : i32
      scf.if %cond3A_247 {
        %add3A_310 = arith.constant 8 : i32
        %add3A_311 = arith.addi %add3A_220, %add3A_310 : i32
        %sub3A_312 = arith.constant 1 : i32
        %sub3A_313 = arith.subi %add3A_311, %sub3A_312 : i32
        %dma_start3A_314 = arith.constant 0 : i32
        %dma_start3A_315 = tpu.memref_slice %arg8[%sub3A_313, %dma_start3A_314] : memref<80x125xi32, #tpu.memory_space<vmem>> -> memref<1x125xi32, #tpu.memory_space<vmem>>
        %dma_start3A_316 = tpu.memref_squeeze %dma_start3A_315 : memref<1x125xi32, #tpu.memory_space<vmem>> -> memref<125xi32, #tpu.memory_space<vmem>>
        %dma_start3A_317 = arith.constant 0 : i32
        %dma_start3A_318 = arith.constant 0 : i32
        %dma_start3A_319 = tpu.memref_slice %arg2[%dma_start3A_317, %dma_start3A_318] : memref<10000x32xbf16, #tpu.memory_space<hbm>> -> memref<10000x32xbf16, #tpu.memory_space<hbm>>
        tpu.enqueue_indirect_dma source(%dma_start3A_319 : memref<10000x32xbf16, #tpu.memory_space<hbm>>) target(%arg14 : memref<125x32xbf16, #tpu.memory_space<vmem>>) offsets(%dma_start3A_316 : memref<125xi32, #tpu.memory_space<vmem>>) semaphore(%arg22 : memref<!tpu.dma_semaphore, #tpu.memory_space<semaphore_mem>>)
      } else {
      }
      %mul3A_248 = arith.constant 8 : i32
      %mul3A_249 = arith.muli %scan3A_66, %mul3A_248 : i32
      %add3A_250 = arith.constant 6 : i32
      %add3A_251 = arith.addi %mul3A_249, %add3A_250 : i32
      %dma_wait3A_252 = arith.constant 0 : i32
      %dma_wait3A_253 = arith.constant 0 : i32
      %dma_wait3A_254 = tpu.memref_slice %arg8[%dma_wait3A_252, %dma_wait3A_253] : memref<80x125xi32, #tpu.memory_space<vmem>> -> memref<1x125xi32, #tpu.memory_space<vmem>>
      %dma_wait3A_255 = tpu.memref_squeeze %dma_wait3A_254 : memref<1x125xi32, #tpu.memory_space<vmem>> -> memref<125xi32, #tpu.memory_space<vmem>>
      %dma_wait3A_256 = arith.constant 0 : i32
      %dma_wait3A_257 = arith.constant 0 : i32
      %dma_wait3A_258 = tpu.memref_slice %arg2[%dma_wait3A_256, %dma_wait3A_257] : memref<10000x32xbf16, #tpu.memory_space<hbm>> -> memref<10000x32xbf16, #tpu.memory_space<hbm>>
      tpu.wait_indirect_dma semaphore(%arg24 : memref<!tpu.dma_semaphore, #tpu.memory_space<semaphore_mem>>) src(%dma_wait3A_258 : memref<10000x32xbf16, #tpu.memory_space<hbm>>) dst(%arg16 : memref<125x32xbf16, #tpu.memory_space<vmem>>)
      %dma_start3A_259 = arith.constant 0 : i32
      %dma_start3A_260 = tpu.memref_slice %arg9[%add3A_251, %dma_start3A_259] : memref<80x125xi32, #tpu.memory_space<vmem>> -> memref<1x125xi32, #tpu.memory_space<vmem>>
      %dma_start3A_261 = tpu.memref_squeeze %dma_start3A_260 : memref<1x125xi32, #tpu.memory_space<vmem>> -> memref<125xi32, #tpu.memory_space<vmem>>
      %dma_start3A_262 = arith.constant 0 : i32
      %dma_start3A_263 = arith.constant 0 : i32
      %dma_start3A_264 = tpu.memref_slice %arg7[%dma_start3A_262, %dma_start3A_263] : memref<10000x32xbf16, #tpu.memory_space<vmem_shared>> -> memref<10000x32xbf16, #tpu.memory_space<vmem_shared>>
      tpu.enqueue_indirect_dma source(%arg16 : memref<125x32xbf16, #tpu.memory_space<vmem>>) target(%dma_start3A_264 : memref<10000x32xbf16, #tpu.memory_space<vmem_shared>>) offsets(%dma_start3A_261 : memref<125xi32, #tpu.memory_space<vmem>>) semaphore(%arg32 : memref<!tpu.dma_semaphore, #tpu.memory_space<semaphore_mem>>) {add = true}
      %gt3A_265 = arith.constant 0 : i32
      %gt3A_266 = arith.cmpi sgt, %add3A_251, %gt3A_265 : i32
      %convert_element_type3A_267 = arith.extui %gt3A_266 : i1 to i32
      %cond3A_268 = arith.constant 0 : i32
      %cond3A_269 = arith.cmpi ne, %convert_element_type3A_267, %cond3A_268 : i32
      scf.if %cond3A_269 {
        %dma_wait3A_310 = arith.constant 0 : i32
        %dma_wait3A_311 = arith.constant 0 : i32
        %dma_wait3A_312 = tpu.memref_slice %arg9[%dma_wait3A_310, %dma_wait3A_311] : memref<80x125xi32, #tpu.memory_space<vmem>> -> memref<1x125xi32, #tpu.memory_space<vmem>>
        %dma_wait3A_313 = tpu.memref_squeeze %dma_wait3A_312 : memref<1x125xi32, #tpu.memory_space<vmem>> -> memref<125xi32, #tpu.memory_space<vmem>>
        %dma_wait3A_314 = arith.constant 0 : i32
        %dma_wait3A_315 = arith.constant 0 : i32
        %dma_wait3A_316 = tpu.memref_slice %arg7[%dma_wait3A_314, %dma_wait3A_315] : memref<10000x32xbf16, #tpu.memory_space<vmem_shared>> -> memref<10000x32xbf16, #tpu.memory_space<vmem_shared>>
        tpu.wait_indirect_dma semaphore(%arg31 : memref<!tpu.dma_semaphore, #tpu.memory_space<semaphore_mem>>) src(%arg15 : memref<125x32xbf16, #tpu.memory_space<vmem>>) dst(%dma_wait3A_316 : memref<10000x32xbf16, #tpu.memory_space<vmem_shared>>)
      } else {
      }
      %add3A_270 = arith.constant 8 : i32
      %add3A_271 = arith.addi %add3A_251, %add3A_270 : i32
      %sub3A_272 = arith.constant 1 : i32
      %sub3A_273 = arith.subi %add3A_271, %sub3A_272 : i32
      %lt3A_274 = arith.constant 80 : i32
      %lt3A_275 = arith.cmpi slt, %sub3A_273, %lt3A_274 : i32
      %convert_element_type3A_276 = arith.extui %lt3A_275 : i1 to i32
      %cond3A_277 = arith.constant 0 : i32
      %cond3A_278 = arith.cmpi ne, %convert_element_type3A_276, %cond3A_277 : i32
      scf.if %cond3A_278 {
        %add3A_310 = arith.constant 8 : i32
        %add3A_311 = arith.addi %add3A_251, %add3A_310 : i32
        %sub3A_312 = arith.constant 1 : i32
        %sub3A_313 = arith.subi %add3A_311, %sub3A_312 : i32
        %dma_start3A_314 = arith.constant 0 : i32
        %dma_start3A_315 = tpu.memref_slice %arg8[%sub3A_313, %dma_start3A_314] : memref<80x125xi32, #tpu.memory_space<vmem>> -> memref<1x125xi32, #tpu.memory_space<vmem>>
        %dma_start3A_316 = tpu.memref_squeeze %dma_start3A_315 : memref<1x125xi32, #tpu.memory_space<vmem>> -> memref<125xi32, #tpu.memory_space<vmem>>
        %dma_start3A_317 = arith.constant 0 : i32
        %dma_start3A_318 = arith.constant 0 : i32
        %dma_start3A_319 = tpu.memref_slice %arg2[%dma_start3A_317, %dma_start3A_318] : memref<10000x32xbf16, #tpu.memory_space<hbm>> -> memref<10000x32xbf16, #tpu.memory_space<hbm>>
        tpu.enqueue_indirect_dma source(%dma_start3A_319 : memref<10000x32xbf16, #tpu.memory_space<hbm>>) target(%arg15 : memref<125x32xbf16, #tpu.memory_space<vmem>>) offsets(%dma_start3A_316 : memref<125xi32, #tpu.memory_space<vmem>>) semaphore(%arg23 : memref<!tpu.dma_semaphore, #tpu.memory_space<semaphore_mem>>)
      } else {
      }
      %mul3A_279 = arith.constant 8 : i32
      %mul3A_280 = arith.muli %scan3A_66, %mul3A_279 : i32
      %add3A_281 = arith.constant 7 : i32
      %add3A_282 = arith.addi %mul3A_280, %add3A_281 : i32
      %dma_wait3A_283 = arith.constant 0 : i32
      %dma_wait3A_284 = arith.constant 0 : i32
      %dma_wait3A_285 = tpu.memref_slice %arg8[%dma_wait3A_283, %dma_wait3A_284] : memref<80x125xi32, #tpu.memory_space<vmem>> -> memref<1x125xi32, #tpu.memory_space<vmem>>
      %dma_wait3A_286 = tpu.memref_squeeze %dma_wait3A_285 : memref<1x125xi32, #tpu.memory_space<vmem>> -> memref<125xi32, #tpu.memory_space<vmem>>
      %dma_wait3A_287 = arith.constant 0 : i32
      %dma_wait3A_288 = arith.constant 0 : i32
      %dma_wait3A_289 = tpu.memref_slice %arg2[%dma_wait3A_287, %dma_wait3A_288] : memref<10000x32xbf16, #tpu.memory_space<hbm>> -> memref<10000x32xbf16, #tpu.memory_space<hbm>>
      tpu.wait_indirect_dma semaphore(%arg25 : memref<!tpu.dma_semaphore, #tpu.memory_space<semaphore_mem>>) src(%dma_wait3A_289 : memref<10000x32xbf16, #tpu.memory_space<hbm>>) dst(%arg17 : memref<125x32xbf16, #tpu.memory_space<vmem>>)
      %dma_start3A_290 = arith.constant 0 : i32
      %dma_start3A_291 = tpu.memref_slice %arg9[%add3A_282, %dma_start3A_290] : memref<80x125xi32, #tpu.memory_space<vmem>> -> memref<1x125xi32, #tpu.memory_space<vmem>>
      %dma_start3A_292 = tpu.memref_squeeze %dma_start3A_291 : memref<1x125xi32, #tpu.memory_space<vmem>> -> memref<125xi32, #tpu.memory_space<vmem>>
      %dma_start3A_293 = arith.constant 0 : i32
      %dma_start3A_294 = arith.constant 0 : i32
      %dma_start3A_295 = tpu.memref_slice %arg7[%dma_start3A_293, %dma_start3A_294] : memref<10000x32xbf16, #tpu.memory_space<vmem_shared>> -> memref<10000x32xbf16, #tpu.memory_space<vmem_shared>>
      tpu.enqueue_indirect_dma source(%arg17 : memref<125x32xbf16, #tpu.memory_space<vmem>>) target(%dma_start3A_295 : memref<10000x32xbf16, #tpu.memory_space<vmem_shared>>) offsets(%dma_start3A_292 : memref<125xi32, #tpu.memory_space<vmem>>) semaphore(%arg33 : memref<!tpu.dma_semaphore, #tpu.memory_space<semaphore_mem>>) {add = true}
      %gt3A_296 = arith.constant 0 : i32
      %gt3A_297 = arith.cmpi sgt, %add3A_282, %gt3A_296 : i32
      %convert_element_type3A_298 = arith.extui %gt3A_297 : i1 to i32
      %cond3A_299 = arith.constant 0 : i32
      %cond3A_300 = arith.cmpi ne, %convert_element_type3A_298, %cond3A_299 : i32
      scf.if %cond3A_300 {
        %dma_wait3A_310 = arith.constant 0 : i32
        %dma_wait3A_311 = arith.constant 0 : i32
        %dma_wait3A_312 = tpu.memref_slice %arg9[%dma_wait3A_310, %dma_wait3A_311] : memref<80x125xi32, #tpu.memory_space<vmem>> -> memref<1x125xi32, #tpu.memory_space<vmem>>
        %dma_wait3A_313 = tpu.memref_squeeze %dma_wait3A_312 : memref<1x125xi32, #tpu.memory_space<vmem>> -> memref<125xi32, #tpu.memory_space<vmem>>
        %dma_wait3A_314 = arith.constant 0 : i32
        %dma_wait3A_315 = arith.constant 0 : i32
        %dma_wait3A_316 = tpu.memref_slice %arg7[%dma_wait3A_314, %dma_wait3A_315] : memref<10000x32xbf16, #tpu.memory_space<vmem_shared>> -> memref<10000x32xbf16, #tpu.memory_space<vmem_shared>>
        tpu.wait_indirect_dma semaphore(%arg32 : memref<!tpu.dma_semaphore, #tpu.memory_space<semaphore_mem>>) src(%arg16 : memref<125x32xbf16, #tpu.memory_space<vmem>>) dst(%dma_wait3A_316 : memref<10000x32xbf16, #tpu.memory_space<vmem_shared>>)
      } else {
      }
      %add3A_301 = arith.constant 8 : i32
      %add3A_302 = arith.addi %add3A_282, %add3A_301 : i32
      %sub3A_303 = arith.constant 1 : i32
      %sub3A_304 = arith.subi %add3A_302, %sub3A_303 : i32
      %lt3A_305 = arith.constant 80 : i32
      %lt3A_306 = arith.cmpi slt, %sub3A_304, %lt3A_305 : i32
      %convert_element_type3A_307 = arith.extui %lt3A_306 : i1 to i32
      %cond3A_308 = arith.constant 0 : i32
      %cond3A_309 = arith.cmpi ne, %convert_element_type3A_307, %cond3A_308 : i32
      scf.if %cond3A_309 {
        %add3A_310 = arith.constant 8 : i32
        %add3A_311 = arith.addi %add3A_282, %add3A_310 : i32
        %sub3A_312 = arith.constant 1 : i32
        %sub3A_313 = arith.subi %add3A_311, %sub3A_312 : i32
        %dma_start3A_314 = arith.constant 0 : i32
        %dma_start3A_315 = tpu.memref_slice %arg8[%sub3A_313, %dma_start3A_314] : memref<80x125xi32, #tpu.memory_space<vmem>> -> memref<1x125xi32, #tpu.memory_space<vmem>>
        %dma_start3A_316 = tpu.memref_squeeze %dma_start3A_315 : memref<1x125xi32, #tpu.memory_space<vmem>> -> memref<125xi32, #tpu.memory_space<vmem>>
        %dma_start3A_317 = arith.constant 0 : i32
        %dma_start3A_318 = arith.constant 0 : i32
        %dma_start3A_319 = tpu.memref_slice %arg2[%dma_start3A_317, %dma_start3A_318] : memref<10000x32xbf16, #tpu.memory_space<hbm>> -> memref<10000x32xbf16, #tpu.memory_space<hbm>>
        tpu.enqueue_indirect_dma source(%dma_start3A_319 : memref<10000x32xbf16, #tpu.memory_space<hbm>>) target(%arg16 : memref<125x32xbf16, #tpu.memory_space<vmem>>) offsets(%dma_start3A_316 : memref<125xi32, #tpu.memory_space<vmem>>) semaphore(%arg24 : memref<!tpu.dma_semaphore, #tpu.memory_space<semaphore_mem>>)
      } else {
      }
    }
    %scan3A_55 = arith.constant 10 : i32
    %dma_wait3A = arith.constant 0 : i32
    %dma_wait3A_56 = arith.constant 0 : i32
    %dma_wait3A_57 = tpu.memref_slice %arg9[%dma_wait3A, %dma_wait3A_56] : memref<80x125xi32, #tpu.memory_space<vmem>> -> memref<1x125xi32, #tpu.memory_space<vmem>>
    %dma_wait3A_58 = tpu.memref_squeeze %dma_wait3A_57 : memref<1x125xi32, #tpu.memory_space<vmem>> -> memref<125xi32, #tpu.memory_space<vmem>>
    %dma_wait3A_59 = arith.constant 0 : i32
    %dma_wait3A_60 = arith.constant 0 : i32
    %dma_wait3A_61 = tpu.memref_slice %arg7[%dma_wait3A_59, %dma_wait3A_60] : memref<10000x32xbf16, #tpu.memory_space<vmem_shared>> -> memref<10000x32xbf16, #tpu.memory_space<vmem_shared>>
    tpu.wait_indirect_dma semaphore(%arg33 : memref<!tpu.dma_semaphore, #tpu.memory_space<semaphore_mem>>) src(%arg17 : memref<125x32xbf16, #tpu.memory_space<vmem>>) dst(%dma_wait3A_61 : memref<10000x32xbf16, #tpu.memory_space<vmem_shared>>)
    %barrier3A_62 = arith.constant 0 : index
    tpu.barrier barrier_id(%barrier3A_62)
    %mul3A_63 = arith.constant 10000 : i32
    %mul3A_64 = arith.muli %arg0, %mul3A_63 : i32
    %add3A_65 = arith.addi %mul3A_64, %mul3A_0 : i32
    "tpu.region"() ({
      %run_scoped3A = tpu.sem_alloc : memref<!tpu.dma_semaphore, #tpu.memory_space<semaphore_mem>>
      %dma_start3A_66 = arith.constant 0 : i32
      %dma_start3A_67 = tpu.memref_slice %arg6[%add3A_65, %dma_start3A_66] : memref<20000x32xbf16, #tpu.memory_space<hbm>> -> memref<625x32xbf16, #tpu.memory_space<hbm>>
      %dma_start3A_68 = arith.constant 0 : i32
      %dma_start3A_69 = tpu.memref_slice %arg7[%mul3A_0, %dma_start3A_68] : memref<10000x32xbf16, #tpu.memory_space<vmem_shared>> -> memref<625x32xbf16, #tpu.memory_space<vmem_shared>>
      tpu.enqueue_dma source(%dma_start3A_69 : memref<625x32xbf16, #tpu.memory_space<vmem_shared>>) target(%dma_start3A_67 : memref<625x32xbf16, #tpu.memory_space<hbm>>) target_semaphore(%run_scoped3A : memref<!tpu.dma_semaphore, #tpu.memory_space<semaphore_mem>>)
      %dma_wait3A_70 = arith.constant 0 : i32
      %dma_wait3A_71 = tpu.memref_slice %arg6[%add3A_65, %dma_wait3A_70] : memref<20000x32xbf16, #tpu.memory_space<hbm>> -> memref<625x32xbf16, #tpu.memory_space<hbm>>
      %dma_wait3A_72 = arith.constant 0 : i32
      %dma_wait3A_73 = tpu.memref_slice %arg7[%mul3A_0, %dma_wait3A_72] : memref<10000x32xbf16, #tpu.memory_space<vmem_shared>> -> memref<625x32xbf16, #tpu.memory_space<vmem_shared>>
      tpu.wait_dma2 semaphore(%run_scoped3A : memref<!tpu.dma_semaphore, #tpu.memory_space<semaphore_mem>>) src(%dma_wait3A_73 : memref<625x32xbf16, #tpu.memory_space<vmem_shared>>) dst(%dma_wait3A_71 : memref<625x32xbf16, #tpu.memory_space<hbm>>)
      tpu.yield
    }) : () -> ()
    return
  }
}

#map = affine_map<(d0, d1) -> (0, 0, 0)>
#map1 = affine_map<(d0, d1) -> (0, 0)>
module attributes {stable_mosaic.version = 14 : i64} {
  func.func @deg_kernel(%arg0: i32, %arg1: i32, %arg2: memref<32x80x125xi32, #tpu.memory_space<hbm>>, %arg3: memref<10000x16xf32, #tpu.memory_space<hbm>>, %arg4: memref<125x16xf32, #tpu.memory_space<hbm>>, %arg5: memref<20000x8xf32, #tpu.memory_space<hbm>>, %arg6: memref<10000x16xf32, #tpu.memory_space<vmem_shared>>, %arg7: memref<80x125xi32, #tpu.memory_space<vmem>>, %arg8: memref<125x16xf32, #tpu.memory_space<vmem>>, %arg9: memref<!tpu.dma_semaphore, #tpu.memory_space<semaphore_mem>>) attributes {dimension_semantics = [#tpu.dimension_semantics<core_parallel>, #tpu.dimension_semantics<subcore_parallel>], iteration_bounds = array<i64: 2, 16>, scalar_prefetch = 0 : i64, scratch_operands = 4 : i64, tpu.core_type = #tpu.core_type<sc_vector_subcore>, window_params = [{transform_indices = #map}, {transform_indices = #map1}, {transform_indices = #map1}, {transform_indices = #map1}]} {
    %mul3A = arith.constant 625 : i32
    %mul3A_0 = arith.muli %arg1, %mul3A : i32
    %mul3A_1 = arith.constant 2 : i32
    %mul3A_2 = arith.muli %arg1, %mul3A_1 : i32
    %add3A = arith.addi %mul3A_2, %arg0 : i32
    "tpu.region"() ({
      %run_scoped3A = tpu.sem_alloc : memref<!tpu.dma_semaphore, #tpu.memory_space<semaphore_mem>>
      %dma_start3A = arith.constant 0 : i32
      %dma_start3A_18 = tpu.memref_slice %arg6[%mul3A_0, %dma_start3A] : memref<10000x16xf32, #tpu.memory_space<vmem_shared>> -> memref<625x16xf32, #tpu.memory_space<vmem_shared>>
      %dma_start3A_19 = arith.constant 0 : i32
      %dma_start3A_20 = tpu.memref_slice %arg3[%mul3A_0, %dma_start3A_19] : memref<10000x16xf32, #tpu.memory_space<hbm>> -> memref<625x16xf32, #tpu.memory_space<hbm>>
      tpu.enqueue_dma source(%dma_start3A_20 : memref<625x16xf32, #tpu.memory_space<hbm>>) target(%dma_start3A_18 : memref<625x16xf32, #tpu.memory_space<vmem_shared>>) target_semaphore(%run_scoped3A : memref<!tpu.dma_semaphore, #tpu.memory_space<semaphore_mem>>)
      %dma_wait3A = arith.constant 0 : i32
      %dma_wait3A_21 = tpu.memref_slice %arg6[%mul3A_0, %dma_wait3A] : memref<10000x16xf32, #tpu.memory_space<vmem_shared>> -> memref<625x16xf32, #tpu.memory_space<vmem_shared>>
      %dma_wait3A_22 = arith.constant 0 : i32
      %dma_wait3A_23 = tpu.memref_slice %arg3[%mul3A_0, %dma_wait3A_22] : memref<10000x16xf32, #tpu.memory_space<hbm>> -> memref<625x16xf32, #tpu.memory_space<hbm>>
      tpu.wait_dma2 semaphore(%run_scoped3A : memref<!tpu.dma_semaphore, #tpu.memory_space<semaphore_mem>>) src(%dma_wait3A_23 : memref<625x16xf32, #tpu.memory_space<hbm>>) dst(%dma_wait3A_21 : memref<625x16xf32, #tpu.memory_space<vmem_shared>>)
      tpu.yield
    }) : () -> ()
    "tpu.region"() ({
      %run_scoped3A = tpu.sem_alloc : memref<!tpu.dma_semaphore, #tpu.memory_space<semaphore_mem>>
      %dma_start3A = arith.constant 0 : i32
      %dma_start3A_18 = arith.constant 0 : i32
      %dma_start3A_19 = tpu.memref_slice %arg2[%add3A, %dma_start3A, %dma_start3A_18] : memref<32x80x125xi32, #tpu.memory_space<hbm>> -> memref<1x80x125xi32, #tpu.memory_space<hbm>>
      %dma_start3A_20 = tpu.memref_squeeze %dma_start3A_19 : memref<1x80x125xi32, #tpu.memory_space<hbm>> -> memref<80x125xi32, #tpu.memory_space<hbm>>
      %dma_start3A_21 = arith.constant 0 : i32
      %dma_start3A_22 = arith.constant 0 : i32
      %dma_start3A_23 = tpu.memref_slice %arg2[%add3A, %dma_start3A_21, %dma_start3A_22] : memref<32x80x125xi32, #tpu.memory_space<hbm>> -> memref<1x80x125xi32, #tpu.memory_space<hbm>>
      %dma_start3A_24 = tpu.memref_squeeze %dma_start3A_23 : memref<1x80x125xi32, #tpu.memory_space<hbm>> -> memref<80x125xi32, #tpu.memory_space<hbm>>
      tpu.enqueue_dma source(%dma_start3A_24 : memref<80x125xi32, #tpu.memory_space<hbm>>) target(%arg7 : memref<80x125xi32, #tpu.memory_space<vmem>>) target_semaphore(%run_scoped3A : memref<!tpu.dma_semaphore, #tpu.memory_space<semaphore_mem>>)
      %dma_wait3A = arith.constant 0 : i32
      %dma_wait3A_25 = arith.constant 0 : i32
      %dma_wait3A_26 = tpu.memref_slice %arg2[%add3A, %dma_wait3A, %dma_wait3A_25] : memref<32x80x125xi32, #tpu.memory_space<hbm>> -> memref<1x80x125xi32, #tpu.memory_space<hbm>>
      %dma_wait3A_27 = tpu.memref_squeeze %dma_wait3A_26 : memref<1x80x125xi32, #tpu.memory_space<hbm>> -> memref<80x125xi32, #tpu.memory_space<hbm>>
      %dma_wait3A_28 = arith.constant 0 : i32
      %dma_wait3A_29 = arith.constant 0 : i32
      %dma_wait3A_30 = tpu.memref_slice %arg2[%add3A, %dma_wait3A_28, %dma_wait3A_29] : memref<32x80x125xi32, #tpu.memory_space<hbm>> -> memref<1x80x125xi32, #tpu.memory_space<hbm>>
      %dma_wait3A_31 = tpu.memref_squeeze %dma_wait3A_30 : memref<1x80x125xi32, #tpu.memory_space<hbm>> -> memref<80x125xi32, #tpu.memory_space<hbm>>
      tpu.wait_dma2 semaphore(%run_scoped3A : memref<!tpu.dma_semaphore, #tpu.memory_space<semaphore_mem>>) src(%dma_wait3A_31 : memref<80x125xi32, #tpu.memory_space<hbm>>) dst(%arg7 : memref<80x125xi32, #tpu.memory_space<vmem>>)
      tpu.yield
    }) : () -> ()
    "tpu.region"() ({
      %run_scoped3A = tpu.sem_alloc : memref<!tpu.dma_semaphore, #tpu.memory_space<semaphore_mem>>
      tpu.enqueue_dma source(%arg4 : memref<125x16xf32, #tpu.memory_space<hbm>>) target(%arg8 : memref<125x16xf32, #tpu.memory_space<vmem>>) target_semaphore(%run_scoped3A : memref<!tpu.dma_semaphore, #tpu.memory_space<semaphore_mem>>)
      tpu.wait_dma2 semaphore(%run_scoped3A : memref<!tpu.dma_semaphore, #tpu.memory_space<semaphore_mem>>) src(%arg4 : memref<125x16xf32, #tpu.memory_space<hbm>>) dst(%arg8 : memref<125x16xf32, #tpu.memory_space<vmem>>)
      tpu.yield
    }) : () -> ()
    %barrier3A = arith.constant 0 : index
    tpu.barrier barrier_id(%barrier3A)
    %scan3A = arith.constant 0 : i32
    %scan3A_3 = arith.constant 0 : i32
    %scan3A_4 = arith.constant 80 : i32
    %scan3A_5 = arith.addi %scan3A_3, %scan3A_4 : i32
    %scan3A_6 = arith.constant 1 : i32
    scf.for %scan3A_18 = %scan3A_3 to %scan3A_5 step %scan3A_6  : i32 {
      %dma_start3A = arith.constant 0 : i32
      %dma_start3A_19 = tpu.memref_slice %arg7[%scan3A_18, %dma_start3A] : memref<80x125xi32, #tpu.memory_space<vmem>> -> memref<1x125xi32, #tpu.memory_space<vmem>>
      %dma_start3A_20 = tpu.memref_squeeze %dma_start3A_19 : memref<1x125xi32, #tpu.memory_space<vmem>> -> memref<125xi32, #tpu.memory_space<vmem>>
      %dma_start3A_21 = arith.constant 0 : i32
      %dma_start3A_22 = arith.constant 0 : i32
      %dma_start3A_23 = tpu.memref_slice %arg6[%dma_start3A_21, %dma_start3A_22] : memref<10000x16xf32, #tpu.memory_space<vmem_shared>> -> memref<10000x16xf32, #tpu.memory_space<vmem_shared>>
      tpu.enqueue_indirect_dma source(%arg8 : memref<125x16xf32, #tpu.memory_space<vmem>>) target(%dma_start3A_23 : memref<10000x16xf32, #tpu.memory_space<vmem_shared>>) offsets(%dma_start3A_20 : memref<125xi32, #tpu.memory_space<vmem>>) semaphore(%arg9 : memref<!tpu.dma_semaphore, #tpu.memory_space<semaphore_mem>>) {add = true}
      %ge3A = arith.constant 6 : i32
      %ge3A_24 = arith.cmpi sge, %scan3A_18, %ge3A : i32
      %convert_element_type3A = arith.extui %ge3A_24 : i1 to i32
      %cond3A = arith.constant 0 : i32
      %cond3A_25 = arith.cmpi ne, %convert_element_type3A, %cond3A : i32
      scf.if %cond3A_25 {
        %dma_wait3A = arith.constant 0 : i32
        %dma_wait3A_26 = arith.constant 0 : i32
        %dma_wait3A_27 = tpu.memref_slice %arg7[%dma_wait3A, %dma_wait3A_26] : memref<80x125xi32, #tpu.memory_space<vmem>> -> memref<1x125xi32, #tpu.memory_space<vmem>>
        %dma_wait3A_28 = tpu.memref_squeeze %dma_wait3A_27 : memref<1x125xi32, #tpu.memory_space<vmem>> -> memref<125xi32, #tpu.memory_space<vmem>>
        %dma_wait3A_29 = arith.constant 0 : i32
        %dma_wait3A_30 = arith.constant 0 : i32
        %dma_wait3A_31 = tpu.memref_slice %arg6[%dma_wait3A_29, %dma_wait3A_30] : memref<10000x16xf32, #tpu.memory_space<vmem_shared>> -> memref<10000x16xf32, #tpu.memory_space<vmem_shared>>
        tpu.wait_indirect_dma semaphore(%arg9 : memref<!tpu.dma_semaphore, #tpu.memory_space<semaphore_mem>>) src(%arg8 : memref<125x16xf32, #tpu.memory_space<vmem>>) dst(%dma_wait3A_31 : memref<10000x16xf32, #tpu.memory_space<vmem_shared>>)
      } else {
      }
    }
    %scan3A_7 = arith.constant 80 : i32
    %scan3A_8 = arith.constant 0 : i32
    %scan3A_9 = arith.constant 0 : i32
    %scan3A_10 = arith.constant 6 : i32
    %scan3A_11 = arith.addi %scan3A_9, %scan3A_10 : i32
    %scan3A_12 = arith.constant 1 : i32
    scf.for %scan3A_18 = %scan3A_9 to %scan3A_11 step %scan3A_12  : i32 {
      %dma_wait3A = arith.constant 0 : i32
      %dma_wait3A_19 = arith.constant 0 : i32
      %dma_wait3A_20 = tpu.memref_slice %arg7[%dma_wait3A, %dma_wait3A_19] : memref<80x125xi32, #tpu.memory_space<vmem>> -> memref<1x125xi32, #tpu.memory_space<vmem>>
      %dma_wait3A_21 = tpu.memref_squeeze %dma_wait3A_20 : memref<1x125xi32, #tpu.memory_space<vmem>> -> memref<125xi32, #tpu.memory_space<vmem>>
      %dma_wait3A_22 = arith.constant 0 : i32
      %dma_wait3A_23 = arith.constant 0 : i32
      %dma_wait3A_24 = tpu.memref_slice %arg6[%dma_wait3A_22, %dma_wait3A_23] : memref<10000x16xf32, #tpu.memory_space<vmem_shared>> -> memref<10000x16xf32, #tpu.memory_space<vmem_shared>>
      tpu.wait_indirect_dma semaphore(%arg9 : memref<!tpu.dma_semaphore, #tpu.memory_space<semaphore_mem>>) src(%arg8 : memref<125x16xf32, #tpu.memory_space<vmem>>) dst(%dma_wait3A_24 : memref<10000x16xf32, #tpu.memory_space<vmem_shared>>)
    }
    %scan3A_13 = arith.constant 6 : i32
    %barrier3A_14 = arith.constant 0 : index
    tpu.barrier barrier_id(%barrier3A_14)
    %mul3A_15 = arith.constant 10000 : i32
    %mul3A_16 = arith.muli %arg0, %mul3A_15 : i32
    %add3A_17 = arith.addi %mul3A_16, %mul3A_0 : i32
    "tpu.region"() ({
      %run_scoped3A = tpu.sem_alloc : memref<!tpu.dma_semaphore, #tpu.memory_space<semaphore_mem>>
      %dma_start3A = arith.constant 0 : i32
      %dma_start3A_18 = tpu.memref_slice %arg5[%add3A_17, %dma_start3A] : memref<20000x8xf32, #tpu.memory_space<hbm>> -> memref<625x8xf32, #tpu.memory_space<hbm>>
      %dma_start3A_19 = arith.constant 0 : i32
      %dma_start3A_20 = tpu.memref_slice %arg6[%mul3A_0, %dma_start3A_19] : memref<10000x16xf32, #tpu.memory_space<vmem_shared>> -> memref<625x8xf32, #tpu.memory_space<vmem_shared>>
      tpu.enqueue_dma source(%dma_start3A_20 : memref<625x8xf32, #tpu.memory_space<vmem_shared>>) target(%dma_start3A_18 : memref<625x8xf32, #tpu.memory_space<hbm>>) target_semaphore(%run_scoped3A : memref<!tpu.dma_semaphore, #tpu.memory_space<semaphore_mem>>)
      %dma_wait3A = arith.constant 0 : i32
      %dma_wait3A_21 = tpu.memref_slice %arg5[%add3A_17, %dma_wait3A] : memref<20000x8xf32, #tpu.memory_space<hbm>> -> memref<625x8xf32, #tpu.memory_space<hbm>>
      %dma_wait3A_22 = arith.constant 0 : i32
      %dma_wait3A_23 = tpu.memref_slice %arg6[%mul3A_0, %dma_wait3A_22] : memref<10000x16xf32, #tpu.memory_space<vmem_shared>> -> memref<625x8xf32, #tpu.memory_space<vmem_shared>>
      tpu.wait_dma2 semaphore(%run_scoped3A : memref<!tpu.dma_semaphore, #tpu.memory_space<semaphore_mem>>) src(%dma_wait3A_23 : memref<625x8xf32, #tpu.memory_space<vmem_shared>>) dst(%dma_wait3A_21 : memref<625x8xf32, #tpu.memory_space<hbm>>)
      tpu.yield
    }) : () -> ()
    return
  }
}

#map = affine_map<(d0, d1) -> (0, 0)>
#map1 = affine_map<(d0, d1) -> (0, 0, 0)>
module attributes {stable_mosaic.version = 14 : i64} {
  func.func @agg_kernel(%arg0: i32, %arg1: i32, %arg2: memref<10000x64xbf16, #tpu.memory_space<hbm>>, %arg3: memref<32x80x125xi32, #tpu.memory_space<hbm>>, %arg4: memref<32x80x125xi32, #tpu.memory_space<hbm>>, %arg5: memref<10000x64xbf16, #tpu.memory_space<hbm>>, %arg6: memref<20000x64xbf16, #tpu.memory_space<hbm>>, %arg7: memref<10000x64xbf16, #tpu.memory_space<vmem_shared>>, %arg8: memref<80x125xi32, #tpu.memory_space<vmem>>, %arg9: memref<80x125xi32, #tpu.memory_space<vmem>>, %arg10: memref<125x64xbf16, #tpu.memory_space<vmem>>, %arg11: memref<125x64xbf16, #tpu.memory_space<vmem>>, %arg12: memref<125x64xbf16, #tpu.memory_space<vmem>>, %arg13: memref<125x64xbf16, #tpu.memory_space<vmem>>, %arg14: memref<125x64xbf16, #tpu.memory_space<vmem>>, %arg15: memref<125x64xbf16, #tpu.memory_space<vmem>>, %arg16: memref<125x64xbf16, #tpu.memory_space<vmem>>, %arg17: memref<125x64xbf16, #tpu.memory_space<vmem>>, %arg18: memref<!tpu.dma_semaphore, #tpu.memory_space<semaphore_mem>>, %arg19: memref<!tpu.dma_semaphore, #tpu.memory_space<semaphore_mem>>, %arg20: memref<!tpu.dma_semaphore, #tpu.memory_space<semaphore_mem>>, %arg21: memref<!tpu.dma_semaphore, #tpu.memory_space<semaphore_mem>>, %arg22: memref<!tpu.dma_semaphore, #tpu.memory_space<semaphore_mem>>, %arg23: memref<!tpu.dma_semaphore, #tpu.memory_space<semaphore_mem>>, %arg24: memref<!tpu.dma_semaphore, #tpu.memory_space<semaphore_mem>>, %arg25: memref<!tpu.dma_semaphore, #tpu.memory_space<semaphore_mem>>, %arg26: memref<!tpu.dma_semaphore, #tpu.memory_space<semaphore_mem>>, %arg27: memref<!tpu.dma_semaphore, #tpu.memory_space<semaphore_mem>>, %arg28: memref<!tpu.dma_semaphore, #tpu.memory_space<semaphore_mem>>, %arg29: memref<!tpu.dma_semaphore, #tpu.memory_space<semaphore_mem>>, %arg30: memref<!tpu.dma_semaphore, #tpu.memory_space<semaphore_mem>>, %arg31: memref<!tpu.dma_semaphore, #tpu.memory_space<semaphore_mem>>, %arg32: memref<!tpu.dma_semaphore, #tpu.memory_space<semaphore_mem>>, %arg33: memref<!tpu.dma_semaphore, #tpu.memory_space<semaphore_mem>>) attributes {dimension_semantics = [#tpu.dimension_semantics<core_parallel>, #tpu.dimension_semantics<subcore_parallel>], iteration_bounds = array<i64: 2, 16>, scalar_prefetch = 0 : i64, scratch_operands = 27 : i64, tpu.core_type = #tpu.core_type<sc_vector_subcore>, window_params = [{transform_indices = #map}, {transform_indices = #map1}, {transform_indices = #map1}, {transform_indices = #map}, {transform_indices = #map}]} {
    %mul3A = arith.constant 625 : i32
    %mul3A_0 = arith.muli %arg1, %mul3A : i32
    %mul3A_1 = arith.constant 2 : i32
    %mul3A_2 = arith.muli %arg1, %mul3A_1 : i32
    %add3A = arith.addi %mul3A_2, %arg0 : i32
    "tpu.region"() ({
      %run_scoped3A = tpu.sem_alloc : memref<!tpu.dma_semaphore, #tpu.memory_space<semaphore_mem>>
      %dma_start3A_66 = arith.constant 0 : i32
      %dma_start3A_67 = tpu.memref_slice %arg7[%mul3A_0, %dma_start3A_66] : memref<10000x64xbf16, #tpu.memory_space<vmem_shared>> -> memref<625x64xbf16, #tpu.memory_space<vmem_shared>>
      %dma_start3A_68 = arith.constant 0 : i32
      %dma_start3A_69 = tpu.memref_slice %arg5[%mul3A_0, %dma_start3A_68] : memref<10000x64xbf16, #tpu.memory_space<hbm>> -> memref<625x64xbf16, #tpu.memory_space<hbm>>
      tpu.enqueue_dma source(%dma_start3A_69 : memref<625x64xbf16, #tpu.memory_space<hbm>>) target(%dma_start3A_67 : memref<625x64xbf16, #tpu.memory_space<vmem_shared>>) target_semaphore(%run_scoped3A : memref<!tpu.dma_semaphore, #tpu.memory_space<semaphore_mem>>)
      %dma_wait3A_70 = arith.constant 0 : i32
      %dma_wait3A_71 = tpu.memref_slice %arg7[%mul3A_0, %dma_wait3A_70] : memref<10000x64xbf16, #tpu.memory_space<vmem_shared>> -> memref<625x64xbf16, #tpu.memory_space<vmem_shared>>
      %dma_wait3A_72 = arith.constant 0 : i32
      %dma_wait3A_73 = tpu.memref_slice %arg5[%mul3A_0, %dma_wait3A_72] : memref<10000x64xbf16, #tpu.memory_space<hbm>> -> memref<625x64xbf16, #tpu.memory_space<hbm>>
      tpu.wait_dma2 semaphore(%run_scoped3A : memref<!tpu.dma_semaphore, #tpu.memory_space<semaphore_mem>>) src(%dma_wait3A_73 : memref<625x64xbf16, #tpu.memory_space<hbm>>) dst(%dma_wait3A_71 : memref<625x64xbf16, #tpu.memory_space<vmem_shared>>)
      tpu.yield
    }) : () -> ()
    "tpu.region"() ({
      %run_scoped3A = tpu.sem_alloc : memref<!tpu.dma_semaphore, #tpu.memory_space<semaphore_mem>>
      %dma_start3A_66 = arith.constant 0 : i32
      %dma_start3A_67 = arith.constant 0 : i32
      %dma_start3A_68 = tpu.memref_slice %arg3[%add3A, %dma_start3A_66, %dma_start3A_67] : memref<32x80x125xi32, #tpu.memory_space<hbm>> -> memref<1x80x125xi32, #tpu.memory_space<hbm>>
      %dma_start3A_69 = tpu.memref_squeeze %dma_start3A_68 : memref<1x80x125xi32, #tpu.memory_space<hbm>> -> memref<80x125xi32, #tpu.memory_space<hbm>>
      %dma_start3A_70 = arith.constant 0 : i32
      %dma_start3A_71 = arith.constant 0 : i32
      %dma_start3A_72 = tpu.memref_slice %arg3[%add3A, %dma_start3A_70, %dma_start3A_71] : memref<32x80x125xi32, #tpu.memory_space<hbm>> -> memref<1x80x125xi32, #tpu.memory_space<hbm>>
      %dma_start3A_73 = tpu.memref_squeeze %dma_start3A_72 : memref<1x80x125xi32, #tpu.memory_space<hbm>> -> memref<80x125xi32, #tpu.memory_space<hbm>>
      tpu.enqueue_dma source(%dma_start3A_73 : memref<80x125xi32, #tpu.memory_space<hbm>>) target(%arg8 : memref<80x125xi32, #tpu.memory_space<vmem>>) target_semaphore(%run_scoped3A : memref<!tpu.dma_semaphore, #tpu.memory_space<semaphore_mem>>)
      %dma_wait3A_74 = arith.constant 0 : i32
      %dma_wait3A_75 = arith.constant 0 : i32
      %dma_wait3A_76 = tpu.memref_slice %arg3[%add3A, %dma_wait3A_74, %dma_wait3A_75] : memref<32x80x125xi32, #tpu.memory_space<hbm>> -> memref<1x80x125xi32, #tpu.memory_space<hbm>>
      %dma_wait3A_77 = tpu.memref_squeeze %dma_wait3A_76 : memref<1x80x125xi32, #tpu.memory_space<hbm>> -> memref<80x125xi32, #tpu.memory_space<hbm>>
      %dma_wait3A_78 = arith.constant 0 : i32
      %dma_wait3A_79 = arith.constant 0 : i32
      %dma_wait3A_80 = tpu.memref_slice %arg3[%add3A, %dma_wait3A_78, %dma_wait3A_79] : memref<32x80x125xi32, #tpu.memory_space<hbm>> -> memref<1x80x125xi32, #tpu.memory_space<hbm>>
      %dma_wait3A_81 = tpu.memref_squeeze %dma_wait3A_80 : memref<1x80x125xi32, #tpu.memory_space<hbm>> -> memref<80x125xi32, #tpu.memory_space<hbm>>
      tpu.wait_dma2 semaphore(%run_scoped3A : memref<!tpu.dma_semaphore, #tpu.memory_space<semaphore_mem>>) src(%dma_wait3A_81 : memref<80x125xi32, #tpu.memory_space<hbm>>) dst(%arg8 : memref<80x125xi32, #tpu.memory_space<vmem>>)
      tpu.yield
    }) : () -> ()
    "tpu.region"() ({
      %run_scoped3A = tpu.sem_alloc : memref<!tpu.dma_semaphore, #tpu.memory_space<semaphore_mem>>
      %dma_start3A_66 = arith.constant 0 : i32
      %dma_start3A_67 = arith.constant 0 : i32
      %dma_start3A_68 = tpu.memref_slice %arg4[%add3A, %dma_start3A_66, %dma_start3A_67] : memref<32x80x125xi32, #tpu.memory_space<hbm>> -> memref<1x80x125xi32, #tpu.memory_space<hbm>>
      %dma_start3A_69 = tpu.memref_squeeze %dma_start3A_68 : memref<1x80x125xi32, #tpu.memory_space<hbm>> -> memref<80x125xi32, #tpu.memory_space<hbm>>
      %dma_start3A_70 = arith.constant 0 : i32
      %dma_start3A_71 = arith.constant 0 : i32
      %dma_start3A_72 = tpu.memref_slice %arg4[%add3A, %dma_start3A_70, %dma_start3A_71] : memref<32x80x125xi32, #tpu.memory_space<hbm>> -> memref<1x80x125xi32, #tpu.memory_space<hbm>>
      %dma_start3A_73 = tpu.memref_squeeze %dma_start3A_72 : memref<1x80x125xi32, #tpu.memory_space<hbm>> -> memref<80x125xi32, #tpu.memory_space<hbm>>
      tpu.enqueue_dma source(%dma_start3A_73 : memref<80x125xi32, #tpu.memory_space<hbm>>) target(%arg9 : memref<80x125xi32, #tpu.memory_space<vmem>>) target_semaphore(%run_scoped3A : memref<!tpu.dma_semaphore, #tpu.memory_space<semaphore_mem>>)
      %dma_wait3A_74 = arith.constant 0 : i32
      %dma_wait3A_75 = arith.constant 0 : i32
      %dma_wait3A_76 = tpu.memref_slice %arg4[%add3A, %dma_wait3A_74, %dma_wait3A_75] : memref<32x80x125xi32, #tpu.memory_space<hbm>> -> memref<1x80x125xi32, #tpu.memory_space<hbm>>
      %dma_wait3A_77 = tpu.memref_squeeze %dma_wait3A_76 : memref<1x80x125xi32, #tpu.memory_space<hbm>> -> memref<80x125xi32, #tpu.memory_space<hbm>>
      %dma_wait3A_78 = arith.constant 0 : i32
      %dma_wait3A_79 = arith.constant 0 : i32
      %dma_wait3A_80 = tpu.memref_slice %arg4[%add3A, %dma_wait3A_78, %dma_wait3A_79] : memref<32x80x125xi32, #tpu.memory_space<hbm>> -> memref<1x80x125xi32, #tpu.memory_space<hbm>>
      %dma_wait3A_81 = tpu.memref_squeeze %dma_wait3A_80 : memref<1x80x125xi32, #tpu.memory_space<hbm>> -> memref<80x125xi32, #tpu.memory_space<hbm>>
      tpu.wait_dma2 semaphore(%run_scoped3A : memref<!tpu.dma_semaphore, #tpu.memory_space<semaphore_mem>>) src(%dma_wait3A_81 : memref<80x125xi32, #tpu.memory_space<hbm>>) dst(%arg9 : memref<80x125xi32, #tpu.memory_space<vmem>>)
      tpu.yield
    }) : () -> ()
    %barrier3A = arith.constant 0 : index
    tpu.barrier barrier_id(%barrier3A)
    %dma_start3A = arith.constant 0 : i32
    %dma_start3A_3 = arith.constant 0 : i32
    %dma_start3A_4 = tpu.memref_slice %arg8[%dma_start3A, %dma_start3A_3] : memref<80x125xi32, #tpu.memory_space<vmem>> -> memref<1x125xi32, #tpu.memory_space<vmem>>
    %dma_start3A_5 = tpu.memref_squeeze %dma_start3A_4 : memref<1x125xi32, #tpu.memory_space<vmem>> -> memref<125xi32, #tpu.memory_space<vmem>>
    %dma_start3A_6 = arith.constant 0 : i32
    %dma_start3A_7 = arith.constant 0 : i32
    %dma_start3A_8 = tpu.memref_slice %arg2[%dma_start3A_6, %dma_start3A_7] : memref<10000x64xbf16, #tpu.memory_space<hbm>> -> memref<10000x64xbf16, #tpu.memory_space<hbm>>
    tpu.enqueue_indirect_dma source(%dma_start3A_8 : memref<10000x64xbf16, #tpu.memory_space<hbm>>) target(%arg10 : memref<125x64xbf16, #tpu.memory_space<vmem>>) offsets(%dma_start3A_5 : memref<125xi32, #tpu.memory_space<vmem>>) semaphore(%arg18 : memref<!tpu.dma_semaphore, #tpu.memory_space<semaphore_mem>>)
    %dma_start3A_9 = arith.constant 1 : i32
    %dma_start3A_10 = arith.constant 0 : i32
    %dma_start3A_11 = tpu.memref_slice %arg8[%dma_start3A_9, %dma_start3A_10] : memref<80x125xi32, #tpu.memory_space<vmem>> -> memref<1x125xi32, #tpu.memory_space<vmem>>
    %dma_start3A_12 = tpu.memref_squeeze %dma_start3A_11 : memref<1x125xi32, #tpu.memory_space<vmem>> -> memref<125xi32, #tpu.memory_space<vmem>>
    %dma_start3A_13 = arith.constant 0 : i32
    %dma_start3A_14 = arith.constant 0 : i32
    %dma_start3A_15 = tpu.memref_slice %arg2[%dma_start3A_13, %dma_start3A_14] : memref<10000x64xbf16, #tpu.memory_space<hbm>> -> memref<10000x64xbf16, #tpu.memory_space<hbm>>
    tpu.enqueue_indirect_dma source(%dma_start3A_15 : memref<10000x64xbf16, #tpu.memory_space<hbm>>) target(%arg11 : memref<125x64xbf16, #tpu.memory_space<vmem>>) offsets(%dma_start3A_12 : memref<125xi32, #tpu.memory_space<vmem>>) semaphore(%arg19 : memref<!tpu.dma_semaphore, #tpu.memory_space<semaphore_mem>>)
    %dma_start3A_16 = arith.constant 2 : i32
    %dma_start3A_17 = arith.constant 0 : i32
    %dma_start3A_18 = tpu.memref_slice %arg8[%dma_start3A_16, %dma_start3A_17] : memref<80x125xi32, #tpu.memory_space<vmem>> -> memref<1x125xi32, #tpu.memory_space<vmem>>
    %dma_start3A_19 = tpu.memref_squeeze %dma_start3A_18 : memref<1x125xi32, #tpu.memory_space<vmem>> -> memref<125xi32, #tpu.memory_space<vmem>>
    %dma_start3A_20 = arith.constant 0 : i32
    %dma_start3A_21 = arith.constant 0 : i32
    %dma_start3A_22 = tpu.memref_slice %arg2[%dma_start3A_20, %dma_start3A_21] : memref<10000x64xbf16, #tpu.memory_space<hbm>> -> memref<10000x64xbf16, #tpu.memory_space<hbm>>
    tpu.enqueue_indirect_dma source(%dma_start3A_22 : memref<10000x64xbf16, #tpu.memory_space<hbm>>) target(%arg12 : memref<125x64xbf16, #tpu.memory_space<vmem>>) offsets(%dma_start3A_19 : memref<125xi32, #tpu.memory_space<vmem>>) semaphore(%arg20 : memref<!tpu.dma_semaphore, #tpu.memory_space<semaphore_mem>>)
    %dma_start3A_23 = arith.constant 3 : i32
    %dma_start3A_24 = arith.constant 0 : i32
    %dma_start3A_25 = tpu.memref_slice %arg8[%dma_start3A_23, %dma_start3A_24] : memref<80x125xi32, #tpu.memory_space<vmem>> -> memref<1x125xi32, #tpu.memory_space<vmem>>
    %dma_start3A_26 = tpu.memref_squeeze %dma_start3A_25 : memref<1x125xi32, #tpu.memory_space<vmem>> -> memref<125xi32, #tpu.memory_space<vmem>>
    %dma_start3A_27 = arith.constant 0 : i32
    %dma_start3A_28 = arith.constant 0 : i32
    %dma_start3A_29 = tpu.memref_slice %arg2[%dma_start3A_27, %dma_start3A_28] : memref<10000x64xbf16, #tpu.memory_space<hbm>> -> memref<10000x64xbf16, #tpu.memory_space<hbm>>
    tpu.enqueue_indirect_dma source(%dma_start3A_29 : memref<10000x64xbf16, #tpu.memory_space<hbm>>) target(%arg13 : memref<125x64xbf16, #tpu.memory_space<vmem>>) offsets(%dma_start3A_26 : memref<125xi32, #tpu.memory_space<vmem>>) semaphore(%arg21 : memref<!tpu.dma_semaphore, #tpu.memory_space<semaphore_mem>>)
    %dma_start3A_30 = arith.constant 4 : i32
    %dma_start3A_31 = arith.constant 0 : i32
    %dma_start3A_32 = tpu.memref_slice %arg8[%dma_start3A_30, %dma_start3A_31] : memref<80x125xi32, #tpu.memory_space<vmem>> -> memref<1x125xi32, #tpu.memory_space<vmem>>
    %dma_start3A_33 = tpu.memref_squeeze %dma_start3A_32 : memref<1x125xi32, #tpu.memory_space<vmem>> -> memref<125xi32, #tpu.memory_space<vmem>>
    %dma_start3A_34 = arith.constant 0 : i32
    %dma_start3A_35 = arith.constant 0 : i32
    %dma_start3A_36 = tpu.memref_slice %arg2[%dma_start3A_34, %dma_start3A_35] : memref<10000x64xbf16, #tpu.memory_space<hbm>> -> memref<10000x64xbf16, #tpu.memory_space<hbm>>
    tpu.enqueue_indirect_dma source(%dma_start3A_36 : memref<10000x64xbf16, #tpu.memory_space<hbm>>) target(%arg14 : memref<125x64xbf16, #tpu.memory_space<vmem>>) offsets(%dma_start3A_33 : memref<125xi32, #tpu.memory_space<vmem>>) semaphore(%arg22 : memref<!tpu.dma_semaphore, #tpu.memory_space<semaphore_mem>>)
    %dma_start3A_37 = arith.constant 5 : i32
    %dma_start3A_38 = arith.constant 0 : i32
    %dma_start3A_39 = tpu.memref_slice %arg8[%dma_start3A_37, %dma_start3A_38] : memref<80x125xi32, #tpu.memory_space<vmem>> -> memref<1x125xi32, #tpu.memory_space<vmem>>
    %dma_start3A_40 = tpu.memref_squeeze %dma_start3A_39 : memref<1x125xi32, #tpu.memory_space<vmem>> -> memref<125xi32, #tpu.memory_space<vmem>>
    %dma_start3A_41 = arith.constant 0 : i32
    %dma_start3A_42 = arith.constant 0 : i32
    %dma_start3A_43 = tpu.memref_slice %arg2[%dma_start3A_41, %dma_start3A_42] : memref<10000x64xbf16, #tpu.memory_space<hbm>> -> memref<10000x64xbf16, #tpu.memory_space<hbm>>
    tpu.enqueue_indirect_dma source(%dma_start3A_43 : memref<10000x64xbf16, #tpu.memory_space<hbm>>) target(%arg15 : memref<125x64xbf16, #tpu.memory_space<vmem>>) offsets(%dma_start3A_40 : memref<125xi32, #tpu.memory_space<vmem>>) semaphore(%arg23 : memref<!tpu.dma_semaphore, #tpu.memory_space<semaphore_mem>>)
    %dma_start3A_44 = arith.constant 6 : i32
    %dma_start3A_45 = arith.constant 0 : i32
    %dma_start3A_46 = tpu.memref_slice %arg8[%dma_start3A_44, %dma_start3A_45] : memref<80x125xi32, #tpu.memory_space<vmem>> -> memref<1x125xi32, #tpu.memory_space<vmem>>
    %dma_start3A_47 = tpu.memref_squeeze %dma_start3A_46 : memref<1x125xi32, #tpu.memory_space<vmem>> -> memref<125xi32, #tpu.memory_space<vmem>>
    %dma_start3A_48 = arith.constant 0 : i32
    %dma_start3A_49 = arith.constant 0 : i32
    %dma_start3A_50 = tpu.memref_slice %arg2[%dma_start3A_48, %dma_start3A_49] : memref<10000x64xbf16, #tpu.memory_space<hbm>> -> memref<10000x64xbf16, #tpu.memory_space<hbm>>
    tpu.enqueue_indirect_dma source(%dma_start3A_50 : memref<10000x64xbf16, #tpu.memory_space<hbm>>) target(%arg16 : memref<125x64xbf16, #tpu.memory_space<vmem>>) offsets(%dma_start3A_47 : memref<125xi32, #tpu.memory_space<vmem>>) semaphore(%arg24 : memref<!tpu.dma_semaphore, #tpu.memory_space<semaphore_mem>>)
    %scan3A = arith.constant 0 : i32
    %scan3A_51 = arith.constant 0 : i32
    %scan3A_52 = arith.constant 10 : i32
    %scan3A_53 = arith.addi %scan3A_51, %scan3A_52 : i32
    %scan3A_54 = arith.constant 1 : i32
    scf.for %scan3A_66 = %scan3A_51 to %scan3A_53 step %scan3A_54  : i32 {
      %mul3A_67 = arith.constant 8 : i32
      %mul3A_68 = arith.muli %scan3A_66, %mul3A_67 : i32
      %add3A_69 = arith.constant 0 : i32
      %add3A_70 = arith.addi %mul3A_68, %add3A_69 : i32
      %dma_wait3A_71 = arith.constant 0 : i32
      %dma_wait3A_72 = arith.constant 0 : i32
      %dma_wait3A_73 = tpu.memref_slice %arg8[%dma_wait3A_71, %dma_wait3A_72] : memref<80x125xi32, #tpu.memory_space<vmem>> -> memref<1x125xi32, #tpu.memory_space<vmem>>
      %dma_wait3A_74 = tpu.memref_squeeze %dma_wait3A_73 : memref<1x125xi32, #tpu.memory_space<vmem>> -> memref<125xi32, #tpu.memory_space<vmem>>
      %dma_wait3A_75 = arith.constant 0 : i32
      %dma_wait3A_76 = arith.constant 0 : i32
      %dma_wait3A_77 = tpu.memref_slice %arg2[%dma_wait3A_75, %dma_wait3A_76] : memref<10000x64xbf16, #tpu.memory_space<hbm>> -> memref<10000x64xbf16, #tpu.memory_space<hbm>>
      tpu.wait_indirect_dma semaphore(%arg18 : memref<!tpu.dma_semaphore, #tpu.memory_space<semaphore_mem>>) src(%dma_wait3A_77 : memref<10000x64xbf16, #tpu.memory_space<hbm>>) dst(%arg10 : memref<125x64xbf16, #tpu.memory_space<vmem>>)
      %dma_start3A_78 = arith.constant 0 : i32
      %dma_start3A_79 = tpu.memref_slice %arg9[%add3A_70, %dma_start3A_78] : memref<80x125xi32, #tpu.memory_space<vmem>> -> memref<1x125xi32, #tpu.memory_space<vmem>>
      %dma_start3A_80 = tpu.memref_squeeze %dma_start3A_79 : memref<1x125xi32, #tpu.memory_space<vmem>> -> memref<125xi32, #tpu.memory_space<vmem>>
      %dma_start3A_81 = arith.constant 0 : i32
      %dma_start3A_82 = arith.constant 0 : i32
      %dma_start3A_83 = tpu.memref_slice %arg7[%dma_start3A_81, %dma_start3A_82] : memref<10000x64xbf16, #tpu.memory_space<vmem_shared>> -> memref<10000x64xbf16, #tpu.memory_space<vmem_shared>>
      tpu.enqueue_indirect_dma source(%arg10 : memref<125x64xbf16, #tpu.memory_space<vmem>>) target(%dma_start3A_83 : memref<10000x64xbf16, #tpu.memory_space<vmem_shared>>) offsets(%dma_start3A_80 : memref<125xi32, #tpu.memory_space<vmem>>) semaphore(%arg26 : memref<!tpu.dma_semaphore, #tpu.memory_space<semaphore_mem>>) {add = true}
      %gt3A = arith.constant 0 : i32
      %gt3A_84 = arith.cmpi sgt, %add3A_70, %gt3A : i32
      %convert_element_type3A = arith.extui %gt3A_84 : i1 to i32
      %cond3A = arith.constant 0 : i32
      %cond3A_85 = arith.cmpi ne, %convert_element_type3A, %cond3A : i32
      scf.if %cond3A_85 {
        %dma_wait3A_310 = arith.constant 0 : i32
        %dma_wait3A_311 = arith.constant 0 : i32
        %dma_wait3A_312 = tpu.memref_slice %arg9[%dma_wait3A_310, %dma_wait3A_311] : memref<80x125xi32, #tpu.memory_space<vmem>> -> memref<1x125xi32, #tpu.memory_space<vmem>>
        %dma_wait3A_313 = tpu.memref_squeeze %dma_wait3A_312 : memref<1x125xi32, #tpu.memory_space<vmem>> -> memref<125xi32, #tpu.memory_space<vmem>>
        %dma_wait3A_314 = arith.constant 0 : i32
        %dma_wait3A_315 = arith.constant 0 : i32
        %dma_wait3A_316 = tpu.memref_slice %arg7[%dma_wait3A_314, %dma_wait3A_315] : memref<10000x64xbf16, #tpu.memory_space<vmem_shared>> -> memref<10000x64xbf16, #tpu.memory_space<vmem_shared>>
        tpu.wait_indirect_dma semaphore(%arg33 : memref<!tpu.dma_semaphore, #tpu.memory_space<semaphore_mem>>) src(%arg17 : memref<125x64xbf16, #tpu.memory_space<vmem>>) dst(%dma_wait3A_316 : memref<10000x64xbf16, #tpu.memory_space<vmem_shared>>)
      } else {
      }
      %add3A_86 = arith.constant 8 : i32
      %add3A_87 = arith.addi %add3A_70, %add3A_86 : i32
      %sub3A = arith.constant 1 : i32
      %sub3A_88 = arith.subi %add3A_87, %sub3A : i32
      %lt3A = arith.constant 80 : i32
      %lt3A_89 = arith.cmpi slt, %sub3A_88, %lt3A : i32
      %convert_element_type3A_90 = arith.extui %lt3A_89 : i1 to i32
      %cond3A_91 = arith.constant 0 : i32
      %cond3A_92 = arith.cmpi ne, %convert_element_type3A_90, %cond3A_91 : i32
      scf.if %cond3A_92 {
        %add3A_310 = arith.constant 8 : i32
        %add3A_311 = arith.addi %add3A_70, %add3A_310 : i32
        %sub3A_312 = arith.constant 1 : i32
        %sub3A_313 = arith.subi %add3A_311, %sub3A_312 : i32
        %dma_start3A_314 = arith.constant 0 : i32
        %dma_start3A_315 = tpu.memref_slice %arg8[%sub3A_313, %dma_start3A_314] : memref<80x125xi32, #tpu.memory_space<vmem>> -> memref<1x125xi32, #tpu.memory_space<vmem>>
        %dma_start3A_316 = tpu.memref_squeeze %dma_start3A_315 : memref<1x125xi32, #tpu.memory_space<vmem>> -> memref<125xi32, #tpu.memory_space<vmem>>
        %dma_start3A_317 = arith.constant 0 : i32
        %dma_start3A_318 = arith.constant 0 : i32
        %dma_start3A_319 = tpu.memref_slice %arg2[%dma_start3A_317, %dma_start3A_318] : memref<10000x64xbf16, #tpu.memory_space<hbm>> -> memref<10000x64xbf16, #tpu.memory_space<hbm>>
        tpu.enqueue_indirect_dma source(%dma_start3A_319 : memref<10000x64xbf16, #tpu.memory_space<hbm>>) target(%arg17 : memref<125x64xbf16, #tpu.memory_space<vmem>>) offsets(%dma_start3A_316 : memref<125xi32, #tpu.memory_space<vmem>>) semaphore(%arg25 : memref<!tpu.dma_semaphore, #tpu.memory_space<semaphore_mem>>)
      } else {
      }
      %mul3A_93 = arith.constant 8 : i32
      %mul3A_94 = arith.muli %scan3A_66, %mul3A_93 : i32
      %add3A_95 = arith.constant 1 : i32
      %add3A_96 = arith.addi %mul3A_94, %add3A_95 : i32
      %dma_wait3A_97 = arith.constant 0 : i32
      %dma_wait3A_98 = arith.constant 0 : i32
      %dma_wait3A_99 = tpu.memref_slice %arg8[%dma_wait3A_97, %dma_wait3A_98] : memref<80x125xi32, #tpu.memory_space<vmem>> -> memref<1x125xi32, #tpu.memory_space<vmem>>
      %dma_wait3A_100 = tpu.memref_squeeze %dma_wait3A_99 : memref<1x125xi32, #tpu.memory_space<vmem>> -> memref<125xi32, #tpu.memory_space<vmem>>
      %dma_wait3A_101 = arith.constant 0 : i32
      %dma_wait3A_102 = arith.constant 0 : i32
      %dma_wait3A_103 = tpu.memref_slice %arg2[%dma_wait3A_101, %dma_wait3A_102] : memref<10000x64xbf16, #tpu.memory_space<hbm>> -> memref<10000x64xbf16, #tpu.memory_space<hbm>>
      tpu.wait_indirect_dma semaphore(%arg19 : memref<!tpu.dma_semaphore, #tpu.memory_space<semaphore_mem>>) src(%dma_wait3A_103 : memref<10000x64xbf16, #tpu.memory_space<hbm>>) dst(%arg11 : memref<125x64xbf16, #tpu.memory_space<vmem>>)
      %dma_start3A_104 = arith.constant 0 : i32
      %dma_start3A_105 = tpu.memref_slice %arg9[%add3A_96, %dma_start3A_104] : memref<80x125xi32, #tpu.memory_space<vmem>> -> memref<1x125xi32, #tpu.memory_space<vmem>>
      %dma_start3A_106 = tpu.memref_squeeze %dma_start3A_105 : memref<1x125xi32, #tpu.memory_space<vmem>> -> memref<125xi32, #tpu.memory_space<vmem>>
      %dma_start3A_107 = arith.constant 0 : i32
      %dma_start3A_108 = arith.constant 0 : i32
      %dma_start3A_109 = tpu.memref_slice %arg7[%dma_start3A_107, %dma_start3A_108] : memref<10000x64xbf16, #tpu.memory_space<vmem_shared>> -> memref<10000x64xbf16, #tpu.memory_space<vmem_shared>>
      tpu.enqueue_indirect_dma source(%arg11 : memref<125x64xbf16, #tpu.memory_space<vmem>>) target(%dma_start3A_109 : memref<10000x64xbf16, #tpu.memory_space<vmem_shared>>) offsets(%dma_start3A_106 : memref<125xi32, #tpu.memory_space<vmem>>) semaphore(%arg27 : memref<!tpu.dma_semaphore, #tpu.memory_space<semaphore_mem>>) {add = true}
      %gt3A_110 = arith.constant 0 : i32
      %gt3A_111 = arith.cmpi sgt, %add3A_96, %gt3A_110 : i32
      %convert_element_type3A_112 = arith.extui %gt3A_111 : i1 to i32
      %cond3A_113 = arith.constant 0 : i32
      %cond3A_114 = arith.cmpi ne, %convert_element_type3A_112, %cond3A_113 : i32
      scf.if %cond3A_114 {
        %dma_wait3A_310 = arith.constant 0 : i32
        %dma_wait3A_311 = arith.constant 0 : i32
        %dma_wait3A_312 = tpu.memref_slice %arg9[%dma_wait3A_310, %dma_wait3A_311] : memref<80x125xi32, #tpu.memory_space<vmem>> -> memref<1x125xi32, #tpu.memory_space<vmem>>
        %dma_wait3A_313 = tpu.memref_squeeze %dma_wait3A_312 : memref<1x125xi32, #tpu.memory_space<vmem>> -> memref<125xi32, #tpu.memory_space<vmem>>
        %dma_wait3A_314 = arith.constant 0 : i32
        %dma_wait3A_315 = arith.constant 0 : i32
        %dma_wait3A_316 = tpu.memref_slice %arg7[%dma_wait3A_314, %dma_wait3A_315] : memref<10000x64xbf16, #tpu.memory_space<vmem_shared>> -> memref<10000x64xbf16, #tpu.memory_space<vmem_shared>>
        tpu.wait_indirect_dma semaphore(%arg26 : memref<!tpu.dma_semaphore, #tpu.memory_space<semaphore_mem>>) src(%arg10 : memref<125x64xbf16, #tpu.memory_space<vmem>>) dst(%dma_wait3A_316 : memref<10000x64xbf16, #tpu.memory_space<vmem_shared>>)
      } else {
      }
      %add3A_115 = arith.constant 8 : i32
      %add3A_116 = arith.addi %add3A_96, %add3A_115 : i32
      %sub3A_117 = arith.constant 1 : i32
      %sub3A_118 = arith.subi %add3A_116, %sub3A_117 : i32
      %lt3A_119 = arith.constant 80 : i32
      %lt3A_120 = arith.cmpi slt, %sub3A_118, %lt3A_119 : i32
      %convert_element_type3A_121 = arith.extui %lt3A_120 : i1 to i32
      %cond3A_122 = arith.constant 0 : i32
      %cond3A_123 = arith.cmpi ne, %convert_element_type3A_121, %cond3A_122 : i32
      scf.if %cond3A_123 {
        %add3A_310 = arith.constant 8 : i32
        %add3A_311 = arith.addi %add3A_96, %add3A_310 : i32
        %sub3A_312 = arith.constant 1 : i32
        %sub3A_313 = arith.subi %add3A_311, %sub3A_312 : i32
        %dma_start3A_314 = arith.constant 0 : i32
        %dma_start3A_315 = tpu.memref_slice %arg8[%sub3A_313, %dma_start3A_314] : memref<80x125xi32, #tpu.memory_space<vmem>> -> memref<1x125xi32, #tpu.memory_space<vmem>>
        %dma_start3A_316 = tpu.memref_squeeze %dma_start3A_315 : memref<1x125xi32, #tpu.memory_space<vmem>> -> memref<125xi32, #tpu.memory_space<vmem>>
        %dma_start3A_317 = arith.constant 0 : i32
        %dma_start3A_318 = arith.constant 0 : i32
        %dma_start3A_319 = tpu.memref_slice %arg2[%dma_start3A_317, %dma_start3A_318] : memref<10000x64xbf16, #tpu.memory_space<hbm>> -> memref<10000x64xbf16, #tpu.memory_space<hbm>>
        tpu.enqueue_indirect_dma source(%dma_start3A_319 : memref<10000x64xbf16, #tpu.memory_space<hbm>>) target(%arg10 : memref<125x64xbf16, #tpu.memory_space<vmem>>) offsets(%dma_start3A_316 : memref<125xi32, #tpu.memory_space<vmem>>) semaphore(%arg18 : memref<!tpu.dma_semaphore, #tpu.memory_space<semaphore_mem>>)
      } else {
      }
      %mul3A_124 = arith.constant 8 : i32
      %mul3A_125 = arith.muli %scan3A_66, %mul3A_124 : i32
      %add3A_126 = arith.constant 2 : i32
      %add3A_127 = arith.addi %mul3A_125, %add3A_126 : i32
      %dma_wait3A_128 = arith.constant 0 : i32
      %dma_wait3A_129 = arith.constant 0 : i32
      %dma_wait3A_130 = tpu.memref_slice %arg8[%dma_wait3A_128, %dma_wait3A_129] : memref<80x125xi32, #tpu.memory_space<vmem>> -> memref<1x125xi32, #tpu.memory_space<vmem>>
      %dma_wait3A_131 = tpu.memref_squeeze %dma_wait3A_130 : memref<1x125xi32, #tpu.memory_space<vmem>> -> memref<125xi32, #tpu.memory_space<vmem>>
      %dma_wait3A_132 = arith.constant 0 : i32
      %dma_wait3A_133 = arith.constant 0 : i32
      %dma_wait3A_134 = tpu.memref_slice %arg2[%dma_wait3A_132, %dma_wait3A_133] : memref<10000x64xbf16, #tpu.memory_space<hbm>> -> memref<10000x64xbf16, #tpu.memory_space<hbm>>
      tpu.wait_indirect_dma semaphore(%arg20 : memref<!tpu.dma_semaphore, #tpu.memory_space<semaphore_mem>>) src(%dma_wait3A_134 : memref<10000x64xbf16, #tpu.memory_space<hbm>>) dst(%arg12 : memref<125x64xbf16, #tpu.memory_space<vmem>>)
      %dma_start3A_135 = arith.constant 0 : i32
      %dma_start3A_136 = tpu.memref_slice %arg9[%add3A_127, %dma_start3A_135] : memref<80x125xi32, #tpu.memory_space<vmem>> -> memref<1x125xi32, #tpu.memory_space<vmem>>
      %dma_start3A_137 = tpu.memref_squeeze %dma_start3A_136 : memref<1x125xi32, #tpu.memory_space<vmem>> -> memref<125xi32, #tpu.memory_space<vmem>>
      %dma_start3A_138 = arith.constant 0 : i32
      %dma_start3A_139 = arith.constant 0 : i32
      %dma_start3A_140 = tpu.memref_slice %arg7[%dma_start3A_138, %dma_start3A_139] : memref<10000x64xbf16, #tpu.memory_space<vmem_shared>> -> memref<10000x64xbf16, #tpu.memory_space<vmem_shared>>
      tpu.enqueue_indirect_dma source(%arg12 : memref<125x64xbf16, #tpu.memory_space<vmem>>) target(%dma_start3A_140 : memref<10000x64xbf16, #tpu.memory_space<vmem_shared>>) offsets(%dma_start3A_137 : memref<125xi32, #tpu.memory_space<vmem>>) semaphore(%arg28 : memref<!tpu.dma_semaphore, #tpu.memory_space<semaphore_mem>>) {add = true}
      %gt3A_141 = arith.constant 0 : i32
      %gt3A_142 = arith.cmpi sgt, %add3A_127, %gt3A_141 : i32
      %convert_element_type3A_143 = arith.extui %gt3A_142 : i1 to i32
      %cond3A_144 = arith.constant 0 : i32
      %cond3A_145 = arith.cmpi ne, %convert_element_type3A_143, %cond3A_144 : i32
      scf.if %cond3A_145 {
        %dma_wait3A_310 = arith.constant 0 : i32
        %dma_wait3A_311 = arith.constant 0 : i32
        %dma_wait3A_312 = tpu.memref_slice %arg9[%dma_wait3A_310, %dma_wait3A_311] : memref<80x125xi32, #tpu.memory_space<vmem>> -> memref<1x125xi32, #tpu.memory_space<vmem>>
        %dma_wait3A_313 = tpu.memref_squeeze %dma_wait3A_312 : memref<1x125xi32, #tpu.memory_space<vmem>> -> memref<125xi32, #tpu.memory_space<vmem>>
        %dma_wait3A_314 = arith.constant 0 : i32
        %dma_wait3A_315 = arith.constant 0 : i32
        %dma_wait3A_316 = tpu.memref_slice %arg7[%dma_wait3A_314, %dma_wait3A_315] : memref<10000x64xbf16, #tpu.memory_space<vmem_shared>> -> memref<10000x64xbf16, #tpu.memory_space<vmem_shared>>
        tpu.wait_indirect_dma semaphore(%arg27 : memref<!tpu.dma_semaphore, #tpu.memory_space<semaphore_mem>>) src(%arg11 : memref<125x64xbf16, #tpu.memory_space<vmem>>) dst(%dma_wait3A_316 : memref<10000x64xbf16, #tpu.memory_space<vmem_shared>>)
      } else {
      }
      %add3A_146 = arith.constant 8 : i32
      %add3A_147 = arith.addi %add3A_127, %add3A_146 : i32
      %sub3A_148 = arith.constant 1 : i32
      %sub3A_149 = arith.subi %add3A_147, %sub3A_148 : i32
      %lt3A_150 = arith.constant 80 : i32
      %lt3A_151 = arith.cmpi slt, %sub3A_149, %lt3A_150 : i32
      %convert_element_type3A_152 = arith.extui %lt3A_151 : i1 to i32
      %cond3A_153 = arith.constant 0 : i32
      %cond3A_154 = arith.cmpi ne, %convert_element_type3A_152, %cond3A_153 : i32
      scf.if %cond3A_154 {
        %add3A_310 = arith.constant 8 : i32
        %add3A_311 = arith.addi %add3A_127, %add3A_310 : i32
        %sub3A_312 = arith.constant 1 : i32
        %sub3A_313 = arith.subi %add3A_311, %sub3A_312 : i32
        %dma_start3A_314 = arith.constant 0 : i32
        %dma_start3A_315 = tpu.memref_slice %arg8[%sub3A_313, %dma_start3A_314] : memref<80x125xi32, #tpu.memory_space<vmem>> -> memref<1x125xi32, #tpu.memory_space<vmem>>
        %dma_start3A_316 = tpu.memref_squeeze %dma_start3A_315 : memref<1x125xi32, #tpu.memory_space<vmem>> -> memref<125xi32, #tpu.memory_space<vmem>>
        %dma_start3A_317 = arith.constant 0 : i32
        %dma_start3A_318 = arith.constant 0 : i32
        %dma_start3A_319 = tpu.memref_slice %arg2[%dma_start3A_317, %dma_start3A_318] : memref<10000x64xbf16, #tpu.memory_space<hbm>> -> memref<10000x64xbf16, #tpu.memory_space<hbm>>
        tpu.enqueue_indirect_dma source(%dma_start3A_319 : memref<10000x64xbf16, #tpu.memory_space<hbm>>) target(%arg11 : memref<125x64xbf16, #tpu.memory_space<vmem>>) offsets(%dma_start3A_316 : memref<125xi32, #tpu.memory_space<vmem>>) semaphore(%arg19 : memref<!tpu.dma_semaphore, #tpu.memory_space<semaphore_mem>>)
      } else {
      }
      %mul3A_155 = arith.constant 8 : i32
      %mul3A_156 = arith.muli %scan3A_66, %mul3A_155 : i32
      %add3A_157 = arith.constant 3 : i32
      %add3A_158 = arith.addi %mul3A_156, %add3A_157 : i32
      %dma_wait3A_159 = arith.constant 0 : i32
      %dma_wait3A_160 = arith.constant 0 : i32
      %dma_wait3A_161 = tpu.memref_slice %arg8[%dma_wait3A_159, %dma_wait3A_160] : memref<80x125xi32, #tpu.memory_space<vmem>> -> memref<1x125xi32, #tpu.memory_space<vmem>>
      %dma_wait3A_162 = tpu.memref_squeeze %dma_wait3A_161 : memref<1x125xi32, #tpu.memory_space<vmem>> -> memref<125xi32, #tpu.memory_space<vmem>>
      %dma_wait3A_163 = arith.constant 0 : i32
      %dma_wait3A_164 = arith.constant 0 : i32
      %dma_wait3A_165 = tpu.memref_slice %arg2[%dma_wait3A_163, %dma_wait3A_164] : memref<10000x64xbf16, #tpu.memory_space<hbm>> -> memref<10000x64xbf16, #tpu.memory_space<hbm>>
      tpu.wait_indirect_dma semaphore(%arg21 : memref<!tpu.dma_semaphore, #tpu.memory_space<semaphore_mem>>) src(%dma_wait3A_165 : memref<10000x64xbf16, #tpu.memory_space<hbm>>) dst(%arg13 : memref<125x64xbf16, #tpu.memory_space<vmem>>)
      %dma_start3A_166 = arith.constant 0 : i32
      %dma_start3A_167 = tpu.memref_slice %arg9[%add3A_158, %dma_start3A_166] : memref<80x125xi32, #tpu.memory_space<vmem>> -> memref<1x125xi32, #tpu.memory_space<vmem>>
      %dma_start3A_168 = tpu.memref_squeeze %dma_start3A_167 : memref<1x125xi32, #tpu.memory_space<vmem>> -> memref<125xi32, #tpu.memory_space<vmem>>
      %dma_start3A_169 = arith.constant 0 : i32
      %dma_start3A_170 = arith.constant 0 : i32
      %dma_start3A_171 = tpu.memref_slice %arg7[%dma_start3A_169, %dma_start3A_170] : memref<10000x64xbf16, #tpu.memory_space<vmem_shared>> -> memref<10000x64xbf16, #tpu.memory_space<vmem_shared>>
      tpu.enqueue_indirect_dma source(%arg13 : memref<125x64xbf16, #tpu.memory_space<vmem>>) target(%dma_start3A_171 : memref<10000x64xbf16, #tpu.memory_space<vmem_shared>>) offsets(%dma_start3A_168 : memref<125xi32, #tpu.memory_space<vmem>>) semaphore(%arg29 : memref<!tpu.dma_semaphore, #tpu.memory_space<semaphore_mem>>) {add = true}
      %gt3A_172 = arith.constant 0 : i32
      %gt3A_173 = arith.cmpi sgt, %add3A_158, %gt3A_172 : i32
      %convert_element_type3A_174 = arith.extui %gt3A_173 : i1 to i32
      %cond3A_175 = arith.constant 0 : i32
      %cond3A_176 = arith.cmpi ne, %convert_element_type3A_174, %cond3A_175 : i32
      scf.if %cond3A_176 {
        %dma_wait3A_310 = arith.constant 0 : i32
        %dma_wait3A_311 = arith.constant 0 : i32
        %dma_wait3A_312 = tpu.memref_slice %arg9[%dma_wait3A_310, %dma_wait3A_311] : memref<80x125xi32, #tpu.memory_space<vmem>> -> memref<1x125xi32, #tpu.memory_space<vmem>>
        %dma_wait3A_313 = tpu.memref_squeeze %dma_wait3A_312 : memref<1x125xi32, #tpu.memory_space<vmem>> -> memref<125xi32, #tpu.memory_space<vmem>>
        %dma_wait3A_314 = arith.constant 0 : i32
        %dma_wait3A_315 = arith.constant 0 : i32
        %dma_wait3A_316 = tpu.memref_slice %arg7[%dma_wait3A_314, %dma_wait3A_315] : memref<10000x64xbf16, #tpu.memory_space<vmem_shared>> -> memref<10000x64xbf16, #tpu.memory_space<vmem_shared>>
        tpu.wait_indirect_dma semaphore(%arg28 : memref<!tpu.dma_semaphore, #tpu.memory_space<semaphore_mem>>) src(%arg12 : memref<125x64xbf16, #tpu.memory_space<vmem>>) dst(%dma_wait3A_316 : memref<10000x64xbf16, #tpu.memory_space<vmem_shared>>)
      } else {
      }
      %add3A_177 = arith.constant 8 : i32
      %add3A_178 = arith.addi %add3A_158, %add3A_177 : i32
      %sub3A_179 = arith.constant 1 : i32
      %sub3A_180 = arith.subi %add3A_178, %sub3A_179 : i32
      %lt3A_181 = arith.constant 80 : i32
      %lt3A_182 = arith.cmpi slt, %sub3A_180, %lt3A_181 : i32
      %convert_element_type3A_183 = arith.extui %lt3A_182 : i1 to i32
      %cond3A_184 = arith.constant 0 : i32
      %cond3A_185 = arith.cmpi ne, %convert_element_type3A_183, %cond3A_184 : i32
      scf.if %cond3A_185 {
        %add3A_310 = arith.constant 8 : i32
        %add3A_311 = arith.addi %add3A_158, %add3A_310 : i32
        %sub3A_312 = arith.constant 1 : i32
        %sub3A_313 = arith.subi %add3A_311, %sub3A_312 : i32
        %dma_start3A_314 = arith.constant 0 : i32
        %dma_start3A_315 = tpu.memref_slice %arg8[%sub3A_313, %dma_start3A_314] : memref<80x125xi32, #tpu.memory_space<vmem>> -> memref<1x125xi32, #tpu.memory_space<vmem>>
        %dma_start3A_316 = tpu.memref_squeeze %dma_start3A_315 : memref<1x125xi32, #tpu.memory_space<vmem>> -> memref<125xi32, #tpu.memory_space<vmem>>
        %dma_start3A_317 = arith.constant 0 : i32
        %dma_start3A_318 = arith.constant 0 : i32
        %dma_start3A_319 = tpu.memref_slice %arg2[%dma_start3A_317, %dma_start3A_318] : memref<10000x64xbf16, #tpu.memory_space<hbm>> -> memref<10000x64xbf16, #tpu.memory_space<hbm>>
        tpu.enqueue_indirect_dma source(%dma_start3A_319 : memref<10000x64xbf16, #tpu.memory_space<hbm>>) target(%arg12 : memref<125x64xbf16, #tpu.memory_space<vmem>>) offsets(%dma_start3A_316 : memref<125xi32, #tpu.memory_space<vmem>>) semaphore(%arg20 : memref<!tpu.dma_semaphore, #tpu.memory_space<semaphore_mem>>)
      } else {
      }
      %mul3A_186 = arith.constant 8 : i32
      %mul3A_187 = arith.muli %scan3A_66, %mul3A_186 : i32
      %add3A_188 = arith.constant 4 : i32
      %add3A_189 = arith.addi %mul3A_187, %add3A_188 : i32
      %dma_wait3A_190 = arith.constant 0 : i32
      %dma_wait3A_191 = arith.constant 0 : i32
      %dma_wait3A_192 = tpu.memref_slice %arg8[%dma_wait3A_190, %dma_wait3A_191] : memref<80x125xi32, #tpu.memory_space<vmem>> -> memref<1x125xi32, #tpu.memory_space<vmem>>
      %dma_wait3A_193 = tpu.memref_squeeze %dma_wait3A_192 : memref<1x125xi32, #tpu.memory_space<vmem>> -> memref<125xi32, #tpu.memory_space<vmem>>
      %dma_wait3A_194 = arith.constant 0 : i32
      %dma_wait3A_195 = arith.constant 0 : i32
      %dma_wait3A_196 = tpu.memref_slice %arg2[%dma_wait3A_194, %dma_wait3A_195] : memref<10000x64xbf16, #tpu.memory_space<hbm>> -> memref<10000x64xbf16, #tpu.memory_space<hbm>>
      tpu.wait_indirect_dma semaphore(%arg22 : memref<!tpu.dma_semaphore, #tpu.memory_space<semaphore_mem>>) src(%dma_wait3A_196 : memref<10000x64xbf16, #tpu.memory_space<hbm>>) dst(%arg14 : memref<125x64xbf16, #tpu.memory_space<vmem>>)
      %dma_start3A_197 = arith.constant 0 : i32
      %dma_start3A_198 = tpu.memref_slice %arg9[%add3A_189, %dma_start3A_197] : memref<80x125xi32, #tpu.memory_space<vmem>> -> memref<1x125xi32, #tpu.memory_space<vmem>>
      %dma_start3A_199 = tpu.memref_squeeze %dma_start3A_198 : memref<1x125xi32, #tpu.memory_space<vmem>> -> memref<125xi32, #tpu.memory_space<vmem>>
      %dma_start3A_200 = arith.constant 0 : i32
      %dma_start3A_201 = arith.constant 0 : i32
      %dma_start3A_202 = tpu.memref_slice %arg7[%dma_start3A_200, %dma_start3A_201] : memref<10000x64xbf16, #tpu.memory_space<vmem_shared>> -> memref<10000x64xbf16, #tpu.memory_space<vmem_shared>>
      tpu.enqueue_indirect_dma source(%arg14 : memref<125x64xbf16, #tpu.memory_space<vmem>>) target(%dma_start3A_202 : memref<10000x64xbf16, #tpu.memory_space<vmem_shared>>) offsets(%dma_start3A_199 : memref<125xi32, #tpu.memory_space<vmem>>) semaphore(%arg30 : memref<!tpu.dma_semaphore, #tpu.memory_space<semaphore_mem>>) {add = true}
      %gt3A_203 = arith.constant 0 : i32
      %gt3A_204 = arith.cmpi sgt, %add3A_189, %gt3A_203 : i32
      %convert_element_type3A_205 = arith.extui %gt3A_204 : i1 to i32
      %cond3A_206 = arith.constant 0 : i32
      %cond3A_207 = arith.cmpi ne, %convert_element_type3A_205, %cond3A_206 : i32
      scf.if %cond3A_207 {
        %dma_wait3A_310 = arith.constant 0 : i32
        %dma_wait3A_311 = arith.constant 0 : i32
        %dma_wait3A_312 = tpu.memref_slice %arg9[%dma_wait3A_310, %dma_wait3A_311] : memref<80x125xi32, #tpu.memory_space<vmem>> -> memref<1x125xi32, #tpu.memory_space<vmem>>
        %dma_wait3A_313 = tpu.memref_squeeze %dma_wait3A_312 : memref<1x125xi32, #tpu.memory_space<vmem>> -> memref<125xi32, #tpu.memory_space<vmem>>
        %dma_wait3A_314 = arith.constant 0 : i32
        %dma_wait3A_315 = arith.constant 0 : i32
        %dma_wait3A_316 = tpu.memref_slice %arg7[%dma_wait3A_314, %dma_wait3A_315] : memref<10000x64xbf16, #tpu.memory_space<vmem_shared>> -> memref<10000x64xbf16, #tpu.memory_space<vmem_shared>>
        tpu.wait_indirect_dma semaphore(%arg29 : memref<!tpu.dma_semaphore, #tpu.memory_space<semaphore_mem>>) src(%arg13 : memref<125x64xbf16, #tpu.memory_space<vmem>>) dst(%dma_wait3A_316 : memref<10000x64xbf16, #tpu.memory_space<vmem_shared>>)
      } else {
      }
      %add3A_208 = arith.constant 8 : i32
      %add3A_209 = arith.addi %add3A_189, %add3A_208 : i32
      %sub3A_210 = arith.constant 1 : i32
      %sub3A_211 = arith.subi %add3A_209, %sub3A_210 : i32
      %lt3A_212 = arith.constant 80 : i32
      %lt3A_213 = arith.cmpi slt, %sub3A_211, %lt3A_212 : i32
      %convert_element_type3A_214 = arith.extui %lt3A_213 : i1 to i32
      %cond3A_215 = arith.constant 0 : i32
      %cond3A_216 = arith.cmpi ne, %convert_element_type3A_214, %cond3A_215 : i32
      scf.if %cond3A_216 {
        %add3A_310 = arith.constant 8 : i32
        %add3A_311 = arith.addi %add3A_189, %add3A_310 : i32
        %sub3A_312 = arith.constant 1 : i32
        %sub3A_313 = arith.subi %add3A_311, %sub3A_312 : i32
        %dma_start3A_314 = arith.constant 0 : i32
        %dma_start3A_315 = tpu.memref_slice %arg8[%sub3A_313, %dma_start3A_314] : memref<80x125xi32, #tpu.memory_space<vmem>> -> memref<1x125xi32, #tpu.memory_space<vmem>>
        %dma_start3A_316 = tpu.memref_squeeze %dma_start3A_315 : memref<1x125xi32, #tpu.memory_space<vmem>> -> memref<125xi32, #tpu.memory_space<vmem>>
        %dma_start3A_317 = arith.constant 0 : i32
        %dma_start3A_318 = arith.constant 0 : i32
        %dma_start3A_319 = tpu.memref_slice %arg2[%dma_start3A_317, %dma_start3A_318] : memref<10000x64xbf16, #tpu.memory_space<hbm>> -> memref<10000x64xbf16, #tpu.memory_space<hbm>>
        tpu.enqueue_indirect_dma source(%dma_start3A_319 : memref<10000x64xbf16, #tpu.memory_space<hbm>>) target(%arg13 : memref<125x64xbf16, #tpu.memory_space<vmem>>) offsets(%dma_start3A_316 : memref<125xi32, #tpu.memory_space<vmem>>) semaphore(%arg21 : memref<!tpu.dma_semaphore, #tpu.memory_space<semaphore_mem>>)
      } else {
      }
      %mul3A_217 = arith.constant 8 : i32
      %mul3A_218 = arith.muli %scan3A_66, %mul3A_217 : i32
      %add3A_219 = arith.constant 5 : i32
      %add3A_220 = arith.addi %mul3A_218, %add3A_219 : i32
      %dma_wait3A_221 = arith.constant 0 : i32
      %dma_wait3A_222 = arith.constant 0 : i32
      %dma_wait3A_223 = tpu.memref_slice %arg8[%dma_wait3A_221, %dma_wait3A_222] : memref<80x125xi32, #tpu.memory_space<vmem>> -> memref<1x125xi32, #tpu.memory_space<vmem>>
      %dma_wait3A_224 = tpu.memref_squeeze %dma_wait3A_223 : memref<1x125xi32, #tpu.memory_space<vmem>> -> memref<125xi32, #tpu.memory_space<vmem>>
      %dma_wait3A_225 = arith.constant 0 : i32
      %dma_wait3A_226 = arith.constant 0 : i32
      %dma_wait3A_227 = tpu.memref_slice %arg2[%dma_wait3A_225, %dma_wait3A_226] : memref<10000x64xbf16, #tpu.memory_space<hbm>> -> memref<10000x64xbf16, #tpu.memory_space<hbm>>
      tpu.wait_indirect_dma semaphore(%arg23 : memref<!tpu.dma_semaphore, #tpu.memory_space<semaphore_mem>>) src(%dma_wait3A_227 : memref<10000x64xbf16, #tpu.memory_space<hbm>>) dst(%arg15 : memref<125x64xbf16, #tpu.memory_space<vmem>>)
      %dma_start3A_228 = arith.constant 0 : i32
      %dma_start3A_229 = tpu.memref_slice %arg9[%add3A_220, %dma_start3A_228] : memref<80x125xi32, #tpu.memory_space<vmem>> -> memref<1x125xi32, #tpu.memory_space<vmem>>
      %dma_start3A_230 = tpu.memref_squeeze %dma_start3A_229 : memref<1x125xi32, #tpu.memory_space<vmem>> -> memref<125xi32, #tpu.memory_space<vmem>>
      %dma_start3A_231 = arith.constant 0 : i32
      %dma_start3A_232 = arith.constant 0 : i32
      %dma_start3A_233 = tpu.memref_slice %arg7[%dma_start3A_231, %dma_start3A_232] : memref<10000x64xbf16, #tpu.memory_space<vmem_shared>> -> memref<10000x64xbf16, #tpu.memory_space<vmem_shared>>
      tpu.enqueue_indirect_dma source(%arg15 : memref<125x64xbf16, #tpu.memory_space<vmem>>) target(%dma_start3A_233 : memref<10000x64xbf16, #tpu.memory_space<vmem_shared>>) offsets(%dma_start3A_230 : memref<125xi32, #tpu.memory_space<vmem>>) semaphore(%arg31 : memref<!tpu.dma_semaphore, #tpu.memory_space<semaphore_mem>>) {add = true}
      %gt3A_234 = arith.constant 0 : i32
      %gt3A_235 = arith.cmpi sgt, %add3A_220, %gt3A_234 : i32
      %convert_element_type3A_236 = arith.extui %gt3A_235 : i1 to i32
      %cond3A_237 = arith.constant 0 : i32
      %cond3A_238 = arith.cmpi ne, %convert_element_type3A_236, %cond3A_237 : i32
      scf.if %cond3A_238 {
        %dma_wait3A_310 = arith.constant 0 : i32
        %dma_wait3A_311 = arith.constant 0 : i32
        %dma_wait3A_312 = tpu.memref_slice %arg9[%dma_wait3A_310, %dma_wait3A_311] : memref<80x125xi32, #tpu.memory_space<vmem>> -> memref<1x125xi32, #tpu.memory_space<vmem>>
        %dma_wait3A_313 = tpu.memref_squeeze %dma_wait3A_312 : memref<1x125xi32, #tpu.memory_space<vmem>> -> memref<125xi32, #tpu.memory_space<vmem>>
        %dma_wait3A_314 = arith.constant 0 : i32
        %dma_wait3A_315 = arith.constant 0 : i32
        %dma_wait3A_316 = tpu.memref_slice %arg7[%dma_wait3A_314, %dma_wait3A_315] : memref<10000x64xbf16, #tpu.memory_space<vmem_shared>> -> memref<10000x64xbf16, #tpu.memory_space<vmem_shared>>
        tpu.wait_indirect_dma semaphore(%arg30 : memref<!tpu.dma_semaphore, #tpu.memory_space<semaphore_mem>>) src(%arg14 : memref<125x64xbf16, #tpu.memory_space<vmem>>) dst(%dma_wait3A_316 : memref<10000x64xbf16, #tpu.memory_space<vmem_shared>>)
      } else {
      }
      %add3A_239 = arith.constant 8 : i32
      %add3A_240 = arith.addi %add3A_220, %add3A_239 : i32
      %sub3A_241 = arith.constant 1 : i32
      %sub3A_242 = arith.subi %add3A_240, %sub3A_241 : i32
      %lt3A_243 = arith.constant 80 : i32
      %lt3A_244 = arith.cmpi slt, %sub3A_242, %lt3A_243 : i32
      %convert_element_type3A_245 = arith.extui %lt3A_244 : i1 to i32
      %cond3A_246 = arith.constant 0 : i32
      %cond3A_247 = arith.cmpi ne, %convert_element_type3A_245, %cond3A_246 : i32
      scf.if %cond3A_247 {
        %add3A_310 = arith.constant 8 : i32
        %add3A_311 = arith.addi %add3A_220, %add3A_310 : i32
        %sub3A_312 = arith.constant 1 : i32
        %sub3A_313 = arith.subi %add3A_311, %sub3A_312 : i32
        %dma_start3A_314 = arith.constant 0 : i32
        %dma_start3A_315 = tpu.memref_slice %arg8[%sub3A_313, %dma_start3A_314] : memref<80x125xi32, #tpu.memory_space<vmem>> -> memref<1x125xi32, #tpu.memory_space<vmem>>
        %dma_start3A_316 = tpu.memref_squeeze %dma_start3A_315 : memref<1x125xi32, #tpu.memory_space<vmem>> -> memref<125xi32, #tpu.memory_space<vmem>>
        %dma_start3A_317 = arith.constant 0 : i32
        %dma_start3A_318 = arith.constant 0 : i32
        %dma_start3A_319 = tpu.memref_slice %arg2[%dma_start3A_317, %dma_start3A_318] : memref<10000x64xbf16, #tpu.memory_space<hbm>> -> memref<10000x64xbf16, #tpu.memory_space<hbm>>
        tpu.enqueue_indirect_dma source(%dma_start3A_319 : memref<10000x64xbf16, #tpu.memory_space<hbm>>) target(%arg14 : memref<125x64xbf16, #tpu.memory_space<vmem>>) offsets(%dma_start3A_316 : memref<125xi32, #tpu.memory_space<vmem>>) semaphore(%arg22 : memref<!tpu.dma_semaphore, #tpu.memory_space<semaphore_mem>>)
      } else {
      }
      %mul3A_248 = arith.constant 8 : i32
      %mul3A_249 = arith.muli %scan3A_66, %mul3A_248 : i32
      %add3A_250 = arith.constant 6 : i32
      %add3A_251 = arith.addi %mul3A_249, %add3A_250 : i32
      %dma_wait3A_252 = arith.constant 0 : i32
      %dma_wait3A_253 = arith.constant 0 : i32
      %dma_wait3A_254 = tpu.memref_slice %arg8[%dma_wait3A_252, %dma_wait3A_253] : memref<80x125xi32, #tpu.memory_space<vmem>> -> memref<1x125xi32, #tpu.memory_space<vmem>>
      %dma_wait3A_255 = tpu.memref_squeeze %dma_wait3A_254 : memref<1x125xi32, #tpu.memory_space<vmem>> -> memref<125xi32, #tpu.memory_space<vmem>>
      %dma_wait3A_256 = arith.constant 0 : i32
      %dma_wait3A_257 = arith.constant 0 : i32
      %dma_wait3A_258 = tpu.memref_slice %arg2[%dma_wait3A_256, %dma_wait3A_257] : memref<10000x64xbf16, #tpu.memory_space<hbm>> -> memref<10000x64xbf16, #tpu.memory_space<hbm>>
      tpu.wait_indirect_dma semaphore(%arg24 : memref<!tpu.dma_semaphore, #tpu.memory_space<semaphore_mem>>) src(%dma_wait3A_258 : memref<10000x64xbf16, #tpu.memory_space<hbm>>) dst(%arg16 : memref<125x64xbf16, #tpu.memory_space<vmem>>)
      %dma_start3A_259 = arith.constant 0 : i32
      %dma_start3A_260 = tpu.memref_slice %arg9[%add3A_251, %dma_start3A_259] : memref<80x125xi32, #tpu.memory_space<vmem>> -> memref<1x125xi32, #tpu.memory_space<vmem>>
      %dma_start3A_261 = tpu.memref_squeeze %dma_start3A_260 : memref<1x125xi32, #tpu.memory_space<vmem>> -> memref<125xi32, #tpu.memory_space<vmem>>
      %dma_start3A_262 = arith.constant 0 : i32
      %dma_start3A_263 = arith.constant 0 : i32
      %dma_start3A_264 = tpu.memref_slice %arg7[%dma_start3A_262, %dma_start3A_263] : memref<10000x64xbf16, #tpu.memory_space<vmem_shared>> -> memref<10000x64xbf16, #tpu.memory_space<vmem_shared>>
      tpu.enqueue_indirect_dma source(%arg16 : memref<125x64xbf16, #tpu.memory_space<vmem>>) target(%dma_start3A_264 : memref<10000x64xbf16, #tpu.memory_space<vmem_shared>>) offsets(%dma_start3A_261 : memref<125xi32, #tpu.memory_space<vmem>>) semaphore(%arg32 : memref<!tpu.dma_semaphore, #tpu.memory_space<semaphore_mem>>) {add = true}
      %gt3A_265 = arith.constant 0 : i32
      %gt3A_266 = arith.cmpi sgt, %add3A_251, %gt3A_265 : i32
      %convert_element_type3A_267 = arith.extui %gt3A_266 : i1 to i32
      %cond3A_268 = arith.constant 0 : i32
      %cond3A_269 = arith.cmpi ne, %convert_element_type3A_267, %cond3A_268 : i32
      scf.if %cond3A_269 {
        %dma_wait3A_310 = arith.constant 0 : i32
        %dma_wait3A_311 = arith.constant 0 : i32
        %dma_wait3A_312 = tpu.memref_slice %arg9[%dma_wait3A_310, %dma_wait3A_311] : memref<80x125xi32, #tpu.memory_space<vmem>> -> memref<1x125xi32, #tpu.memory_space<vmem>>
        %dma_wait3A_313 = tpu.memref_squeeze %dma_wait3A_312 : memref<1x125xi32, #tpu.memory_space<vmem>> -> memref<125xi32, #tpu.memory_space<vmem>>
        %dma_wait3A_314 = arith.constant 0 : i32
        %dma_wait3A_315 = arith.constant 0 : i32
        %dma_wait3A_316 = tpu.memref_slice %arg7[%dma_wait3A_314, %dma_wait3A_315] : memref<10000x64xbf16, #tpu.memory_space<vmem_shared>> -> memref<10000x64xbf16, #tpu.memory_space<vmem_shared>>
        tpu.wait_indirect_dma semaphore(%arg31 : memref<!tpu.dma_semaphore, #tpu.memory_space<semaphore_mem>>) src(%arg15 : memref<125x64xbf16, #tpu.memory_space<vmem>>) dst(%dma_wait3A_316 : memref<10000x64xbf16, #tpu.memory_space<vmem_shared>>)
      } else {
      }
      %add3A_270 = arith.constant 8 : i32
      %add3A_271 = arith.addi %add3A_251, %add3A_270 : i32
      %sub3A_272 = arith.constant 1 : i32
      %sub3A_273 = arith.subi %add3A_271, %sub3A_272 : i32
      %lt3A_274 = arith.constant 80 : i32
      %lt3A_275 = arith.cmpi slt, %sub3A_273, %lt3A_274 : i32
      %convert_element_type3A_276 = arith.extui %lt3A_275 : i1 to i32
      %cond3A_277 = arith.constant 0 : i32
      %cond3A_278 = arith.cmpi ne, %convert_element_type3A_276, %cond3A_277 : i32
      scf.if %cond3A_278 {
        %add3A_310 = arith.constant 8 : i32
        %add3A_311 = arith.addi %add3A_251, %add3A_310 : i32
        %sub3A_312 = arith.constant 1 : i32
        %sub3A_313 = arith.subi %add3A_311, %sub3A_312 : i32
        %dma_start3A_314 = arith.constant 0 : i32
        %dma_start3A_315 = tpu.memref_slice %arg8[%sub3A_313, %dma_start3A_314] : memref<80x125xi32, #tpu.memory_space<vmem>> -> memref<1x125xi32, #tpu.memory_space<vmem>>
        %dma_start3A_316 = tpu.memref_squeeze %dma_start3A_315 : memref<1x125xi32, #tpu.memory_space<vmem>> -> memref<125xi32, #tpu.memory_space<vmem>>
        %dma_start3A_317 = arith.constant 0 : i32
        %dma_start3A_318 = arith.constant 0 : i32
        %dma_start3A_319 = tpu.memref_slice %arg2[%dma_start3A_317, %dma_start3A_318] : memref<10000x64xbf16, #tpu.memory_space<hbm>> -> memref<10000x64xbf16, #tpu.memory_space<hbm>>
        tpu.enqueue_indirect_dma source(%dma_start3A_319 : memref<10000x64xbf16, #tpu.memory_space<hbm>>) target(%arg15 : memref<125x64xbf16, #tpu.memory_space<vmem>>) offsets(%dma_start3A_316 : memref<125xi32, #tpu.memory_space<vmem>>) semaphore(%arg23 : memref<!tpu.dma_semaphore, #tpu.memory_space<semaphore_mem>>)
      } else {
      }
      %mul3A_279 = arith.constant 8 : i32
      %mul3A_280 = arith.muli %scan3A_66, %mul3A_279 : i32
      %add3A_281 = arith.constant 7 : i32
      %add3A_282 = arith.addi %mul3A_280, %add3A_281 : i32
      %dma_wait3A_283 = arith.constant 0 : i32
      %dma_wait3A_284 = arith.constant 0 : i32
      %dma_wait3A_285 = tpu.memref_slice %arg8[%dma_wait3A_283, %dma_wait3A_284] : memref<80x125xi32, #tpu.memory_space<vmem>> -> memref<1x125xi32, #tpu.memory_space<vmem>>
      %dma_wait3A_286 = tpu.memref_squeeze %dma_wait3A_285 : memref<1x125xi32, #tpu.memory_space<vmem>> -> memref<125xi32, #tpu.memory_space<vmem>>
      %dma_wait3A_287 = arith.constant 0 : i32
      %dma_wait3A_288 = arith.constant 0 : i32
      %dma_wait3A_289 = tpu.memref_slice %arg2[%dma_wait3A_287, %dma_wait3A_288] : memref<10000x64xbf16, #tpu.memory_space<hbm>> -> memref<10000x64xbf16, #tpu.memory_space<hbm>>
      tpu.wait_indirect_dma semaphore(%arg25 : memref<!tpu.dma_semaphore, #tpu.memory_space<semaphore_mem>>) src(%dma_wait3A_289 : memref<10000x64xbf16, #tpu.memory_space<hbm>>) dst(%arg17 : memref<125x64xbf16, #tpu.memory_space<vmem>>)
      %dma_start3A_290 = arith.constant 0 : i32
      %dma_start3A_291 = tpu.memref_slice %arg9[%add3A_282, %dma_start3A_290] : memref<80x125xi32, #tpu.memory_space<vmem>> -> memref<1x125xi32, #tpu.memory_space<vmem>>
      %dma_start3A_292 = tpu.memref_squeeze %dma_start3A_291 : memref<1x125xi32, #tpu.memory_space<vmem>> -> memref<125xi32, #tpu.memory_space<vmem>>
      %dma_start3A_293 = arith.constant 0 : i32
      %dma_start3A_294 = arith.constant 0 : i32
      %dma_start3A_295 = tpu.memref_slice %arg7[%dma_start3A_293, %dma_start3A_294] : memref<10000x64xbf16, #tpu.memory_space<vmem_shared>> -> memref<10000x64xbf16, #tpu.memory_space<vmem_shared>>
      tpu.enqueue_indirect_dma source(%arg17 : memref<125x64xbf16, #tpu.memory_space<vmem>>) target(%dma_start3A_295 : memref<10000x64xbf16, #tpu.memory_space<vmem_shared>>) offsets(%dma_start3A_292 : memref<125xi32, #tpu.memory_space<vmem>>) semaphore(%arg33 : memref<!tpu.dma_semaphore, #tpu.memory_space<semaphore_mem>>) {add = true}
      %gt3A_296 = arith.constant 0 : i32
      %gt3A_297 = arith.cmpi sgt, %add3A_282, %gt3A_296 : i32
      %convert_element_type3A_298 = arith.extui %gt3A_297 : i1 to i32
      %cond3A_299 = arith.constant 0 : i32
      %cond3A_300 = arith.cmpi ne, %convert_element_type3A_298, %cond3A_299 : i32
      scf.if %cond3A_300 {
        %dma_wait3A_310 = arith.constant 0 : i32
        %dma_wait3A_311 = arith.constant 0 : i32
        %dma_wait3A_312 = tpu.memref_slice %arg9[%dma_wait3A_310, %dma_wait3A_311] : memref<80x125xi32, #tpu.memory_space<vmem>> -> memref<1x125xi32, #tpu.memory_space<vmem>>
        %dma_wait3A_313 = tpu.memref_squeeze %dma_wait3A_312 : memref<1x125xi32, #tpu.memory_space<vmem>> -> memref<125xi32, #tpu.memory_space<vmem>>
        %dma_wait3A_314 = arith.constant 0 : i32
        %dma_wait3A_315 = arith.constant 0 : i32
        %dma_wait3A_316 = tpu.memref_slice %arg7[%dma_wait3A_314, %dma_wait3A_315] : memref<10000x64xbf16, #tpu.memory_space<vmem_shared>> -> memref<10000x64xbf16, #tpu.memory_space<vmem_shared>>
        tpu.wait_indirect_dma semaphore(%arg32 : memref<!tpu.dma_semaphore, #tpu.memory_space<semaphore_mem>>) src(%arg16 : memref<125x64xbf16, #tpu.memory_space<vmem>>) dst(%dma_wait3A_316 : memref<10000x64xbf16, #tpu.memory_space<vmem_shared>>)
      } else {
      }
      %add3A_301 = arith.constant 8 : i32
      %add3A_302 = arith.addi %add3A_282, %add3A_301 : i32
      %sub3A_303 = arith.constant 1 : i32
      %sub3A_304 = arith.subi %add3A_302, %sub3A_303 : i32
      %lt3A_305 = arith.constant 80 : i32
      %lt3A_306 = arith.cmpi slt, %sub3A_304, %lt3A_305 : i32
      %convert_element_type3A_307 = arith.extui %lt3A_306 : i1 to i32
      %cond3A_308 = arith.constant 0 : i32
      %cond3A_309 = arith.cmpi ne, %convert_element_type3A_307, %cond3A_308 : i32
      scf.if %cond3A_309 {
        %add3A_310 = arith.constant 8 : i32
        %add3A_311 = arith.addi %add3A_282, %add3A_310 : i32
        %sub3A_312 = arith.constant 1 : i32
        %sub3A_313 = arith.subi %add3A_311, %sub3A_312 : i32
        %dma_start3A_314 = arith.constant 0 : i32
        %dma_start3A_315 = tpu.memref_slice %arg8[%sub3A_313, %dma_start3A_314] : memref<80x125xi32, #tpu.memory_space<vmem>> -> memref<1x125xi32, #tpu.memory_space<vmem>>
        %dma_start3A_316 = tpu.memref_squeeze %dma_start3A_315 : memref<1x125xi32, #tpu.memory_space<vmem>> -> memref<125xi32, #tpu.memory_space<vmem>>
        %dma_start3A_317 = arith.constant 0 : i32
        %dma_start3A_318 = arith.constant 0 : i32
        %dma_start3A_319 = tpu.memref_slice %arg2[%dma_start3A_317, %dma_start3A_318] : memref<10000x64xbf16, #tpu.memory_space<hbm>> -> memref<10000x64xbf16, #tpu.memory_space<hbm>>
        tpu.enqueue_indirect_dma source(%dma_start3A_319 : memref<10000x64xbf16, #tpu.memory_space<hbm>>) target(%arg16 : memref<125x64xbf16, #tpu.memory_space<vmem>>) offsets(%dma_start3A_316 : memref<125xi32, #tpu.memory_space<vmem>>) semaphore(%arg24 : memref<!tpu.dma_semaphore, #tpu.memory_space<semaphore_mem>>)
      } else {
      }
    }
    %scan3A_55 = arith.constant 10 : i32
    %dma_wait3A = arith.constant 0 : i32
    %dma_wait3A_56 = arith.constant 0 : i32
    %dma_wait3A_57 = tpu.memref_slice %arg9[%dma_wait3A, %dma_wait3A_56] : memref<80x125xi32, #tpu.memory_space<vmem>> -> memref<1x125xi32, #tpu.memory_space<vmem>>
    %dma_wait3A_58 = tpu.memref_squeeze %dma_wait3A_57 : memref<1x125xi32, #tpu.memory_space<vmem>> -> memref<125xi32, #tpu.memory_space<vmem>>
    %dma_wait3A_59 = arith.constant 0 : i32
    %dma_wait3A_60 = arith.constant 0 : i32
    %dma_wait3A_61 = tpu.memref_slice %arg7[%dma_wait3A_59, %dma_wait3A_60] : memref<10000x64xbf16, #tpu.memory_space<vmem_shared>> -> memref<10000x64xbf16, #tpu.memory_space<vmem_shared>>
    tpu.wait_indirect_dma semaphore(%arg33 : memref<!tpu.dma_semaphore, #tpu.memory_space<semaphore_mem>>) src(%arg17 : memref<125x64xbf16, #tpu.memory_space<vmem>>) dst(%dma_wait3A_61 : memref<10000x64xbf16, #tpu.memory_space<vmem_shared>>)
    %barrier3A_62 = arith.constant 0 : index
    tpu.barrier barrier_id(%barrier3A_62)
    %mul3A_63 = arith.constant 10000 : i32
    %mul3A_64 = arith.muli %arg0, %mul3A_63 : i32
    %add3A_65 = arith.addi %mul3A_64, %mul3A_0 : i32
    "tpu.region"() ({
      %run_scoped3A = tpu.sem_alloc : memref<!tpu.dma_semaphore, #tpu.memory_space<semaphore_mem>>
      %dma_start3A_66 = arith.constant 0 : i32
      %dma_start3A_67 = tpu.memref_slice %arg6[%add3A_65, %dma_start3A_66] : memref<20000x64xbf16, #tpu.memory_space<hbm>> -> memref<625x64xbf16, #tpu.memory_space<hbm>>
      %dma_start3A_68 = arith.constant 0 : i32
      %dma_start3A_69 = tpu.memref_slice %arg7[%mul3A_0, %dma_start3A_68] : memref<10000x64xbf16, #tpu.memory_space<vmem_shared>> -> memref<625x64xbf16, #tpu.memory_space<vmem_shared>>
      tpu.enqueue_dma source(%dma_start3A_69 : memref<625x64xbf16, #tpu.memory_space<vmem_shared>>) target(%dma_start3A_67 : memref<625x64xbf16, #tpu.memory_space<hbm>>) target_semaphore(%run_scoped3A : memref<!tpu.dma_semaphore, #tpu.memory_space<semaphore_mem>>)
      %dma_wait3A_70 = arith.constant 0 : i32
      %dma_wait3A_71 = tpu.memref_slice %arg6[%add3A_65, %dma_wait3A_70] : memref<20000x64xbf16, #tpu.memory_space<hbm>> -> memref<625x64xbf16, #tpu.memory_space<hbm>>
      %dma_wait3A_72 = arith.constant 0 : i32
      %dma_wait3A_73 = tpu.memref_slice %arg7[%mul3A_0, %dma_wait3A_72] : memref<10000x64xbf16, #tpu.memory_space<vmem_shared>> -> memref<625x64xbf16, #tpu.memory_space<vmem_shared>>
      tpu.wait_dma2 semaphore(%run_scoped3A : memref<!tpu.dma_semaphore, #tpu.memory_space<semaphore_mem>>) src(%dma_wait3A_73 : memref<625x64xbf16, #tpu.memory_space<vmem_shared>>) dst(%dma_wait3A_71 : memref<625x64xbf16, #tpu.memory_space<hbm>>)
      tpu.yield
    }) : () -> ()
    return
  }
}

module attributes {stable_mosaic.version = 14 : i64} {
  func.func @_tc1_body(%arg0: i32, %arg1: memref<2000x8xf32, #tpu.memory_space<vmem>>, %arg2: memref<2000x8xf32, #tpu.memory_space<vmem>>, %arg3: memref<2000x128xf32, #tpu.memory_space<vmem>>, %arg4: memref<128x64xf32, #tpu.memory_space<vmem>>, %arg5: memref<2000x64xbf16, #tpu.memory_space<vmem>>, %arg6: memref<2000x1xf32, #tpu.memory_space<vmem>>) attributes {dimension_semantics = [#tpu.dimension_semantics<arbitrary>], iteration_bounds = array<i64: 5>, scalar_prefetch = 0 : i64, scratch_operands = 0 : i64, tpu.core_type = #tpu.core_type<tc>, window_params = [{transform_indices = @transform_0, window_bounds = array<i64: 2000, 8>}, {transform_indices = @transform_1, window_bounds = array<i64: 2000, 8>}, {transform_indices = @transform_2, window_bounds = array<i64: 2000, 128>}, {pipeline_mode = #tpu.pipeline_mode<synchronous>, transform_indices = @transform_3, window_bounds = array<i64: 128, 64>}, {transform_indices = @transform_4, window_bounds = array<i64: 2000, 64>}, {transform_indices = @transform_5, window_bounds = array<i64: 2000, 1>}]} {
    %get3A = arith.constant 0 : index
    %get3A_0 = arith.constant 0 : index
    %get3A_1 = vector.load %arg1[%get3A, %get3A_0] : memref<2000x8xf32, #tpu.memory_space<vmem>>, vector<2000x8xf32>
    %get3A_2 = arith.constant 0 : index
    %get3A_3 = arith.constant 0 : index
    %get3A_4 = vector.load %arg2[%get3A_2, %get3A_3] : memref<2000x8xf32, #tpu.memory_space<vmem>>, vector<2000x8xf32>
    %add3A = arith.addf %get3A_1, %get3A_4 : vector<2000x8xf32>
    %add3A_5 = arith.constant 1.000000e+00 : f32
    %add3A_6 = vector.broadcast %add3A_5 : f32 to vector<2000x8xf32>
    %add3A_7 = arith.addf %add3A, %add3A_6 : vector<2000x8xf32>
    %slice3A = vector.extract_strided_slice %add3A_7 {offsets = [0, 0], sizes = [2000, 1], strides = [1, 1]} : vector<2000x8xf32> to vector<2000x1xf32>
    %rsqrt3A = math.rsqrt %slice3A : vector<2000x1xf32>
    %get3A_8 = arith.constant 0 : index
    %get3A_9 = arith.constant 0 : index
    %get3A_10 = vector.load %arg3[%get3A_8, %get3A_9] : memref<2000x128xf32, #tpu.memory_space<vmem>>, vector<2000x128xf32>
    %get3A_11 = arith.constant 0 : index
    %get3A_12 = arith.constant 0 : index
    %get3A_13 = vector.load %arg4[%get3A_11, %get3A_12] : memref<128x64xf32, #tpu.memory_space<vmem>>, vector<128x64xf32>
    %dot_general3A = arith.constant dense<0.000000e+00> : vector<2000x64xf32>
    %dot_general3A_14 = tpu.matmul %get3A_10, %get3A_13, %dot_general3A {dimension_numbers = #tpu.dot_dimension_numbers<[1], [0], [0], [1], [0, 0, 1, 1], [], []>, transpose_lhs_hint = false} : vector<2000x128xf32>, vector<128x64xf32>, vector<2000x64xf32> -> vector<2000x64xf32>
    %mul3A = vector.broadcast %rsqrt3A : vector<2000x1xf32> to vector<2000x64xf32>
    %mul3A_15 = arith.mulf %dot_general3A_14, %mul3A : vector<2000x64xf32>
    %convert_element_type3A = arith.truncf %mul3A_15 : vector<2000x64xf32> to vector<2000x64xbf16>
    %swap3A = arith.constant 0 : index
    %swap3A_16 = arith.constant 0 : index
    %swap3A_17 = vector.load %arg5[%swap3A, %swap3A_16] : memref<2000x64xbf16, #tpu.memory_space<vmem>>, vector<2000x64xbf16>
    tpu.vector_store %arg5[%swap3A, %swap3A_16], %convert_element_type3A {strides = array<i32>} : memref<2000x64xbf16, #tpu.memory_space<vmem>>, vector<2000x64xbf16>,
    %swap3A_18 = arith.constant 0 : index
    %swap3A_19 = arith.constant 0 : index
    %swap3A_20 = vector.load %arg6[%swap3A_18, %swap3A_19] : memref<2000x1xf32, #tpu.memory_space<vmem>>, vector<2000x1xf32>
    tpu.vector_store %arg6[%swap3A_18, %swap3A_19], %rsqrt3A {strides = array<i32>} : memref<2000x1xf32, #tpu.memory_space<vmem>>, vector<2000x1xf32>,
    return
  }
  func.func @transform_0(%arg0: i32) -> (i32, i32) {
    %c0_i32 = arith.constant 0 : i32
    %c0_i32_0 = arith.constant 0 : i32
    return %arg0, %c0_i32 : i32, i32
  }
  func.func @transform_1(%arg0: i32) -> (i32, i32) {
    %add3A = arith.constant 5 : i32
    %add3A_0 = arith.addi %add3A, %arg0 : i32
    %c0_i32 = arith.constant 0 : i32
    %c0_i32_1 = arith.constant 0 : i32
    return %add3A_0, %c0_i32 : i32, i32
  }
  func.func @transform_2(%arg0: i32) -> (i32, i32) {
    %c0_i32 = arith.constant 0 : i32
    %c0_i32_0 = arith.constant 0 : i32
    return %arg0, %c0_i32 : i32, i32
  }
  func.func @transform_3(%arg0: i32) -> (i32, i32) {
    %c0_i32 = arith.constant 0 : i32
    %c0_i32_0 = arith.constant 0 : i32
    %c0_i32_1 = arith.constant 0 : i32
    return %c0_i32, %c0_i32_0 : i32, i32
  }
  func.func @transform_4(%arg0: i32) -> (i32, i32) {
    %c0_i32 = arith.constant 0 : i32
    %c0_i32_0 = arith.constant 0 : i32
    return %arg0, %c0_i32 : i32, i32
  }
  func.func @transform_5(%arg0: i32) -> (i32, i32) {
    %c0_i32 = arith.constant 0 : i32
    %c0_i32_0 = arith.constant 0 : i32
    return %arg0, %c0_i32 : i32, i32
  }
}

module attributes {stable_mosaic.version = 14 : i64} {
  func.func @_tc2_body(%arg0: i32, %arg1: memref<2000x64xbf16, #tpu.memory_space<vmem>>, %arg2: memref<2000x64xbf16, #tpu.memory_space<vmem>>, %arg3: memref<2000x64xbf16, #tpu.memory_space<vmem>>, %arg4: memref<2000x1xf32, #tpu.memory_space<vmem>>, %arg5: memref<1x64xf32, #tpu.memory_space<vmem>>, %arg6: memref<64x32xf32, #tpu.memory_space<vmem>>, %arg7: memref<2000x32xbf16, #tpu.memory_space<vmem>>) attributes {dimension_semantics = [#tpu.dimension_semantics<arbitrary>], iteration_bounds = array<i64: 5>, scalar_prefetch = 0 : i64, scratch_operands = 0 : i64, tpu.core_type = #tpu.core_type<tc>, window_params = [{transform_indices = @transform_0, window_bounds = array<i64: 2000, 64>}, {transform_indices = @transform_1, window_bounds = array<i64: 2000, 64>}, {transform_indices = @transform_2, window_bounds = array<i64: 2000, 64>}, {transform_indices = @transform_3, window_bounds = array<i64: 2000, 1>}, {pipeline_mode = #tpu.pipeline_mode<synchronous>, transform_indices = @transform_4, window_bounds = array<i64: 1, 64>}, {pipeline_mode = #tpu.pipeline_mode<synchronous>, transform_indices = @transform_5, window_bounds = array<i64: 64, 32>}, {transform_indices = @transform_6, window_bounds = array<i64: 2000, 32>}]} {
    %get3A = arith.constant 0 : index
    %get3A_0 = arith.constant 0 : index
    %get3A_1 = vector.load %arg1[%get3A, %get3A_0] : memref<2000x64xbf16, #tpu.memory_space<vmem>>, vector<2000x64xbf16>
    %convert_element_type3A = arith.extf %get3A_1 : vector<2000x64xbf16> to vector<2000x64xf32>
    %get3A_2 = arith.constant 0 : index
    %get3A_3 = arith.constant 0 : index
    %get3A_4 = vector.load %arg2[%get3A_2, %get3A_3] : memref<2000x64xbf16, #tpu.memory_space<vmem>>, vector<2000x64xbf16>
    %convert_element_type3A_5 = arith.extf %get3A_4 : vector<2000x64xbf16> to vector<2000x64xf32>
    %add3A = arith.addf %convert_element_type3A, %convert_element_type3A_5 : vector<2000x64xf32>
    %get3A_6 = arith.constant 0 : index
    %get3A_7 = arith.constant 0 : index
    %get3A_8 = vector.load %arg3[%get3A_6, %get3A_7] : memref<2000x64xbf16, #tpu.memory_space<vmem>>, vector<2000x64xbf16>
    %convert_element_type3A_9 = arith.extf %get3A_8 : vector<2000x64xbf16> to vector<2000x64xf32>
    %add3A_10 = arith.addf %add3A, %convert_element_type3A_9 : vector<2000x64xf32>
    %get3A_11 = arith.constant 0 : index
    %get3A_12 = arith.constant 0 : index
    %get3A_13 = vector.load %arg4[%get3A_11, %get3A_12] : memref<2000x1xf32, #tpu.memory_space<vmem>>, vector<2000x1xf32>
    %mul3A = vector.broadcast %get3A_13 : vector<2000x1xf32> to vector<2000x64xf32>
    %mul3A_14 = arith.mulf %mul3A, %add3A_10 : vector<2000x64xf32>
    %get3A_15 = arith.constant 0 : index
    %get3A_16 = arith.constant 0 : index
    %get3A_17 = vector.load %arg5[%get3A_15, %get3A_16] : memref<1x64xf32, #tpu.memory_space<vmem>>, vector<1x64xf32>
    %add3A_18 = vector.broadcast %get3A_17 : vector<1x64xf32> to vector<2000x64xf32>
    %add3A_19 = arith.addf %mul3A_14, %add3A_18 : vector<2000x64xf32>
    %max3A = arith.constant 0.000000e+00 : f32
    %max3A_20 = vector.broadcast %max3A : f32 to vector<2000x64xf32>
    %max3A_21 = arith.maximumf %add3A_19, %max3A_20 : vector<2000x64xf32>
    %get3A_22 = arith.constant 0 : index
    %get3A_23 = arith.constant 0 : index
    %get3A_24 = vector.load %arg6[%get3A_22, %get3A_23] : memref<64x32xf32, #tpu.memory_space<vmem>>, vector<64x32xf32>
    %dot_general3A = arith.constant dense<0.000000e+00> : vector<2000x32xf32>
    %dot_general3A_25 = tpu.matmul %max3A_21, %get3A_24, %dot_general3A {dimension_numbers = #tpu.dot_dimension_numbers<[1], [0], [0], [1], [0, 0, 1, 1], [], []>, transpose_lhs_hint = false} : vector<2000x64xf32>, vector<64x32xf32>, vector<2000x32xf32> -> vector<2000x32xf32>
    %get3A_26 = arith.constant 0 : index
    %get3A_27 = arith.constant 0 : index
    %get3A_28 = vector.load %arg4[%get3A_26, %get3A_27] : memref<2000x1xf32, #tpu.memory_space<vmem>>, vector<2000x1xf32>
    %mul3A_29 = vector.broadcast %get3A_28 : vector<2000x1xf32> to vector<2000x32xf32>
    %mul3A_30 = arith.mulf %dot_general3A_25, %mul3A_29 : vector<2000x32xf32>
    %convert_element_type3A_31 = arith.truncf %mul3A_30 : vector<2000x32xf32> to vector<2000x32xbf16>
    %swap3A = arith.constant 0 : index
    %swap3A_32 = arith.constant 0 : index
    %swap3A_33 = vector.load %arg7[%swap3A, %swap3A_32] : memref<2000x32xbf16, #tpu.memory_space<vmem>>, vector<2000x32xbf16>
    tpu.vector_store %arg7[%swap3A, %swap3A_32], %convert_element_type3A_31 {strides = array<i32>} : memref<2000x32xbf16, #tpu.memory_space<vmem>>, vector<2000x32xbf16>,
    return
  }
  func.func @transform_0(%arg0: i32) -> (i32, i32) {
    %c0_i32 = arith.constant 0 : i32
    %c0_i32_0 = arith.constant 0 : i32
    return %arg0, %c0_i32 : i32, i32
  }
  func.func @transform_1(%arg0: i32) -> (i32, i32) {
    %add3A = arith.constant 5 : i32
    %add3A_0 = arith.addi %add3A, %arg0 : i32
    %c0_i32 = arith.constant 0 : i32
    %c0_i32_1 = arith.constant 0 : i32
    return %add3A_0, %c0_i32 : i32, i32
  }
  func.func @transform_2(%arg0: i32) -> (i32, i32) {
    %c0_i32 = arith.constant 0 : i32
    %c0_i32_0 = arith.constant 0 : i32
    return %arg0, %c0_i32 : i32, i32
  }
  func.func @transform_3(%arg0: i32) -> (i32, i32) {
    %c0_i32 = arith.constant 0 : i32
    %c0_i32_0 = arith.constant 0 : i32
    return %arg0, %c0_i32 : i32, i32
  }
  func.func @transform_4(%arg0: i32) -> (i32, i32) {
    %c0_i32 = arith.constant 0 : i32
    %c0_i32_0 = arith.constant 0 : i32
    %c0_i32_1 = arith.constant 0 : i32
    return %c0_i32, %c0_i32_0 : i32, i32
  }
  func.func @transform_5(%arg0: i32) -> (i32, i32) {
    %c0_i32 = arith.constant 0 : i32
    %c0_i32_0 = arith.constant 0 : i32
    %c0_i32_1 = arith.constant 0 : i32
    return %c0_i32, %c0_i32_0 : i32, i32
  }
  func.func @transform_6(%arg0: i32) -> (i32, i32) {
    %c0_i32 = arith.constant 0 : i32
    %c0_i32_0 = arith.constant 0 : i32
    return %arg0, %c0_i32 : i32, i32
  }
}

module attributes {stable_mosaic.version = 14 : i64} {
  func.func @_tc3_body(%arg0: i32, %arg1: memref<2000x32xbf16, #tpu.memory_space<vmem>>, %arg2: memref<2000x32xbf16, #tpu.memory_space<vmem>>, %arg3: memref<2000x32xbf16, #tpu.memory_space<vmem>>, %arg4: memref<2000x1xf32, #tpu.memory_space<vmem>>, %arg5: memref<1x32xf32, #tpu.memory_space<vmem>>, %arg6: memref<2000x32xf32, #tpu.memory_space<vmem>>) attributes {dimension_semantics = [#tpu.dimension_semantics<arbitrary>], iteration_bounds = array<i64: 5>, scalar_prefetch = 0 : i64, scratch_operands = 0 : i64, tpu.core_type = #tpu.core_type<tc>, window_params = [{transform_indices = @transform_0, window_bounds = array<i64: 2000, 32>}, {transform_indices = @transform_1, window_bounds = array<i64: 2000, 32>}, {transform_indices = @transform_2, window_bounds = array<i64: 2000, 32>}, {transform_indices = @transform_3, window_bounds = array<i64: 2000, 1>}, {pipeline_mode = #tpu.pipeline_mode<synchronous>, transform_indices = @transform_4, window_bounds = array<i64: 1, 32>}, {transform_indices = @transform_5, window_bounds = array<i64: 2000, 32>}]} {
    %get3A = arith.constant 0 : index
    %get3A_0 = arith.constant 0 : index
    %get3A_1 = vector.load %arg1[%get3A, %get3A_0] : memref<2000x32xbf16, #tpu.memory_space<vmem>>, vector<2000x32xbf16>
    %convert_element_type3A = arith.extf %get3A_1 : vector<2000x32xbf16> to vector<2000x32xf32>
    %get3A_2 = arith.constant 0 : index
    %get3A_3 = arith.constant 0 : index
    %get3A_4 = vector.load %arg2[%get3A_2, %get3A_3] : memref<2000x32xbf16, #tpu.memory_space<vmem>>, vector<2000x32xbf16>
    %convert_element_type3A_5 = arith.extf %get3A_4 : vector<2000x32xbf16> to vector<2000x32xf32>
    %add3A = arith.addf %convert_element_type3A, %convert_element_type3A_5 : vector<2000x32xf32>
    %get3A_6 = arith.constant 0 : index
    %get3A_7 = arith.constant 0 : index
    %get3A_8 = vector.load %arg3[%get3A_6, %get3A_7] : memref<2000x32xbf16, #tpu.memory_space<vmem>>, vector<2000x32xbf16>
    %convert_element_type3A_9 = arith.extf %get3A_8 : vector<2000x32xbf16> to vector<2000x32xf32>
    %add3A_10 = arith.addf %add3A, %convert_element_type3A_9 : vector<2000x32xf32>
    %get3A_11 = arith.constant 0 : index
    %get3A_12 = arith.constant 0 : index
    %get3A_13 = vector.load %arg4[%get3A_11, %get3A_12] : memref<2000x1xf32, #tpu.memory_space<vmem>>, vector<2000x1xf32>
    %mul3A = vector.broadcast %get3A_13 : vector<2000x1xf32> to vector<2000x32xf32>
    %mul3A_14 = arith.mulf %mul3A, %add3A_10 : vector<2000x32xf32>
    %get3A_15 = arith.constant 0 : index
    %get3A_16 = arith.constant 0 : index
    %get3A_17 = vector.load %arg5[%get3A_15, %get3A_16] : memref<1x32xf32, #tpu.memory_space<vmem>>, vector<1x32xf32>
    %add3A_18 = vector.broadcast %get3A_17 : vector<1x32xf32> to vector<2000x32xf32>
    %add3A_19 = arith.addf %mul3A_14, %add3A_18 : vector<2000x32xf32>
    %reduce_max3A = arith.constant dense<0xFF800000> : vector<2000xf32>
    %reduce_max3A_20 = vector.multi_reduction <maximumf>, %add3A_19, %reduce_max3A [1] : vector<2000x32xf32> to vector<2000xf32>
    %broadcast_in_dim3A = vector.shape_cast %reduce_max3A_20 : vector<2000xf32> to vector<2000x1xf32>
    %sub3A = vector.broadcast %broadcast_in_dim3A : vector<2000x1xf32> to vector<2000x32xf32>
    %sub3A_21 = arith.subf %add3A_19, %sub3A : vector<2000x32xf32>
    %exp3A = math.exp %sub3A_21 : vector<2000x32xf32>
    %reduce_sum3A = arith.constant dense<0.000000e+00> : vector<2000xf32>
    %reduce_sum3A_22 = vector.multi_reduction <add>, %exp3A, %reduce_sum3A [1] : vector<2000x32xf32> to vector<2000xf32>
    %broadcast_in_dim3A_23 = vector.shape_cast %reduce_sum3A_22 : vector<2000xf32> to vector<2000x1xf32>
    %log3A = math.log %broadcast_in_dim3A_23 : vector<2000x1xf32>
    %add3A_24 = arith.addf %log3A, %broadcast_in_dim3A : vector<2000x1xf32>
    %sub3A_25 = vector.broadcast %add3A_24 : vector<2000x1xf32> to vector<2000x32xf32>
    %sub3A_26 = arith.subf %add3A_19, %sub3A_25 : vector<2000x32xf32>
    %swap3A = arith.constant 0 : index
    %swap3A_27 = arith.constant 0 : index
    %swap3A_28 = vector.load %arg6[%swap3A, %swap3A_27] : memref<2000x32xf32, #tpu.memory_space<vmem>>, vector<2000x32xf32>
    tpu.vector_store %arg6[%swap3A, %swap3A_27], %sub3A_26 {strides = array<i32>} : memref<2000x32xf32, #tpu.memory_space<vmem>>, vector<2000x32xf32>,
    return
  }
  func.func @transform_0(%arg0: i32) -> (i32, i32) {
    %c0_i32 = arith.constant 0 : i32
    %c0_i32_0 = arith.constant 0 : i32
    return %arg0, %c0_i32 : i32, i32
  }
  func.func @transform_1(%arg0: i32) -> (i32, i32) {
    %add3A = arith.constant 5 : i32
    %add3A_0 = arith.addi %add3A, %arg0 : i32
    %c0_i32 = arith.constant 0 : i32
    %c0_i32_1 = arith.constant 0 : i32
    return %add3A_0, %c0_i32 : i32, i32
  }
  func.func @transform_2(%arg0: i32) -> (i32, i32) {
    %c0_i32 = arith.constant 0 : i32
    %c0_i32_0 = arith.constant 0 : i32
    return %arg0, %c0_i32 : i32, i32
  }
  func.func @transform_3(%arg0: i32) -> (i32, i32) {
    %c0_i32 = arith.constant 0 : i32
    %c0_i32_0 = arith.constant 0 : i32
    return %arg0, %c0_i32 : i32, i32
  }
  func.func @transform_4(%arg0: i32) -> (i32, i32) {
    %c0_i32 = arith.constant 0 : i32
    %c0_i32_0 = arith.constant 0 : i32
    %c0_i32_1 = arith.constant 0 : i32
    return %c0_i32, %c0_i32_0 : i32, i32
  }
  func.func @transform_5(%arg0: i32) -> (i32, i32) {
    %c0_i32 = arith.constant 0 : i32
    %c0_i32_0 = arith.constant 0 : i32
    return %arg0, %c0_i32 : i32, i32
  }
}

</mosaic_0001>

<sc_bundles>
// kernel: kernel.11.cloned.1.call-start
scs
__scs_entry_jumppad:
0x0: {  	(pc) =	sbr.rel $0x88, $3  }
0x1: {  	(tag) =	ssettag $0x0;
	lr =	simm.s32 $0x1  }
0x2: {  	[smem:$0x3F9B] =	sst lr;
	_ =	strace $0xD0000000  }
0x3: {  	_ = 	snop  }
0x4: {  	_ = 	snop  }
0x5: {  	_ = 	snop  }
0x6: {  	_ = 	snop  }
0x7: {  	_ = 	snop  }
__scs_overlays_trampoline_lowered:
0x8: {  	[smem:$0x3FAA] =	sst s0  }
0x9: {  	[smem:$0x3FAB] =	sst s1  }
0xa: {  	[smem:$0x3FAC] =	sst s2  }
0xb: {  	[smem:$0x3FAD] =	sst s3  }
0xc: {  	[smem:$0x3FAE] =	sst s4  }
0xd: {  	[smem:$0x3FAF] =	sst s5  }
0xe: {  	[smem:$0x3FB0] =	sst s6  }
0xf: {  	[smem:$0x3FB1] =	sst s7  }
0x10: {  	[smem:$0x3FB2] =	sst s8  }
0x11: {  	[smem:$0x3FB3] =	sst s9;
	s0 =	simm.s32 @!p0 $0x0  }
0x12: {  	s1 =	sld [smem:$0x3F99];
	s0 =	simm.s32 @p0 $0x1  }
0x13: {  	[smem:$0x3FB4] =	sst s0;
	s0 =	simm.s32 @!p1 $0x0  }
0x14: {  	s2 =	sld [smem:$0x3F98];
	s0 =	simm.s32 @p1 $0x1  }
0x15: {  	[smem:$0x3FB5] =	sst s0;
	s0 =	simm.s32 @!p2 $0x0  }
0x16: {  	s3 =	sld [smem:$0x3FDB];
	s0 =	simm.s32 @p2 $0x1  }
0x17: {  	s4 =	simm.s32 $0x1BF5;
	[smem:$0x3FB7] =	sst s0  }
0x18: {  	s0 =	sld [smem:$0x3F9A];
	_ =	swait.ge [sflag:s4], $0x0  }
0x19: {  	s7 =	sld [smem:$0x3F9B]  }
0x1a: {  	s8 =	sadd.s32 $0xFFFFE003, lr  }
0x1b: {  	s9 =	sadd.s32 $0xFFFFFEF7, lr;
	s5 =	simm.s32 $0xFFFFFFFF;
	p2 =	slt.u32 s8, $0xFFFFF086  }
0x1c: {  	p1 =	slt.u32 s9, $0xF7A;
	s5 =	simm.s32 @!p2 $0x0  }
0x1d: {  	s5 =	simm.s32 @p1 $0x1;
	p0 =	seq.s32 s7, s2  }
0x1e: {  	s7 =	smul.u32 @!p0 $0xF7A, s2;
	p2 =	seq.s32 @!p0 s5, $0x0  }
0x1f: {  	s9 =	smul.u32 $0xF7A, s1;
	s8 =	simm.s32 @!p0 $0x1BF5;
	p2 =	por !p2, p0  }
0x20: {  	[sflag:s8] =	ssyncset.s32 @!p0 $0xFFFFF086;
	s6 =	sadd.s32 @!p0 s3, s7;
	s7 =	simm.s32 @!p0 $0x108  }
0x21: {  	s3 =	sadd.s32 s3, s9;
	s6 =	sadd.s32 @!p0 $0x88, s6;
	s7 =	simm.s32 @p2 $0x1082  }
0x22: {  	[simem:s7], [sflag:s8] =	dma.local @!p0 [hbm:s6], $0xF7A  }
0x23: {  	s9 =	sor.u32 $0xD0000000, s2;
	s6 =	simm.s32 $0x108;
	_ =	swait.ge @!p0 [sflag:s8], $0x0  }
0x24: {  	s3 =	sadd.s32 $0x88, s3;
	s6 =	simm.s32 @!p1 $0x1082;
	[sflag:s4] =	ssyncset.s32 $0xFFFFF086  }
0x25: {  	[simem:s6], [sflag:s4] =	dma.local [hbm:s3], $0xF7A  }
0x26: {  	[smem:$0x3F9B] =	sst s1;
	(tag) =	ssettag s2;
	_ =	strace s9  }
0x27: {  	s1 =	sld [smem:$0x3FAB]  }
0x28: {  	s2 =	sld [smem:$0x3FAC]  }
0x29: {  	s4 =	sld [smem:$0x3FAE]  }
0x2a: {  	p0 =	seq.s32 s5, $0x0;
	s5 =	sld [smem:$0x3FAF]  }
0x2b: {  	s6 =	sld [smem:$0x3FB0]  }
0x2c: {  	s7 =	sld [smem:$0x3FB1]  }
0x2d: {  	s3 =	simm.s32 $0x108;
	s8 =	sld [smem:$0x3FB2]  }
0x2e: {  	s3 =	simm.s32 @!p0 $0x1082;
	s9 =	sld [smem:$0x3FB3]  }
0x2f: {  	lr =	sadd.s32 s0, s3;
	s0 =	sld [smem:$0x3FAA]  }
0x30: {  	s3 =	sld [smem:$0x3FAD]  }
0x31: {  	[smem:$0x3FB6] =	sst s10  }
0x32: {  	s10 =	sld [smem:$0x3FB4];
	_ =	sdelay $0x3  }
0x33: {  	p0 =	seq.s32 s10, $0x1;
	s10 =	sld [smem:$0x3FB6];
	_ =	sdelay $0x3  }
0x34: {  	[smem:$0x3FB6] =	sst s10  }
0x35: {  	s10 =	sld [smem:$0x3FB5];
	_ =	sdelay $0x3  }
0x36: {  	p1 =	seq.s32 s10, $0x1;
	s10 =	sld [smem:$0x3FB6];
	_ =	sdelay $0x3  }
0x37: {  	[smem:$0x3FB6] =	sst s10  }
0x38: {  	s10 =	sld [smem:$0x3FB7]  }
0x39: {  	_ = 	snop;
	(pc) =	sbr.ind lr, $3  }
0x3a: {  	_ = 	snop  }
0x3b: {  	_ = 	snop  }
0x3c: {  	p2 =	seq.s32 s10, $0x1;
	s10 =	sld [smem:$0x3FB6]  }
0x3d: {  	_ =	shalt  }
0x3e: {  	_ =	shalt  }
0x3f: {  	_ =	shalt  }
0x40: {  	_ =	shalt  }
0x41: {  	_ =	shalt  }
0x42: {  	_ =	shalt  }
0x43: {  	_ =	shalt  }
0x44: {  	_ =	shalt  }
0x45: {  	_ =	shalt  }
0x46: {  	_ =	shalt  }
0x47: {  	_ =	shalt  }
0x48: {  	_ =	shalt  }
0x49: {  	_ =	shalt  }
0x4a: {  	_ =	shalt  }
0x4b: {  	_ =	shalt  }
0x4c: {  	_ =	shalt  }
0x4d: {  	_ =	shalt  }
0x4e: {  	_ =	shalt  }
0x4f: {  	_ =	shalt  }
0x50: {  	_ =	shalt  }
0x51: {  	_ =	shalt  }
0x52: {  	_ =	shalt  }
0x53: {  	_ =	shalt  }
0x54: {  	_ =	shalt  }
0x55: {  	_ =	shalt  }
0x56: {  	_ =	shalt  }
0x57: {  	_ =	shalt  }
0x58: {  	_ =	shalt  }
0x59: {  	_ =	shalt  }
0x5a: {  	_ =	shalt  }
0x5b: {  	_ =	shalt  }
0x5c: {  	_ =	shalt  }
0x5d: {  	_ =	shalt  }
0x5e: {  	_ =	shalt  }
0x5f: {  	_ =	shalt  }
0x60: {  	_ =	shalt  }
0x61: {  	_ =	shalt  }
0x62: {  	_ =	shalt  }
0x63: {  	_ =	shalt  }
0x64: {  	_ =	shalt  }
0x65: {  	_ =	shalt  }
0x66: {  	_ =	shalt  }
0x67: {  	_ =	shalt  }
0x68: {  	_ =	shalt  }
0x69: {  	_ =	shalt  }
0x6a: {  	_ =	shalt  }
0x6b: {  	_ =	shalt  }
0x6c: {  	_ =	shalt  }
0x6d: {  	_ =	shalt  }
0x6e: {  	_ =	shalt  }
0x6f: {  	_ =	shalt  }
0x70: {  	_ =	shalt  }
0x71: {  	_ =	shalt  }
0x72: {  	_ =	shalt  }
0x73: {  	_ =	shalt  }
0x74: {  	_ =	shalt  }
0x75: {  	_ =	shalt  }
0x76: {  	_ =	shalt  }
0x77: {  	_ =	shalt  }
0x78: {  	_ =	shalt  }
0x79: {  	_ =	shalt  }
0x7a: {  	_ =	shalt  }
0x7b: {  	_ =	shalt  }
0x7c: {  	_ =	shalt  }
0x7d: {  	_ =	shalt  }
0x7e: {  	_ =	shalt  }
0x7f: {  	_ =	shalt  }
0x80: {  	_ =	shalt  }
0x81: {  	_ =	shalt  }
0x82: {  	_ =	shalt  }
0x83: {  	_ =	shalt  }
0x84: {  	_ =	shalt  }
0x85: {  	_ =	shalt  }
0x86: {  	_ =	shalt  }
0x87: {  	_ =	shalt  }
.Lfunc_end0:
.L_simem_size_0:
called_computation.1_lowered:
.L_overlay_start_0:
0x88: {  	s2 =	sld [smem:$0x3FD9]  }
0x89: {  	s3 =	sld [smem:$0x3FFE];
	_ =	sdelay $0x1  }
0x8a: {  	s1 =	srdreg.scid  }
0x8b: {  	s0 =	sand.u32 $0x1, s1  }
0x8c: {  	s17 =	sshll.u32 s0, $0xA;
	s2 =	sadd.s32 s3, s2  }
0x8d: {  	s2 =	sadd.s32 s2, s17  }
0x8e: {  	[smem:$0x3FC2] =	sst s2  }
0x8f: {  	_ = 	snop  }
0x90: {  	s2 =	sld [smem:$0x3FD0];
	(tm) =	ssettm $0x1  }
0x91: {  	s18 =	sld [smem:$0x3FFB];
	_ =	sdelay $0x3  }
0x92: {  	_ =	strace s18  }
0x93: {  	s3 =	sld [smem:$0x3FFC];
	_ =	sdelay $0x3  }
0x94: {  	_ =	strace s3  }
0x95: {  	s3 =	sld [smem:$0x3FFD];
	_ =	sdelay $0x3  }
0x96: {  	_ =	strace s3  }
0x97: {  	_ =	strace $0x8FFFFFFF  }
0x98: {  	s19 =	sld [smem:$0x3FDB];
	_ =	sdelay $0x1  }
0x99: {  	s4 =	simm.s32 $_scs_section_size  }
0x9a: {  	s5 =	simm.s32 $_size__tile_overlayer_lowered;
	s6 =	simm.s32 $_tile_overlayer_lowered  }
0x9b: {  	s22 =	simm.s32 $0x1BFF;
	s21 =	sshll.u32 s6, $0x1;
	s3 =	sadd.s32 s4, s19  }
0x9c: {  	s7 =	simm.s32 $0x0;
	s20 =	sshll.u32 s5, $0x1;
	s5 =	sadd.s32 s21, s3  }
0x9d: {  	[timem:s7], [sflag:s22] =	dma.local [hbm:s5], s20  }
0x9e: {  	_ =	swait.ge [sflag:s22], s20  }
0x9f: {  	s4 =	ssub.s32 $0x0, s20;
	[sflag:s22] =	ssyncset.done $0x0  }
0xa0: {  	[sflag:s22] =	ssyncadd.s32 s4;
	_ =	sdelay $0x1  }
0xa1: {  	s23 =	simm.s32 $0x1B8B  }
0xa2: {  	_ =	swait.ge [sflag:s23], $0x1  }
0xa3: {  	[sflag:s23] =	ssyncset.done $0x0  }
0xa4: {  	s25 =	simm.s32 $0x1B8E;
	s24 =	sld [smem:$0x3FFE];
	[sflag:s23] =	ssyncadd.s32 $0xFFFFFFFF  }
0xa5: {  	s26 =	simm.s32 $execute0_lowered;
	[smem:$0x3FD2] =	sst s25  }
0xa6: {  	s5 =	sshll.u32 s26, $0x1;
	_ =	strace $0x80000049;
	[dreg:$0x1] =	wrdreg $0xFFFFFFFF  }
0xa7: {  	s28 =	simm.s32 $_size_execute0_lowered;
	s3 =	sadd.s32 s3, s5;
	[dreg:$0x0] =	wrdreg $0x0  }
0xa8: {  	s5 =	sshll.u32 s28, $0x1;
	[dreg:$0x2] =	wrdreg s3  }
0xa9: {  	[dreg:$0x3] =	wrdreg s5  }
0xaa: {  	[dreg:$0x4] =	wrdreg $0xC0  }
0xab: {  	_ =	task [dreg:s7], $0x5FFFF  }
0xac: {  	[dreg:$0x1] =	wrdreg $0xFFFFFFFF  }
0xad: {  	[dreg:$0x0] =	wrdreg $0x60  }
0xae: {  	[dreg:$0x2] =	wrdreg s2  }
0xaf: {  	[dreg:$0x3] =	wrdreg s24  }
0xb0: {  	[dreg:$0x4] =	wrdreg $0x0  }
0xb1: {  	[dreg:$0x5] =	wrdreg $0x9  }
0xb2: {  	_ =	task.clear_ibuf [dreg:s7], $0x6FFFF;
	_ =	strace $0x90000049  }
0xb3: {  	s29 =	simm.s32 $0x9;
	_ =	strace $0x8000004B  }
0xb4: {  	_ =	swait.ge [sflag:s29], $0x1  }
0xb5: {  	[sflag:s29] =	ssyncadd.s32 $0xFFFFFFFF  }
0xb6: {  	_ =	strace $0x9000004B  }
0xb7: {  	_ =	sfence  }
0xb8: {  	s30 =	sld [smem:$0x0];
	_ =	sdelay $0x2  }
0xb9: {  	s31 =	sshll.u32 s1, $0xD;
	s1 =	sshrl.u32 s1, $0x2  }
0xba: {  	s3 =	sand.u32 $0x4000, s31;
	s1 =	sadd.s32 s1, s30  }
0xbb: {  	s0 =	sor.u32 s3, s0;
	s1 =	sshll.u32 s1, $0x11  }
0xbc: {  	s0 =	sor.u32 s1, s0  }
0xbd: {  	s0 =	sadd.s32 $0x8F2B, s0  }
0xbe: {  	[sflag:s0] =	ssyncadd.remote.s32 $0x1  }
0xbf: {  	_ =	sfence.sel $0xFFFF  }
0xc0: {  	[dreg:$0x0] =	wrdreg $0xFFFFFFFF;
	(pc) =	sbr.abs _section_cstart, $3  }
0xc1: {  	[dreg:$0x1] =	wrdreg $0xFFFFFFFF  }
0xc2: {  	_ =	task.clear_ibuf [dreg:s7], $0x2FFFF;
	_ =	strace $0x9FFFFFFF  }
0xc3: {  	(tm) =	ssettm $0x7FFFFFFF  }
tec
execute0_lowered:
.L_overlay_start_1:
0x0: {  	(tag) =	ssettag $0x1  }
0x1: {  	s2 =	rddreg [dreg:$0x0]  }
0x2: {  	s0 =	srdreg.scid;
	s4 =	rddreg [dreg:$0x1]  }
0x3: {  	s9 =	stileid.u32;
	s3 =	rddreg [dreg:$0x2];
	s7 =	simm.s32 $0x0  }
0x4: {  	s12 =	simm.s32 $0x11;
	s15 =	simm.s32 $0x7D;
	s16 =	simm.s32 $0x9E20  }
0x5: {  	s18 =	simm.s32 $0xADC0;
	s29 =	simm.s32 $0xFBE0;
	s30 =	simm.s32 $0x1  }
0x6: {  	s31 =	simm.s32 $0x10B80;
	s14 =	simm.s32 $0x4;
	s17 =	simm.s32 $0xB  }
0x7: {  	s19 =	simm.s32 $0x6;
	s20 =	simm.s32 $0xD;
	s21 =	simm.s32 $0x8  }
0x8: {  	s0 =	sand.u32 $0x1, s0;
	s1 =	sshll.u32 s9, $0x1;
	s5 =	smul.u32 $0x9C40, s9  }
0x9: {  	s6 =	smul.u32 $0x9C4, s9;
	[smem:$0x7FF] =	sst s7;
	s24 =	sshll.u32 s9, $0x6  }
0xa: {  	s1 =	sor.u32 s0, s1;
	s22 =	smul.u32 $0x9C40, s0;
	_ =	strace $0x8000004A  }
0xb: {  	s0 =	ssub.s32 $0x2, s0;
	s1 =	smul.u32 $0x500, s1;
	s8 =	sshrl.u32 s5, $0x4  }
0xc: {  	s23 =	sshrl.u32 s0, $0x1;
	s5 =	sshrl.u32 s5, $0x1;
	s8 =	sadd.s32 s8, s4  }
0xd: {  	s6 =	sadd.s32 s6, s22;
	s0 =	ssub.s32 s0, s23;
	s5 =	sadd.s32 s5, s3  }
0xe: {  	s22 =	simm.s32 $0xCD00;
	s23 =	simm.s32 $0xF;
	s1 =	sadd.s32 s1, s4  }
0xf: {  	s4 =	sadd.s32 s6, s4;
	s25 =	sadd.s32 $0x1A800, s8;
	s6 =	sor.u32 $0x1C11, s24  }
.Ltmp0:
0x10: {  	s0 =	smax.u32 s0, $0x1;
	[dreg:$0x4] =	wrdreg s25;
	(pc) =	sbr.rel .LBB2_1-.Ltmp0, $4  }
0x11: {  	s11 =	sshrl.u32 s5, $0x3;
	s26 =	sadd.s32 $0x10800, s1;
	[dreg:$0x8] =	wrdreg s0  }
0x12: {  	s1 =	sadd.s32 $0x1600, s1;
	s28 =	sadd.s32 $0x24600, s4;
	[dreg:$0x5] =	wrdreg s26  }
0x13: {  	s0 =	simm.s32 $0x9;
	s25 =	simm.s32 $0x0;
	[dreg:$0x6] =	wrdreg s1  }
0x14: {  	[dreg:$0x7] =	wrdreg s28;
	s26 =	simm.s32 $0xEC40;
	s1 =	simm.s32 $0x2  }
.LBB2_4:
0x15: {  	s4 =	simm.s32 $0x10  }
0x16: {  	_ =	swait.ge [sflag:s4], $0xFA0  }
0x17: {  	[sflag:s4] =	ssyncset.done $0x0  }
0x18: {  	[sflag:s4] =	ssyncadd.s32 $0xFFFFF060  }
0x19: {  	[bflag:$0x0] =	sbarrier.arrive $0xFFFF  }
0x1a: {  	s24 =	rddreg [dreg:$0x7]  }
0x1b: {  	[hbm:s24], [sflag:s6] =	dma.local [spmem:s11], $0x9C4  }
0x1c: {  	_ =	swait.ge [sflag:s12], $0x9C4  }
0x1d: {  	s25 =	sadd.s32 $0x1, s25;
	s28 =	rddreg [dreg:$0x8]  }
0x1e: {  	p0 =	sne.s32 s25, s28  }
.Ltmp1:
0x1f: {  	_ = 	snop;
	(pc) =	sbr.rel @!p0 .LBB2_5-.Ltmp1, $3  }
0x20: {  	_ =	sdelay $0x1  }
0x21: {  	[sflag:s12] =	ssyncset.done $0x0  }
0x22: {  	[sflag:s12] =	ssyncadd.s32 $0xFFFFF63C  }
.LBB2_1:
0x23: {  	s4 =	rddreg [dreg:$0x4]  }
0x24: {  	[spmem:s11], [sflag:s6] =	dma.local [hbm:s4], $0x9C4  }
0x25: {  	_ =	swait.ge [sflag:s12], $0x9C4  }
0x26: {  	s10 =	simm.s32 $0x0;
	[sflag:s12] =	ssyncset.done $0x0  }
0x27: {  	s7 =	simm.s32 $0x4E20;
	s5 =	rddreg [dreg:$0x5];
	[sflag:s12] =	ssyncadd.s32 $0xFFFFF63C  }
0x28: {  	[tilespmem:s7], [sflag:$0x11] =	stream.linear.gather [hbm4b:s5+s10], $0x2800, $0x38;
	[tilespmem:$0x11B20] =	vst v63  }
0x29: {  	_ =	swait.ge [sflag:s12], $0x2800  }
0x2a: {  	[sflag:s12] =	ssyncset.done $0x0  }
0x2b: {  	s8 =	simm.s32 $0x7620;
	s13 =	rddreg [dreg:$0x6];
	[sflag:s12] =	ssyncadd.s32 $0xFFFFD800  }
0x2c: {  	[tilespmem:s8], [sflag:$0x11] =	stream.linear.gather [hbm4b:s13+s10], $0x2800, $0x38;
	[tilespmem:$0x11B20] =	vst v63  }
0x2d: {  	_ =	swait.ge [sflag:s12], $0x2800  }
0x2e: {  	[sflag:s12] =	ssyncset.done $0x0  }
0x2f: {  	[sflag:s12] =	ssyncadd.s32 $0xFFFFD800  }
0x30: {  	[bflag:$0x0] =	sbarrier.arrive $0xFFFF  }
0x31: {  	[tilespmem:s16], [sflag:$0x1] =	stream.indirect.gather [hbm4b:s2+s15], $0x20, s7, s15, $0xb8;
	[tilespmem:$0x11B20] =	vst v63  }
0x32: {  	s24 =	simm.s32 $0x4EA0  }
0x33: {  	[tilespmem:s18], [sflag:$0x2] =	stream.indirect.gather [hbm4b:s2+s15], $0x20, s24, s15, $0xb8;
	[tilespmem:$0x11B20] =	vst v63  }
0x34: {  	s5 =	simm.s32 $0x4F20;
	s7 =	simm.s32 $0xBD60  }
0x35: {  	[tilespmem:s7], [sflag:$0x3] =	stream.indirect.gather [hbm4b:s2+s15], $0x20, s5, s15, $0xb8;
	[tilespmem:$0x11B20] =	vst v63  }
0x36: {  	s8 =	simm.s32 $0x4FA0  }
0x37: {  	[tilespmem:s22], [sflag:$0x4] =	stream.indirect.gather [hbm4b:s2+s15], $0x20, s8, s15, $0xb8;
	[tilespmem:$0x11B20] =	vst v63  }
0x38: {  	s9 =	simm.s32 $0x5020;
	s10 =	simm.s32 $0xDCA0  }
0x39: {  	[tilespmem:s10], [sflag:$0x5] =	stream.indirect.gather [hbm4b:s2+s15], $0x20, s9, s15, $0xb8;
	[tilespmem:$0x11B20] =	vst v63  }
0x3a: {  	s13 =	simm.s32 $0x50A0  }
0x3b: {  	[tilespmem:s26], [sflag:$0x6] =	stream.indirect.gather [hbm4b:s2+s15], $0x20, s13, s15, $0xb8;
	[tilespmem:$0x11B20] =	vst v63  }
0x3c: {  	s28 =	simm.s32 $0x0;
	s24 =	simm.s32 $0x5120  }
0x3d: {  	[tilespmem:s29], [sflag:$0x7] =	stream.indirect.gather [hbm4b:s2+s15], $0x20, s24, s15, $0xb8;
	[tilespmem:$0x11B20] =	vst v63  }
.LBB2_2:
0x3e: {  	_ =	swait.ge [sflag:s30], $0xFA0  }
0x3f: {  	s4 =	sshra.s32 s28, $0x2;
	[sflag:s30] =	ssyncset.done $0x0  }
0x40: {  	p0 =	seq.s32 s28, $0x0;
	s5 =	sadd.s32 $0x7620, s4;
	[sflag:s30] =	ssyncadd.s32 $0xFFFFF060  }
0x41: {  	[spmem:s3] =	stream.indirect.scatter.add.bf16 [tilespmem:s16], [sflag:$0x9], $0x20, s5, s15, $0xb8;
	[tilespmem:$0x11B20] =	vst v63  }
0x42: {  	s5 =	simm.s32 @!p0 $0x10  }
0x43: {  	_ =	swait.ge @!p0 [sflag:s5], $0xFA0  }
0x44: {  	[sflag:s5] =	ssyncset.done @!p0 $0x0  }
0x45: {  	s10 =	sadd.s32 $0x51A0, s4;
	[sflag:s5] =	ssyncadd.s32 @!p0 $0xFFFFF060  }
0x46: {  	[tilespmem:s31], [sflag:$0x8] =	stream.indirect.gather [hbm4b:s2+s15], $0x20, s10, s15, $0xb8;
	[tilespmem:$0x11B20] =	vst v63  }
0x47: {  	_ =	swait.ge [sflag:s1], $0xFA0  }
0x48: {  	[sflag:s1] =	ssyncset.done $0x0  }
0x49: {  	s13 =	sadd.s32 $0x76A0, s4;
	[sflag:s1] =	ssyncadd.s32 $0xFFFFF060  }
0x4a: {  	[spmem:s3] =	stream.indirect.scatter.add.bf16 [tilespmem:s18], [sflag:$0xA], $0x20, s13, s15, $0xb8;
	[tilespmem:$0x11B20] =	vst v63  }
0x4b: {  	_ =	swait.ge [sflag:s0], $0xFA0  }
0x4c: {  	p0 =	seq.s32 s28, $0x9000;
	[sflag:s0] =	ssyncset.done $0x0  }
0x4d: {  	s5 =	simm.s32 @p0 $0x3;
	[sflag:s0] =	ssyncadd.s32 $0xFFFFF060  }
0x4e: {  	_ =	swait.ge @p0 [sflag:s5], $0xFA0  }
0x4f: {  	s8 =	sshra.s32 @p0 s28, $0x2;
	s9 =	simm.s32 @p0 $0x7D;
	[sflag:s5] =	ssyncset.done @p0 $0x0  }
0x50: {  	s7 =	simm.s32 @p0 $0xBD60;
	[sflag:s5] =	ssyncadd.s32 @p0 $0xFFFFF060;
	s5 =	sadd.s32 @p0 $0x7720, s8  }
0x51: {  	[spmem:s3] =	stream.indirect.scatter.add.bf16 @p0 [tilespmem:s7], [sflag:$0xB], $0x20, s5, s9, $0xb8;
	[tilespmem:$0x11B20] =	vst v63  }
0x52: {  	s5 =	simm.s32 @p0 $0xA  }
0x53: {  	_ =	swait.ge @p0 [sflag:s5], $0xFA0  }
0x54: {  	[sflag:s5] =	ssyncset.done @p0 $0x0  }
0x55: {  	[sflag:s5] =	ssyncadd.s32 @p0 $0xFFFFF060;
	s5 =	sshra.s32 @!p0 s28, $0x2  }
0x56: {  	s10 =	simm.s32 @!p0 $0x9E20;
	s7 =	simm.s32 @!p0 $0x7D;
	s13 =	sadd.s32 @!p0 $0x5220, s5  }
0x57: {  	[tilespmem:s10], [sflag:$0x1] =	stream.indirect.gather @!p0 [hbm4b:s2+s7], $0x20, s13, s7, $0xb8;
	[tilespmem:$0x11B20] =	vst v63  }
0x58: {  	s10 =	simm.s32 @!p0 $0x3  }
0x59: {  	_ =	swait.ge @!p0 [sflag:s10], $0xFA0  }
0x5a: {  	[sflag:s10] =	ssyncset.done @!p0 $0x0  }
0x5b: {  	s13 =	simm.s32 @!p0 $0xBD60;
	[sflag:s10] =	ssyncadd.s32 @!p0 $0xFFFFF060;
	s10 =	sadd.s32 @!p0 $0x7720, s5  }
0x5c: {  	[spmem:s3] =	stream.indirect.scatter.add.bf16 @!p0 [tilespmem:s13], [sflag:$0xB], $0x20, s10, s7, $0xb8;
	[tilespmem:$0x11B20] =	vst v63  }
0x5d: {  	s10 =	simm.s32 @!p0 $0xA  }
0x5e: {  	_ =	swait.ge @!p0 [sflag:s10], $0xFA0  }
0x5f: {  	[sflag:s10] =	ssyncset.done @!p0 $0x0  }
0x60: {  	s24 =	simm.s32 @!p0 $0xADC0;
	[sflag:s10] =	ssyncadd.s32 @!p0 $0xFFFFF060;
	s10 =	sadd.s32 @!p0 $0x52A0, s5  }
0x61: {  	[tilespmem:s24], [sflag:$0x2] =	stream.indirect.gather @!p0 [hbm4b:s2+s7], $0x20, s10, s7, $0xb8;
	[tilespmem:$0x11B20] =	vst v63  }
0x62: {  	_ =	swait.ge [sflag:s14], $0xFA0  }
0x63: {  	[sflag:s14] =	ssyncset.done $0x0  }
0x64: {  	s24 =	sadd.s32 $0x77A0, s4;
	[sflag:s14] =	ssyncadd.s32 $0xFFFFF060  }
0x65: {  	[spmem:s3] =	stream.indirect.scatter.add.bf16 [tilespmem:s22], [sflag:$0xC], $0x20, s24, s15, $0xb8;
	[tilespmem:$0x11B20] =	vst v63  }
0x66: {  	_ =	swait.ge [sflag:s17], $0xFA0  }
0x67: {  	[sflag:s17] =	ssyncset.done $0x0  }
0x68: {  	s10 =	simm.s32 @p0 $0x5;
	[sflag:s17] =	ssyncadd.s32 $0xFFFFF060  }
0x69: {  	_ =	swait.ge @p0 [sflag:s10], $0xFA0  }
0x6a: {  	[sflag:s10] =	ssyncset.done @p0 $0x0  }
0x6b: {  	s24 =	simm.s32 @p0 $0xDCA0;
	[sflag:s10] =	ssyncadd.s32 @p0 $0xFFFFF060;
	s10 =	sadd.s32 @p0 $0x7820, s8  }
0x6c: {  	[spmem:s3] =	stream.indirect.scatter.add.bf16 @p0 [tilespmem:s24], [sflag:$0xD], $0x20, s10, s9, $0xb8;
	[tilespmem:$0x11B20] =	vst v63  }
0x6d: {  	s10 =	simm.s32 @p0 $0xC  }
0x6e: {  	_ =	swait.ge @p0 [sflag:s10], $0xFA0  }
0x6f: {  	[sflag:s10] =	ssyncset.done @p0 $0x0  }
0x70: {  	[sflag:s10] =	ssyncadd.s32 @p0 $0xFFFFF060;
	s10 =	sadd.s32 @!p0 $0x5320, s5  }
0x71: {  	[tilespmem:s13], [sflag:$0x3] =	stream.indirect.gather @!p0 [hbm4b:s2+s7], $0x20, s10, s7, $0xb8;
	[tilespmem:$0x11B20] =	vst v63  }
0x72: {  	s10 =	simm.s32 @!p0 $0x5  }
0x73: {  	_ =	swait.ge @!p0 [sflag:s10], $0xFA0  }
0x74: {  	[sflag:s10] =	ssyncset.done @!p0 $0x0  }
0x75: {  	s13 =	simm.s32 @!p0 $0xDCA0;
	[sflag:s10] =	ssyncadd.s32 @!p0 $0xFFFFF060;
	s10 =	sadd.s32 @!p0 $0x7820, s5  }
0x76: {  	[spmem:s3] =	stream.indirect.scatter.add.bf16 @!p0 [tilespmem:s13], [sflag:$0xD], $0x20, s10, s7, $0xb8;
	[tilespmem:$0x11B20] =	vst v63  }
0x77: {  	s10 =	simm.s32 @!p0 $0xC  }
0x78: {  	_ =	swait.ge @!p0 [sflag:s10], $0xFA0  }
0x79: {  	[sflag:s10] =	ssyncset.done @!p0 $0x0  }
0x7a: {  	s24 =	simm.s32 @!p0 $0xCD00;
	[sflag:s10] =	ssyncadd.s32 @!p0 $0xFFFFF060;
	s10 =	sadd.s32 @!p0 $0x53A0, s5  }
0x7b: {  	[tilespmem:s24], [sflag:$0x4] =	stream.indirect.gather @!p0 [hbm4b:s2+s7], $0x20, s10, s7, $0xb8;
	[tilespmem:$0x11B20] =	vst v63  }
0x7c: {  	_ =	swait.ge [sflag:s19], $0xFA0  }
0x7d: {  	[sflag:s19] =	ssyncset.done $0x0  }
0x7e: {  	s24 =	sadd.s32 $0x78A0, s4;
	[sflag:s19] =	ssyncadd.s32 $0xFFFFF060  }
0x7f: {  	[spmem:s3] =	stream.indirect.scatter.add.bf16 [tilespmem:s26], [sflag:$0xE], $0x20, s24, s15, $0xb8;
	[tilespmem:$0x11B20] =	vst v63  }
0x80: {  	_ =	swait.ge [sflag:s20], $0xFA0  }
0x81: {  	[sflag:s20] =	ssyncset.done $0x0  }
0x82: {  	s10 =	simm.s32 @p0 $0x7;
	[sflag:s20] =	ssyncadd.s32 $0xFFFFF060  }
0x83: {  	_ =	swait.ge @p0 [sflag:s10], $0xFA0  }
0x84: {  	[sflag:s10] =	ssyncset.done @p0 $0x0  }
0x85: {  	s8 =	sadd.s32 @p0 $0x7920, s8;
	[sflag:s10] =	ssyncadd.s32 @p0 $0xFFFFF060;
	s10 =	simm.s32 @p0 $0xFBE0  }
0x86: {  	[spmem:s3] =	stream.indirect.scatter.add.bf16 @p0 [tilespmem:s10], [sflag:$0xF], $0x20, s8, s9, $0xb8;
	[tilespmem:$0x11B20] =	vst v63  }
0x87: {  	s8 =	simm.s32 @p0 $0xE  }
0x88: {  	_ =	swait.ge @p0 [sflag:s8], $0xFA0  }
0x89: {  	[sflag:s8] =	ssyncset.done @p0 $0x0  }
0x8a: {  	[sflag:s8] =	ssyncadd.s32 @p0 $0xFFFFF060;
	s8 =	sadd.s32 @!p0 $0x5420, s5  }
0x8b: {  	[tilespmem:s13], [sflag:$0x5] =	stream.indirect.gather @!p0 [hbm4b:s2+s7], $0x20, s8, s7, $0xb8;
	[tilespmem:$0x11B20] =	vst v63  }
0x8c: {  	s8 =	simm.s32 @!p0 $0x7  }
0x8d: {  	_ =	swait.ge @!p0 [sflag:s8], $0xFA0  }
0x8e: {  	[sflag:s8] =	ssyncset.done @!p0 $0x0  }
0x8f: {  	s9 =	simm.s32 @!p0 $0xFBE0;
	[sflag:s8] =	ssyncadd.s32 @!p0 $0xFFFFF060;
	s8 =	sadd.s32 @!p0 $0x7920, s5  }
0x90: {  	[spmem:s3] =	stream.indirect.scatter.add.bf16 @!p0 [tilespmem:s9], [sflag:$0xF], $0x20, s8, s7, $0xb8;
	[tilespmem:$0x11B20] =	vst v63  }
0x91: {  	s8 =	simm.s32 @!p0 $0xE  }
0x92: {  	_ =	swait.ge @!p0 [sflag:s8], $0xFA0  }
0x93: {  	[sflag:s8] =	ssyncset.done @!p0 $0x0  }
0x94: {  	s5 =	sadd.s32 @!p0 $0x54A0, s5;
	[sflag:s8] =	ssyncadd.s32 @!p0 $0xFFFFF060;
	s8 =	simm.s32 @!p0 $0xEC40  }
0x95: {  	[tilespmem:s8], [sflag:$0x6] =	stream.indirect.gather @!p0 [hbm4b:s2+s7], $0x20, s5, s7, $0xb8;
	[tilespmem:$0x11B20] =	vst v63  }
0x96: {  	_ =	swait.ge [sflag:s21], $0xFA0  }
0x97: {  	[sflag:s21] =	ssyncset.done $0x0  }
.Ltmp2:
0x98: {  	s24 =	sadd.s32 $0x79A0, s4;
	[sflag:s21] =	ssyncadd.s32 $0xFFFFF060;
	(pc) =	sbr.rel @p0 .LBB2_4-.Ltmp2, $4  }
0x99: {  	[spmem:s3] =	stream.indirect.scatter.add.bf16 [tilespmem:s31], [sflag:$0x10], $0x20, s24, s15, $0xb8;
	[tilespmem:$0x11B20] =	vst v63  }
0x9a: {  	_ =	swait.ge [sflag:s23], $0xFA0  }
0x9b: {  	[sflag:s23] =	ssyncset.done $0x0  }
0x9c: {  	[sflag:s23] =	ssyncadd.s32 $0xFFFFF060  }
.Ltmp3:
0x9d: {  	(pc) =	sbr.rel .LBB2_2-.Ltmp3, $3  }
0x9e: {  	_ =	sdelay $0x1  }
0x9f: {  	s4 =	sadd.s32 $0x5520, s4;
	s28 =	sadd.s32 $0x1000, s28  }
0xa0: {  	[tilespmem:s29], [sflag:$0x7] =	stream.indirect.gather [hbm4b:s2+s15], $0x20, s4, s15, $0xb8;
	[tilespmem:$0x11B20] =	vst v63  }
.LBB2_5:
0xa1: {  	_ =	sfence.sel $0x180000  }
0xa2: {  	[bflag:$0x0] =	sbarrier.arrive $0xFFFF  }
0xa3: {  	_ =	strace $0x9000004A  }
0xa4: {  	s0 =	stileid.u32;
	[bflag:$0x2] =	sbarrier.arrive $0xFFFF  }
0xa5: {  	p0 =	sne.s32 s0, $0x0;
	s0 =	rddreg [dreg:$0x3]  }
0xa6: {  	s0 =	sadd.s32 @!p0 $0x100000, s0  }
0xa7: {  	[sflag:s0] =	ssyncadd.tile.s32 @!p0 $0x1;
	_ =	shalt  }
.Lfunc_end2:
_tile_overlayer_lowered:
.L_overlay_start_2:
0xa8: {  	(tag) =	ssettag $0x2  }
0xa9: {  	s0 =	rddreg [dreg:$0x0];
	s2 =	stileid.u32  }
0xaa: {  	s1 =	rddreg [dreg:$0x1];
	p0 =	sne.s32 s2, $0x0  }
0xab: {  	s3 =	rddreg [dreg:$0x2];
	[bflag:$0x3] =	sbarrier.arrive $0xFFFF;
	s2 =	simm.s32 @!p0 $0x1C11  }
0xac: {  	[timem:s3], [sflag:s2] =	dma.local @!p0 [hbm:s0], s1  }
0xad: {  	s0 =	simm.s32 @!p0 $0x11  }
0xae: {  	_ =	swait.ge @!p0 [sflag:s0], s1  }
0xaf: {  	s1 =	ssub.s32 @!p0 $0x0, s1;
	[sflag:s0] =	ssyncset.done @!p0 $0x0  }
0xb0: {  	[sflag:s0] =	ssyncadd.s32 @!p0 s1  }
0xb1: {  	[bflag:$0x3] =	sbarrier.arrive $0xFFFF  }
0xb2: {  	_ =	shalt  }

// kernel: kernel.14.cloned.1.call-start
scs
__scs_entry_jumppad:
0x0: {  	(pc) =	sbr.rel $0x88, $3  }
0x1: {  	(tag) =	ssettag $0x0;
	lr =	simm.s32 $0x1  }
0x2: {  	[smem:$0x3F9B] =	sst lr;
	_ =	strace $0xD0000000  }
0x3: {  	_ = 	snop  }
0x4: {  	_ = 	snop  }
0x5: {  	_ = 	snop  }
0x6: {  	_ = 	snop  }
0x7: {  	_ = 	snop  }
__scs_overlays_trampoline_lowered:
0x8: {  	[smem:$0x3FAA] =	sst s0  }
0x9: {  	[smem:$0x3FAB] =	sst s1  }
0xa: {  	[smem:$0x3FAC] =	sst s2  }
0xb: {  	[smem:$0x3FAD] =	sst s3  }
0xc: {  	[smem:$0x3FAE] =	sst s4  }
0xd: {  	[smem:$0x3FAF] =	sst s5  }
0xe: {  	[smem:$0x3FB0] =	sst s6  }
0xf: {  	[smem:$0x3FB1] =	sst s7  }
0x10: {  	[smem:$0x3FB2] =	sst s8  }
0x11: {  	[smem:$0x3FB3] =	sst s9;
	s0 =	simm.s32 @!p0 $0x0  }
0x12: {  	s1 =	sld [smem:$0x3F99];
	s0 =	simm.s32 @p0 $0x1  }
0x13: {  	[smem:$0x3FB4] =	sst s0;
	s0 =	simm.s32 @!p1 $0x0  }
0x14: {  	s2 =	sld [smem:$0x3F98];
	s0 =	simm.s32 @p1 $0x1  }
0x15: {  	[smem:$0x3FB5] =	sst s0;
	s0 =	simm.s32 @!p2 $0x0  }
0x16: {  	s3 =	sld [smem:$0x3FDB];
	s0 =	simm.s32 @p2 $0x1  }
0x17: {  	s4 =	simm.s32 $0x1BF5;
	[smem:$0x3FB7] =	sst s0  }
0x18: {  	s0 =	sld [smem:$0x3F9A];
	_ =	swait.ge [sflag:s4], $0x0  }
0x19: {  	s7 =	sld [smem:$0x3F9B]  }
0x1a: {  	s8 =	sadd.s32 $0xFFFFE003, lr  }
0x1b: {  	s9 =	sadd.s32 $0xFFFFFEF7, lr;
	s5 =	simm.s32 $0xFFFFFFFF;
	p2 =	slt.u32 s8, $0xFFFFF086  }
0x1c: {  	p1 =	slt.u32 s9, $0xF7A;
	s5 =	simm.s32 @!p2 $0x0  }
0x1d: {  	s5 =	simm.s32 @p1 $0x1;
	p0 =	seq.s32 s7, s2  }
0x1e: {  	s7 =	smul.u32 @!p0 $0xF7A, s2;
	p2 =	seq.s32 @!p0 s5, $0x0  }
0x1f: {  	s9 =	smul.u32 $0xF7A, s1;
	s8 =	simm.s32 @!p0 $0x1BF5;
	p2 =	por !p2, p0  }
0x20: {  	[sflag:s8] =	ssyncset.s32 @!p0 $0xFFFFF086;
	s6 =	sadd.s32 @!p0 s3, s7;
	s7 =	simm.s32 @!p0 $0x108  }
0x21: {  	s3 =	sadd.s32 s3, s9;
	s6 =	sadd.s32 @!p0 $0x88, s6;
	s7 =	simm.s32 @p2 $0x1082  }
0x22: {  	[simem:s7], [sflag:s8] =	dma.local @!p0 [hbm:s6], $0xF7A  }
0x23: {  	s9 =	sor.u32 $0xD0000000, s2;
	s6 =	simm.s32 $0x108;
	_ =	swait.ge @!p0 [sflag:s8], $0x0  }
0x24: {  	s3 =	sadd.s32 $0x88, s3;
	s6 =	simm.s32 @!p1 $0x1082;
	[sflag:s4] =	ssyncset.s32 $0xFFFFF086  }
0x25: {  	[simem:s6], [sflag:s4] =	dma.local [hbm:s3], $0xF7A  }
0x26: {  	[smem:$0x3F9B] =	sst s1;
	(tag) =	ssettag s2;
	_ =	strace s9  }
0x27: {  	s1 =	sld [smem:$0x3FAB]  }
0x28: {  	s2 =	sld [smem:$0x3FAC]  }
0x29: {  	s4 =	sld [smem:$0x3FAE]  }
0x2a: {  	p0 =	seq.s32 s5, $0x0;
	s5 =	sld [smem:$0x3FAF]  }
0x2b: {  	s6 =	sld [smem:$0x3FB0]  }
0x2c: {  	s7 =	sld [smem:$0x3FB1]  }
0x2d: {  	s3 =	simm.s32 $0x108;
	s8 =	sld [smem:$0x3FB2]  }
0x2e: {  	s3 =	simm.s32 @!p0 $0x1082;
	s9 =	sld [smem:$0x3FB3]  }
0x2f: {  	lr =	sadd.s32 s0, s3;
	s0 =	sld [smem:$0x3FAA]  }
0x30: {  	s3 =	sld [smem:$0x3FAD]  }
0x31: {  	[smem:$0x3FB6] =	sst s10  }
0x32: {  	s10 =	sld [smem:$0x3FB4];
	_ =	sdelay $0x3  }
0x33: {  	p0 =	seq.s32 s10, $0x1;
	s10 =	sld [smem:$0x3FB6];
	_ =	sdelay $0x3  }
0x34: {  	[smem:$0x3FB6] =	sst s10  }
0x35: {  	s10 =	sld [smem:$0x3FB5];
	_ =	sdelay $0x3  }
0x36: {  	p1 =	seq.s32 s10, $0x1;
	s10 =	sld [smem:$0x3FB6];
	_ =	sdelay $0x3  }
0x37: {  	[smem:$0x3FB6] =	sst s10  }
0x38: {  	s10 =	sld [smem:$0x3FB7]  }
0x39: {  	_ = 	snop;
	(pc) =	sbr.ind lr, $3  }
0x3a: {  	_ = 	snop  }
0x3b: {  	_ = 	snop  }
0x3c: {  	p2 =	seq.s32 s10, $0x1;
	s10 =	sld [smem:$0x3FB6]  }
0x3d: {  	_ =	shalt  }
0x3e: {  	_ =	shalt  }
0x3f: {  	_ =	shalt  }
0x40: {  	_ =	shalt  }
0x41: {  	_ =	shalt  }
0x42: {  	_ =	shalt  }
0x43: {  	_ =	shalt  }
0x44: {  	_ =	shalt  }
0x45: {  	_ =	shalt  }
0x46: {  	_ =	shalt  }
0x47: {  	_ =	shalt  }
0x48: {  	_ =	shalt  }
0x49: {  	_ =	shalt  }
0x4a: {  	_ =	shalt  }
0x4b: {  	_ =	shalt  }
0x4c: {  	_ =	shalt  }
0x4d: {  	_ =	shalt  }
0x4e: {  	_ =	shalt  }
0x4f: {  	_ =	shalt  }
0x50: {  	_ =	shalt  }
0x51: {  	_ =	shalt  }
0x52: {  	_ =	shalt  }
0x53: {  	_ =	shalt  }
0x54: {  	_ =	shalt  }
0x55: {  	_ =	shalt  }
0x56: {  	_ =	shalt  }
0x57: {  	_ =	shalt  }
0x58: {  	_ =	shalt  }
0x59: {  	_ =	shalt  }
0x5a: {  	_ =	shalt  }
0x5b: {  	_ =	shalt  }
0x5c: {  	_ =	shalt  }
0x5d: {  	_ =	shalt  }
0x5e: {  	_ =	shalt  }
0x5f: {  	_ =	shalt  }
0x60: {  	_ =	shalt  }
0x61: {  	_ =	shalt  }
0x62: {  	_ =	shalt  }
0x63: {  	_ =	shalt  }
0x64: {  	_ =	shalt  }
0x65: {  	_ =	shalt  }
0x66: {  	_ =	shalt  }
0x67: {  	_ =	shalt  }
0x68: {  	_ =	shalt  }
0x69: {  	_ =	shalt  }
0x6a: {  	_ =	shalt  }
0x6b: {  	_ =	shalt  }
0x6c: {  	_ =	shalt  }
0x6d: {  	_ =	shalt  }
0x6e: {  	_ =	shalt  }
0x6f: {  	_ =	shalt  }
0x70: {  	_ =	shalt  }
0x71: {  	_ =	shalt  }
0x72: {  	_ =	shalt  }
0x73: {  	_ =	shalt  }
0x74: {  	_ =	shalt  }
0x75: {  	_ =	shalt  }
0x76: {  	_ =	shalt  }
0x77: {  	_ =	shalt  }
0x78: {  	_ =	shalt  }
0x79: {  	_ =	shalt  }
0x7a: {  	_ =	shalt  }
0x7b: {  	_ =	shalt  }
0x7c: {  	_ =	shalt  }
0x7d: {  	_ =	shalt  }
0x7e: {  	_ =	shalt  }
0x7f: {  	_ =	shalt  }
0x80: {  	_ =	shalt  }
0x81: {  	_ =	shalt  }
0x82: {  	_ =	shalt  }
0x83: {  	_ =	shalt  }
0x84: {  	_ =	shalt  }
0x85: {  	_ =	shalt  }
0x86: {  	_ =	shalt  }
0x87: {  	_ =	shalt  }
.Lfunc_end0:
.L_simem_size_0:
called_computation.2_lowered:
.L_overlay_start_0:
0x88: {  	s2 =	sld [smem:$0x3FD9]  }
0x89: {  	s3 =	sld [smem:$0x3FFE];
	_ =	sdelay $0x1  }
0x8a: {  	s1 =	srdreg.scid  }
0x8b: {  	s0 =	sand.u32 $0x1, s1  }
0x8c: {  	s17 =	sshll.u32 s0, $0xA;
	s2 =	sadd.s32 s3, s2  }
0x8d: {  	s2 =	sadd.s32 s2, s17  }
0x8e: {  	[smem:$0x3FC2] =	sst s2  }
0x8f: {  	_ = 	snop  }
0x90: {  	s2 =	sld [smem:$0x3FD0];
	(tm) =	ssettm $0x1  }
0x91: {  	s18 =	sld [smem:$0x3FFB];
	_ =	sdelay $0x3  }
0x92: {  	_ =	strace s18  }
0x93: {  	s3 =	sld [smem:$0x3FFC];
	_ =	sdelay $0x3  }
0x94: {  	_ =	strace s3  }
0x95: {  	s3 =	sld [smem:$0x3FFD];
	_ =	sdelay $0x3  }
0x96: {  	_ =	strace s3  }
0x97: {  	_ =	strace $0x8FFFFFFF  }
0x98: {  	s19 =	sld [smem:$0x3FDB];
	_ =	sdelay $0x1  }
0x99: {  	s4 =	simm.s32 $_scs_section_size  }
0x9a: {  	s5 =	simm.s32 $_size__tile_overlayer_lowered;
	s6 =	simm.s32 $_tile_overlayer_lowered  }
0x9b: {  	s22 =	simm.s32 $0x1BFF;
	s21 =	sshll.u32 s6, $0x1;
	s3 =	sadd.s32 s4, s19  }
0x9c: {  	s7 =	simm.s32 $0x0;
	s20 =	sshll.u32 s5, $0x1;
	s5 =	sadd.s32 s21, s3  }
0x9d: {  	[timem:s7], [sflag:s22] =	dma.local [hbm:s5], s20  }
0x9e: {  	_ =	swait.ge [sflag:s22], s20  }
0x9f: {  	s4 =	ssub.s32 $0x0, s20;
	[sflag:s22] =	ssyncset.done $0x0  }
0xa0: {  	[sflag:s22] =	ssyncadd.s32 s4;
	_ =	sdelay $0x1  }
0xa1: {  	s23 =	simm.s32 $0x1B8B  }
0xa2: {  	_ =	swait.ge [sflag:s23], $0x1  }
0xa3: {  	[sflag:s23] =	ssyncset.done $0x0  }
0xa4: {  	s25 =	simm.s32 $0x1B8E;
	s24 =	sld [smem:$0x3FFE];
	[sflag:s23] =	ssyncadd.s32 $0xFFFFFFFF  }
0xa5: {  	s26 =	simm.s32 $execute0_lowered;
	[smem:$0x3FD2] =	sst s25  }
0xa6: {  	s5 =	sshll.u32 s26, $0x1;
	_ =	strace $0x8000004C;
	[dreg:$0x1] =	wrdreg $0xFFFFFFFF  }
0xa7: {  	s28 =	simm.s32 $_size_execute0_lowered;
	s3 =	sadd.s32 s3, s5;
	[dreg:$0x0] =	wrdreg $0x0  }
0xa8: {  	s5 =	sshll.u32 s28, $0x1;
	[dreg:$0x2] =	wrdreg s3  }
0xa9: {  	[dreg:$0x3] =	wrdreg s5  }
0xaa: {  	[dreg:$0x4] =	wrdreg $0xC0  }
0xab: {  	_ =	task [dreg:s7], $0x5FFFF  }
0xac: {  	[dreg:$0x1] =	wrdreg $0xFFFFFFFF  }
0xad: {  	[dreg:$0x0] =	wrdreg $0x60  }
0xae: {  	[dreg:$0x2] =	wrdreg s24  }
0xaf: {  	[dreg:$0x3] =	wrdreg s2  }
0xb0: {  	[dreg:$0x4] =	wrdreg $0x0  }
0xb1: {  	[dreg:$0x5] =	wrdreg $0x9  }
0xb2: {  	_ =	task.clear_ibuf [dreg:s7], $0x6FFFF;
	_ =	strace $0x9000004C  }
0xb3: {  	s29 =	simm.s32 $0x9;
	_ =	strace $0x8000004E  }
0xb4: {  	_ =	swait.ge [sflag:s29], $0x1  }
0xb5: {  	[sflag:s29] =	ssyncadd.s32 $0xFFFFFFFF  }
0xb6: {  	_ =	strace $0x9000004E  }
0xb7: {  	_ =	sfence  }
0xb8: {  	s30 =	sld [smem:$0x0];
	_ =	sdelay $0x2  }
0xb9: {  	s31 =	sshll.u32 s1, $0xD;
	s1 =	sshrl.u32 s1, $0x2  }
0xba: {  	s3 =	sand.u32 $0x4000, s31;
	s1 =	sadd.s32 s1, s30  }
0xbb: {  	s0 =	sor.u32 s3, s0;
	s1 =	sshll.u32 s1, $0x11  }
0xbc: {  	s0 =	sor.u32 s1, s0  }
0xbd: {  	s0 =	sadd.s32 $0x8F2B, s0  }
0xbe: {  	[sflag:s0] =	ssyncadd.remote.s32 $0x1  }
0xbf: {  	_ =	sfence.sel $0xFFFF  }
0xc0: {  	[dreg:$0x0] =	wrdreg $0xFFFFFFFF;
	(pc) =	sbr.abs _section_cstart, $3  }
0xc1: {  	[dreg:$0x1] =	wrdreg $0xFFFFFFFF  }
0xc2: {  	_ =	task.clear_ibuf [dreg:s7], $0x2FFFF;
	_ =	strace $0x9FFFFFFF  }
0xc3: {  	(tm) =	ssettm $0x7FFFFFFF  }
tec
execute0_lowered:
.L_overlay_start_1:
0x0: {  	(tag) =	ssettag $0x1  }
0x1: {  	s0 =	rddreg [dreg:$0x0]  }
0x2: {  	s1 =	srdreg.scid;
	s3 =	rddreg [dreg:$0x1]  }
0x3: {  	s10 =	stileid.u32;
	s2 =	rddreg [dreg:$0x2];
	s6 =	simm.s32 $0x0  }
0x4: {  	s12 =	simm.s32 $0x11;
	s15 =	simm.s32 $0x7D;
	s16 =	simm.s32 $0x7710  }
0x5: {  	s18 =	simm.s32 $0x7EE0;
	s29 =	simm.s32 $0xA5F0;
	s30 =	simm.s32 $0x1  }
0x6: {  	s31 =	simm.s32 $0xADC0;
	s14 =	simm.s32 $0x4;
	s17 =	simm.s32 $0xB  }
0x7: {  	s19 =	simm.s32 $0x6;
	s1 =	sand.u32 $0x1, s1;
	s20 =	smul.u32 $0x4E20, s10  }
0x8: {  	s4 =	sshll.u32 s10, $0x1;
	[smem:$0x7FF] =	sst s6;
	s9 =	smul.u32 $0x4E2, s10  }
0x9: {  	s4 =	sor.u32 s1, s4;
	s8 =	ssub.s32 $0x2, s1;
	s1 =	smul.u32 $0x4E20, s1  }
0xa: {  	s23 =	sshll.u32 s10, $0x6;
	_ =	strace $0x8000004D;
	s5 =	smul.u32 $0x500, s4  }
0xb: {  	s4 =	sadd.s32 $0x1A800, s0;
	s7 =	sshrl.u32 s20, $0x4;
	s6 =	sshrl.u32 s20, $0x1  }
0xc: {  	s21 =	sshrl.u32 s8, $0x1;
	s20 =	simm.s32 $0xD;
	s22 =	sadd.s32 s6, s2  }
0xd: {  	s6 =	sor.u32 $0x1C11, s23;
	s25 =	sadd.s32 s9, s1;
	s1 =	simm.s32 $0x2  }
0xe: {  	s23 =	simm.s32 $0xF;
	s5 =	sadd.s32 s5, s0;
	s0 =	sadd.s32 s7, s0  }
0xf: {  	s7 =	ssub.s32 s8, s21;
	s11 =	sshrl.u32 s22, $0x3;
	s0 =	sadd.s32 $0xB600, s0  }
.Ltmp0:
0x10: {  	s24 =	sadd.s32 $0x10800, s5;
	[dreg:$0x4] =	wrdreg s0;
	(pc) =	sbr.rel .LBB2_1-.Ltmp0, $4  }
0x11: {  	s22 =	simm.s32 $0x8E80;
	s26 =	sadd.s32 $0x1600, s5;
	[dreg:$0x5] =	wrdreg s24  }
0x12: {  	s21 =	simm.s32 $0x8;
	s28 =	smax.u32 s7, $0x1;
	[dreg:$0x6] =	wrdreg s26  }
0x13: {  	s0 =	sadd.s32 s3, s25;
	[dreg:$0x8] =	wrdreg s28;
	s26 =	simm.s32 $0x9E20  }
0x14: {  	s25 =	simm.s32 $0x0;
	[dreg:$0x7] =	wrdreg s0;
	s0 =	simm.s32 $0x9  }
.LBB2_4:
0x15: {  	s3 =	simm.s32 $0x10  }
0x16: {  	_ =	swait.ge [sflag:s3], $0x7D0  }
0x17: {  	[sflag:s3] =	ssyncset.done $0x0  }
0x18: {  	[sflag:s3] =	ssyncadd.s32 $0xFFFFF830  }
0x19: {  	[bflag:$0x0] =	sbarrier.arrive $0xFFFF  }
0x1a: {  	s24 =	rddreg [dreg:$0x7]  }
0x1b: {  	[hbm:s24], [sflag:s6] =	dma.local [spmem:s11], $0x4E2  }
0x1c: {  	_ =	swait.ge [sflag:s12], $0x4E2  }
0x1d: {  	s25 =	sadd.s32 $0x1, s25;
	s28 =	rddreg [dreg:$0x8]  }
0x1e: {  	p0 =	sne.s32 s25, s28  }
.Ltmp1:
0x1f: {  	_ = 	snop;
	(pc) =	sbr.rel @!p0 .LBB2_5-.Ltmp1, $3  }
0x20: {  	_ =	sdelay $0x1  }
0x21: {  	[sflag:s12] =	ssyncset.done $0x0  }
0x22: {  	[sflag:s12] =	ssyncadd.s32 $0xFFFFFB1E  }
.LBB2_1:
0x23: {  	s3 =	rddreg [dreg:$0x4]  }
0x24: {  	[spmem:s11], [sflag:s6] =	dma.local [hbm:s3], $0x4E2  }
0x25: {  	_ =	swait.ge [sflag:s12], $0x4E2  }
0x26: {  	s10 =	simm.s32 $0x0;
	[sflag:s12] =	ssyncset.done $0x0  }
0x27: {  	s7 =	simm.s32 $0x2710;
	s5 =	rddreg [dreg:$0x5];
	[sflag:s12] =	ssyncadd.s32 $0xFFFFFB1E  }
0x28: {  	[tilespmem:s7], [sflag:$0x11] =	stream.linear.gather [hbm4b:s5+s10], $0x2800, $0x38;
	[tilespmem:$0xB590] =	vst v63  }
0x29: {  	_ =	swait.ge [sflag:s12], $0x2800  }
0x2a: {  	[sflag:s12] =	ssyncset.done $0x0  }
0x2b: {  	s8 =	simm.s32 $0x4F10;
	s13 =	rddreg [dreg:$0x6];
	[sflag:s12] =	ssyncadd.s32 $0xFFFFD800  }
0x2c: {  	[tilespmem:s8], [sflag:$0x11] =	stream.linear.gather [hbm4b:s13+s10], $0x2800, $0x38;
	[tilespmem:$0xB590] =	vst v63  }
0x2d: {  	_ =	swait.ge [sflag:s12], $0x2800  }
0x2e: {  	[sflag:s12] =	ssyncset.done $0x0  }
0x2f: {  	[sflag:s12] =	ssyncadd.s32 $0xFFFFD800  }
0x30: {  	[bflag:$0x0] =	sbarrier.arrive $0xFFFF  }
0x31: {  	[tilespmem:s16], [sflag:$0x1] =	stream.indirect.gather [hbm4b:s4+s15], $0x10, s7, s15, $0xb8;
	[tilespmem:$0xB590] =	vst v63  }
0x32: {  	s24 =	simm.s32 $0x2790  }
0x33: {  	[tilespmem:s18], [sflag:$0x2] =	stream.indirect.gather [hbm4b:s4+s15], $0x10, s24, s15, $0xb8;
	[tilespmem:$0xB590] =	vst v63  }
0x34: {  	s5 =	simm.s32 $0x2810;
	s7 =	simm.s32 $0x86B0  }
0x35: {  	[tilespmem:s7], [sflag:$0x3] =	stream.indirect.gather [hbm4b:s4+s15], $0x10, s5, s15, $0xb8;
	[tilespmem:$0xB590] =	vst v63  }
0x36: {  	s8 =	simm.s32 $0x2890  }
0x37: {  	[tilespmem:s22], [sflag:$0x4] =	stream.indirect.gather [hbm4b:s4+s15], $0x10, s8, s15, $0xb8;
	[tilespmem:$0xB590] =	vst v63  }
0x38: {  	s9 =	simm.s32 $0x2910;
	s10 =	simm.s32 $0x9650  }
0x39: {  	[tilespmem:s10], [sflag:$0x5] =	stream.indirect.gather [hbm4b:s4+s15], $0x10, s9, s15, $0xb8;
	[tilespmem:$0xB590] =	vst v63  }
0x3a: {  	s13 =	simm.s32 $0x2990  }
0x3b: {  	[tilespmem:s26], [sflag:$0x6] =	stream.indirect.gather [hbm4b:s4+s15], $0x10, s13, s15, $0xb8;
	[tilespmem:$0xB590] =	vst v63  }
0x3c: {  	s28 =	simm.s32 $0x0;
	s24 =	simm.s32 $0x2A10  }
0x3d: {  	[tilespmem:s29], [sflag:$0x7] =	stream.indirect.gather [hbm4b:s4+s15], $0x10, s24, s15, $0xb8;
	[tilespmem:$0xB590] =	vst v63  }
.LBB2_2:
0x3e: {  	_ =	swait.ge [sflag:s30], $0x7D0  }
0x3f: {  	s3 =	sshra.s32 s28, $0x2;
	[sflag:s30] =	ssyncset.done $0x0  }
0x40: {  	p0 =	seq.s32 s28, $0x0;
	s5 =	sadd.s32 $0x4F10, s3;
	[sflag:s30] =	ssyncadd.s32 $0xFFFFF830  }
0x41: {  	[spmem:s2] =	stream.indirect.scatter.add.bf16 [tilespmem:s16], [sflag:$0x9], $0x10, s5, s15, $0xb8;
	[tilespmem:$0xB590] =	vst v63  }
0x42: {  	s5 =	simm.s32 @!p0 $0x10  }
0x43: {  	_ =	swait.ge @!p0 [sflag:s5], $0x7D0  }
0x44: {  	[sflag:s5] =	ssyncset.done @!p0 $0x0  }
0x45: {  	s10 =	sadd.s32 $0x2A90, s3;
	[sflag:s5] =	ssyncadd.s32 @!p0 $0xFFFFF830  }
0x46: {  	[tilespmem:s31], [sflag:$0x8] =	stream.indirect.gather [hbm4b:s4+s15], $0x10, s10, s15, $0xb8;
	[tilespmem:$0xB590] =	vst v63  }
0x47: {  	_ =	swait.ge [sflag:s1], $0x7D0  }
0x48: {  	[sflag:s1] =	ssyncset.done $0x0  }
0x49: {  	s13 =	sadd.s32 $0x4F90, s3;
	[sflag:s1] =	ssyncadd.s32 $0xFFFFF830  }
0x4a: {  	[spmem:s2] =	stream.indirect.scatter.add.bf16 [tilespmem:s18], [sflag:$0xA], $0x10, s13, s15, $0xb8;
	[tilespmem:$0xB590] =	vst v63  }
0x4b: {  	_ =	swait.ge [sflag:s0], $0x7D0  }
0x4c: {  	p0 =	seq.s32 s28, $0x9000;
	[sflag:s0] =	ssyncset.done $0x0  }
0x4d: {  	s5 =	simm.s32 @p0 $0x3;
	[sflag:s0] =	ssyncadd.s32 $0xFFFFF830  }
0x4e: {  	_ =	swait.ge @p0 [sflag:s5], $0x7D0  }
0x4f: {  	s8 =	sshra.s32 @p0 s28, $0x2;
	s9 =	simm.s32 @p0 $0x7D;
	[sflag:s5] =	ssyncset.done @p0 $0x0  }
0x50: {  	s7 =	simm.s32 @p0 $0x86B0;
	[sflag:s5] =	ssyncadd.s32 @p0 $0xFFFFF830;
	s5 =	sadd.s32 @p0 $0x5010, s8  }
0x51: {  	[spmem:s2] =	stream.indirect.scatter.add.bf16 @p0 [tilespmem:s7], [sflag:$0xB], $0x10, s5, s9, $0xb8;
	[tilespmem:$0xB590] =	vst v63  }
0x52: {  	s5 =	simm.s32 @p0 $0xA  }
0x53: {  	_ =	swait.ge @p0 [sflag:s5], $0x7D0  }
0x54: {  	[sflag:s5] =	ssyncset.done @p0 $0x0  }
0x55: {  	[sflag:s5] =	ssyncadd.s32 @p0 $0xFFFFF830;
	s5 =	sshra.s32 @!p0 s28, $0x2  }
0x56: {  	s10 =	simm.s32 @!p0 $0x7710;
	s7 =	simm.s32 @!p0 $0x7D;
	s13 =	sadd.s32 @!p0 $0x2B10, s5  }
0x57: {  	[tilespmem:s10], [sflag:$0x1] =	stream.indirect.gather @!p0 [hbm4b:s4+s7], $0x10, s13, s7, $0xb8;
	[tilespmem:$0xB590] =	vst v63  }
0x58: {  	s10 =	simm.s32 @!p0 $0x3  }
0x59: {  	_ =	swait.ge @!p0 [sflag:s10], $0x7D0  }
0x5a: {  	[sflag:s10] =	ssyncset.done @!p0 $0x0  }
0x5b: {  	s13 =	simm.s32 @!p0 $0x86B0;
	[sflag:s10] =	ssyncadd.s32 @!p0 $0xFFFFF830;
	s10 =	sadd.s32 @!p0 $0x5010, s5  }
0x5c: {  	[spmem:s2] =	stream.indirect.scatter.add.bf16 @!p0 [tilespmem:s13], [sflag:$0xB], $0x10, s10, s7, $0xb8;
	[tilespmem:$0xB590] =	vst v63  }
0x5d: {  	s10 =	simm.s32 @!p0 $0xA  }
0x5e: {  	_ =	swait.ge @!p0 [sflag:s10], $0x7D0  }
0x5f: {  	[sflag:s10] =	ssyncset.done @!p0 $0x0  }
0x60: {  	s24 =	simm.s32 @!p0 $0x7EE0;
	[sflag:s10] =	ssyncadd.s32 @!p0 $0xFFFFF830;
	s10 =	sadd.s32 @!p0 $0x2B90, s5  }
0x61: {  	[tilespmem:s24], [sflag:$0x2] =	stream.indirect.gather @!p0 [hbm4b:s4+s7], $0x10, s10, s7, $0xb8;
	[tilespmem:$0xB590] =	vst v63  }
0x62: {  	_ =	swait.ge [sflag:s14], $0x7D0  }
0x63: {  	[sflag:s14] =	ssyncset.done $0x0  }
0x64: {  	s24 =	sadd.s32 $0x5090, s3;
	[sflag:s14] =	ssyncadd.s32 $0xFFFFF830  }
0x65: {  	[spmem:s2] =	stream.indirect.scatter.add.bf16 [tilespmem:s22], [sflag:$0xC], $0x10, s24, s15, $0xb8;
	[tilespmem:$0xB590] =	vst v63  }
0x66: {  	_ =	swait.ge [sflag:s17], $0x7D0  }
0x67: {  	[sflag:s17] =	ssyncset.done $0x0  }
0x68: {  	s10 =	simm.s32 @p0 $0x5;
	[sflag:s17] =	ssyncadd.s32 $0xFFFFF830  }
0x69: {  	_ =	swait.ge @p0 [sflag:s10], $0x7D0  }
0x6a: {  	[sflag:s10] =	ssyncset.done @p0 $0x0  }
0x6b: {  	s24 =	simm.s32 @p0 $0x9650;
	[sflag:s10] =	ssyncadd.s32 @p0 $0xFFFFF830;
	s10 =	sadd.s32 @p0 $0x5110, s8  }
0x6c: {  	[spmem:s2] =	stream.indirect.scatter.add.bf16 @p0 [tilespmem:s24], [sflag:$0xD], $0x10, s10, s9, $0xb8;
	[tilespmem:$0xB590] =	vst v63  }
0x6d: {  	s10 =	simm.s32 @p0 $0xC  }
0x6e: {  	_ =	swait.ge @p0 [sflag:s10], $0x7D0  }
0x6f: {  	[sflag:s10] =	ssyncset.done @p0 $0x0  }
0x70: {  	[sflag:s10] =	ssyncadd.s32 @p0 $0xFFFFF830;
	s10 =	sadd.s32 @!p0 $0x2C10, s5  }
0x71: {  	[tilespmem:s13], [sflag:$0x3] =	stream.indirect.gather @!p0 [hbm4b:s4+s7], $0x10, s10, s7, $0xb8;
	[tilespmem:$0xB590] =	vst v63  }
0x72: {  	s10 =	simm.s32 @!p0 $0x5  }
0x73: {  	_ =	swait.ge @!p0 [sflag:s10], $0x7D0  }
0x74: {  	[sflag:s10] =	ssyncset.done @!p0 $0x0  }
0x75: {  	s13 =	simm.s32 @!p0 $0x9650;
	[sflag:s10] =	ssyncadd.s32 @!p0 $0xFFFFF830;
	s10 =	sadd.s32 @!p0 $0x5110, s5  }
0x76: {  	[spmem:s2] =	stream.indirect.scatter.add.bf16 @!p0 [tilespmem:s13], [sflag:$0xD], $0x10, s10, s7, $0xb8;
	[tilespmem:$0xB590] =	vst v63  }
0x77: {  	s10 =	simm.s32 @!p0 $0xC  }
0x78: {  	_ =	swait.ge @!p0 [sflag:s10], $0x7D0  }
0x79: {  	[sflag:s10] =	ssyncset.done @!p0 $0x0  }
0x7a: {  	s24 =	simm.s32 @!p0 $0x8E80;
	[sflag:s10] =	ssyncadd.s32 @!p0 $0xFFFFF830;
	s10 =	sadd.s32 @!p0 $0x2C90, s5  }
0x7b: {  	[tilespmem:s24], [sflag:$0x4] =	stream.indirect.gather @!p0 [hbm4b:s4+s7], $0x10, s10, s7, $0xb8;
	[tilespmem:$0xB590] =	vst v63  }
0x7c: {  	_ =	swait.ge [sflag:s19], $0x7D0  }
0x7d: {  	[sflag:s19] =	ssyncset.done $0x0  }
0x7e: {  	s24 =	sadd.s32 $0x5190, s3;
	[sflag:s19] =	ssyncadd.s32 $0xFFFFF830  }
0x7f: {  	[spmem:s2] =	stream.indirect.scatter.add.bf16 [tilespmem:s26], [sflag:$0xE], $0x10, s24, s15, $0xb8;
	[tilespmem:$0xB590] =	vst v63  }
0x80: {  	_ =	swait.ge [sflag:s20], $0x7D0  }
0x81: {  	[sflag:s20] =	ssyncset.done $0x0  }
0x82: {  	s10 =	simm.s32 @p0 $0x7;
	[sflag:s20] =	ssyncadd.s32 $0xFFFFF830  }
0x83: {  	_ =	swait.ge @p0 [sflag:s10], $0x7D0  }
0x84: {  	[sflag:s10] =	ssyncset.done @p0 $0x0  }
0x85: {  	s8 =	sadd.s32 @p0 $0x5210, s8;
	[sflag:s10] =	ssyncadd.s32 @p0 $0xFFFFF830;
	s10 =	simm.s32 @p0 $0xA5F0  }
0x86: {  	[spmem:s2] =	stream.indirect.scatter.add.bf16 @p0 [tilespmem:s10], [sflag:$0xF], $0x10, s8, s9, $0xb8;
	[tilespmem:$0xB590] =	vst v63  }
0x87: {  	s8 =	simm.s32 @p0 $0xE  }
0x88: {  	_ =	swait.ge @p0 [sflag:s8], $0x7D0  }
0x89: {  	[sflag:s8] =	ssyncset.done @p0 $0x0  }
0x8a: {  	[sflag:s8] =	ssyncadd.s32 @p0 $0xFFFFF830;
	s8 =	sadd.s32 @!p0 $0x2D10, s5  }
0x8b: {  	[tilespmem:s13], [sflag:$0x5] =	stream.indirect.gather @!p0 [hbm4b:s4+s7], $0x10, s8, s7, $0xb8;
	[tilespmem:$0xB590] =	vst v63  }
0x8c: {  	s8 =	simm.s32 @!p0 $0x7  }
0x8d: {  	_ =	swait.ge @!p0 [sflag:s8], $0x7D0  }
0x8e: {  	[sflag:s8] =	ssyncset.done @!p0 $0x0  }
0x8f: {  	s9 =	simm.s32 @!p0 $0xA5F0;
	[sflag:s8] =	ssyncadd.s32 @!p0 $0xFFFFF830;
	s8 =	sadd.s32 @!p0 $0x5210, s5  }
0x90: {  	[spmem:s2] =	stream.indirect.scatter.add.bf16 @!p0 [tilespmem:s9], [sflag:$0xF], $0x10, s8, s7, $0xb8;
	[tilespmem:$0xB590] =	vst v63  }
0x91: {  	s8 =	simm.s32 @!p0 $0xE  }
0x92: {  	_ =	swait.ge @!p0 [sflag:s8], $0x7D0  }
0x93: {  	[sflag:s8] =	ssyncset.done @!p0 $0x0  }
0x94: {  	s5 =	sadd.s32 @!p0 $0x2D90, s5;
	[sflag:s8] =	ssyncadd.s32 @!p0 $0xFFFFF830;
	s8 =	simm.s32 @!p0 $0x9E20  }
0x95: {  	[tilespmem:s8], [sflag:$0x6] =	stream.indirect.gather @!p0 [hbm4b:s4+s7], $0x10, s5, s7, $0xb8;
	[tilespmem:$0xB590] =	vst v63  }
0x96: {  	_ =	swait.ge [sflag:s21], $0x7D0  }
0x97: {  	[sflag:s21] =	ssyncset.done $0x0  }
.Ltmp2:
0x98: {  	s24 =	sadd.s32 $0x5290, s3;
	[sflag:s21] =	ssyncadd.s32 $0xFFFFF830;
	(pc) =	sbr.rel @p0 .LBB2_4-.Ltmp2, $4  }
0x99: {  	[spmem:s2] =	stream.indirect.scatter.add.bf16 [tilespmem:s31], [sflag:$0x10], $0x10, s24, s15, $0xb8;
	[tilespmem:$0xB590] =	vst v63  }
0x9a: {  	_ =	swait.ge [sflag:s23], $0x7D0  }
0x9b: {  	[sflag:s23] =	ssyncset.done $0x0  }
0x9c: {  	[sflag:s23] =	ssyncadd.s32 $0xFFFFF830  }
.Ltmp3:
0x9d: {  	(pc) =	sbr.rel .LBB2_2-.Ltmp3, $3  }
0x9e: {  	_ =	sdelay $0x1  }
0x9f: {  	s3 =	sadd.s32 $0x2E10, s3;
	s28 =	sadd.s32 $0x1000, s28  }
0xa0: {  	[tilespmem:s29], [sflag:$0x7] =	stream.indirect.gather [hbm4b:s4+s15], $0x10, s3, s15, $0xb8;
	[tilespmem:$0xB590] =	vst v63  }
.LBB2_5:
0xa1: {  	_ =	sfence.sel $0x180000  }
0xa2: {  	[bflag:$0x0] =	sbarrier.arrive $0xFFFF  }
0xa3: {  	_ =	strace $0x9000004D  }
0xa4: {  	s0 =	stileid.u32;
	[bflag:$0x2] =	sbarrier.arrive $0xFFFF  }
0xa5: {  	p0 =	sne.s32 s0, $0x0;
	s0 =	rddreg [dreg:$0x3]  }
0xa6: {  	s0 =	sadd.s32 @!p0 $0x100000, s0  }
0xa7: {  	[sflag:s0] =	ssyncadd.tile.s32 @!p0 $0x1;
	_ =	shalt  }
.Lfunc_end2:
_tile_overlayer_lowered:
.L_overlay_start_2:
0xa8: {  	(tag) =	ssettag $0x2  }
0xa9: {  	s0 =	rddreg [dreg:$0x0];
	s2 =	stileid.u32  }
0xaa: {  	s1 =	rddreg [dreg:$0x1];
	p0 =	sne.s32 s2, $0x0  }
0xab: {  	s3 =	rddreg [dreg:$0x2];
	[bflag:$0x3] =	sbarrier.arrive $0xFFFF;
	s2 =	simm.s32 @!p0 $0x1C11  }
0xac: {  	[timem:s3], [sflag:s2] =	dma.local @!p0 [hbm:s0], s1  }
0xad: {  	s0 =	simm.s32 @!p0 $0x11  }
0xae: {  	_ =	swait.ge @!p0 [sflag:s0], s1  }
0xaf: {  	s1 =	ssub.s32 @!p0 $0x0, s1;
	[sflag:s0] =	ssyncset.done @!p0 $0x0  }
0xb0: {  	[sflag:s0] =	ssyncadd.s32 @!p0 s1  }
0xb1: {  	[bflag:$0x3] =	sbarrier.arrive $0xFFFF  }
0xb2: {  	_ =	shalt  }

// kernel: kernel.8.cloned.1.call-start
scs
__scs_entry_jumppad:
0x0: {  	(pc) =	sbr.rel $0x88, $3  }
0x1: {  	(tag) =	ssettag $0x0;
	lr =	simm.s32 $0x1  }
0x2: {  	[smem:$0x3F9B] =	sst lr;
	_ =	strace $0xD0000000  }
0x3: {  	_ = 	snop  }
0x4: {  	_ = 	snop  }
0x5: {  	_ = 	snop  }
0x6: {  	_ = 	snop  }
0x7: {  	_ = 	snop  }
__scs_overlays_trampoline_lowered:
0x8: {  	[smem:$0x3FAA] =	sst s0  }
0x9: {  	[smem:$0x3FAB] =	sst s1  }
0xa: {  	[smem:$0x3FAC] =	sst s2  }
0xb: {  	[smem:$0x3FAD] =	sst s3  }
0xc: {  	[smem:$0x3FAE] =	sst s4  }
0xd: {  	[smem:$0x3FAF] =	sst s5  }
0xe: {  	[smem:$0x3FB0] =	sst s6  }
0xf: {  	[smem:$0x3FB1] =	sst s7  }
0x10: {  	[smem:$0x3FB2] =	sst s8  }
0x11: {  	[smem:$0x3FB3] =	sst s9;
	s0 =	simm.s32 @!p0 $0x0  }
0x12: {  	s1 =	sld [smem:$0x3F99];
	s0 =	simm.s32 @p0 $0x1  }
0x13: {  	[smem:$0x3FB4] =	sst s0;
	s0 =	simm.s32 @!p1 $0x0  }
0x14: {  	s2 =	sld [smem:$0x3F98];
	s0 =	simm.s32 @p1 $0x1  }
0x15: {  	[smem:$0x3FB5] =	sst s0;
	s0 =	simm.s32 @!p2 $0x0  }
0x16: {  	s3 =	sld [smem:$0x3FDB];
	s0 =	simm.s32 @p2 $0x1  }
0x17: {  	s4 =	simm.s32 $0x1BF5;
	[smem:$0x3FB7] =	sst s0  }
0x18: {  	s0 =	sld [smem:$0x3F9A];
	_ =	swait.ge [sflag:s4], $0x0  }
0x19: {  	s7 =	sld [smem:$0x3F9B]  }
0x1a: {  	s8 =	sadd.s32 $0xFFFFE003, lr  }
0x1b: {  	s9 =	sadd.s32 $0xFFFFFEF7, lr;
	s5 =	simm.s32 $0xFFFFFFFF;
	p2 =	slt.u32 s8, $0xFFFFF086  }
0x1c: {  	p1 =	slt.u32 s9, $0xF7A;
	s5 =	simm.s32 @!p2 $0x0  }
0x1d: {  	s5 =	simm.s32 @p1 $0x1;
	p0 =	seq.s32 s7, s2  }
0x1e: {  	s7 =	smul.u32 @!p0 $0xF7A, s2;
	p2 =	seq.s32 @!p0 s5, $0x0  }
0x1f: {  	s9 =	smul.u32 $0xF7A, s1;
	s8 =	simm.s32 @!p0 $0x1BF5;
	p2 =	por !p2, p0  }
0x20: {  	[sflag:s8] =	ssyncset.s32 @!p0 $0xFFFFF086;
	s6 =	sadd.s32 @!p0 s3, s7;
	s7 =	simm.s32 @!p0 $0x108  }
0x21: {  	s3 =	sadd.s32 s3, s9;
	s6 =	sadd.s32 @!p0 $0x88, s6;
	s7 =	simm.s32 @p2 $0x1082  }
0x22: {  	[simem:s7], [sflag:s8] =	dma.local @!p0 [hbm:s6], $0xF7A  }
0x23: {  	s9 =	sor.u32 $0xD0000000, s2;
	s6 =	simm.s32 $0x108;
	_ =	swait.ge @!p0 [sflag:s8], $0x0  }
0x24: {  	s3 =	sadd.s32 $0x88, s3;
	s6 =	simm.s32 @!p1 $0x1082;
	[sflag:s4] =	ssyncset.s32 $0xFFFFF086  }
0x25: {  	[simem:s6], [sflag:s4] =	dma.local [hbm:s3], $0xF7A  }
0x26: {  	[smem:$0x3F9B] =	sst s1;
	(tag) =	ssettag s2;
	_ =	strace s9  }
0x27: {  	s1 =	sld [smem:$0x3FAB]  }
0x28: {  	s2 =	sld [smem:$0x3FAC]  }
0x29: {  	s4 =	sld [smem:$0x3FAE]  }
0x2a: {  	p0 =	seq.s32 s5, $0x0;
	s5 =	sld [smem:$0x3FAF]  }
0x2b: {  	s6 =	sld [smem:$0x3FB0]  }
0x2c: {  	s7 =	sld [smem:$0x3FB1]  }
0x2d: {  	s3 =	simm.s32 $0x108;
	s8 =	sld [smem:$0x3FB2]  }
0x2e: {  	s3 =	simm.s32 @!p0 $0x1082;
	s9 =	sld [smem:$0x3FB3]  }
0x2f: {  	lr =	sadd.s32 s0, s3;
	s0 =	sld [smem:$0x3FAA]  }
0x30: {  	s3 =	sld [smem:$0x3FAD]  }
0x31: {  	[smem:$0x3FB6] =	sst s10  }
0x32: {  	s10 =	sld [smem:$0x3FB4];
	_ =	sdelay $0x3  }
0x33: {  	p0 =	seq.s32 s10, $0x1;
	s10 =	sld [smem:$0x3FB6];
	_ =	sdelay $0x3  }
0x34: {  	[smem:$0x3FB6] =	sst s10  }
0x35: {  	s10 =	sld [smem:$0x3FB5];
	_ =	sdelay $0x3  }
0x36: {  	p1 =	seq.s32 s10, $0x1;
	s10 =	sld [smem:$0x3FB6];
	_ =	sdelay $0x3  }
0x37: {  	[smem:$0x3FB6] =	sst s10  }
0x38: {  	s10 =	sld [smem:$0x3FB7]  }
0x39: {  	_ = 	snop;
	(pc) =	sbr.ind lr, $3  }
0x3a: {  	_ = 	snop  }
0x3b: {  	_ = 	snop  }
0x3c: {  	p2 =	seq.s32 s10, $0x1;
	s10 =	sld [smem:$0x3FB6]  }
0x3d: {  	_ =	shalt  }
0x3e: {  	_ =	shalt  }
0x3f: {  	_ =	shalt  }
0x40: {  	_ =	shalt  }
0x41: {  	_ =	shalt  }
0x42: {  	_ =	shalt  }
0x43: {  	_ =	shalt  }
0x44: {  	_ =	shalt  }
0x45: {  	_ =	shalt  }
0x46: {  	_ =	shalt  }
0x47: {  	_ =	shalt  }
0x48: {  	_ =	shalt  }
0x49: {  	_ =	shalt  }
0x4a: {  	_ =	shalt  }
0x4b: {  	_ =	shalt  }
0x4c: {  	_ =	shalt  }
0x4d: {  	_ =	shalt  }
0x4e: {  	_ =	shalt  }
0x4f: {  	_ =	shalt  }
0x50: {  	_ =	shalt  }
0x51: {  	_ =	shalt  }
0x52: {  	_ =	shalt  }
0x53: {  	_ =	shalt  }
0x54: {  	_ =	shalt  }
0x55: {  	_ =	shalt  }
0x56: {  	_ =	shalt  }
0x57: {  	_ =	shalt  }
0x58: {  	_ =	shalt  }
0x59: {  	_ =	shalt  }
0x5a: {  	_ =	shalt  }
0x5b: {  	_ =	shalt  }
0x5c: {  	_ =	shalt  }
0x5d: {  	_ =	shalt  }
0x5e: {  	_ =	shalt  }
0x5f: {  	_ =	shalt  }
0x60: {  	_ =	shalt  }
0x61: {  	_ =	shalt  }
0x62: {  	_ =	shalt  }
0x63: {  	_ =	shalt  }
0x64: {  	_ =	shalt  }
0x65: {  	_ =	shalt  }
0x66: {  	_ =	shalt  }
0x67: {  	_ =	shalt  }
0x68: {  	_ =	shalt  }
0x69: {  	_ =	shalt  }
0x6a: {  	_ =	shalt  }
0x6b: {  	_ =	shalt  }
0x6c: {  	_ =	shalt  }
0x6d: {  	_ =	shalt  }
0x6e: {  	_ =	shalt  }
0x6f: {  	_ =	shalt  }
0x70: {  	_ =	shalt  }
0x71: {  	_ =	shalt  }
0x72: {  	_ =	shalt  }
0x73: {  	_ =	shalt  }
0x74: {  	_ =	shalt  }
0x75: {  	_ =	shalt  }
0x76: {  	_ =	shalt  }
0x77: {  	_ =	shalt  }
0x78: {  	_ =	shalt  }
0x79: {  	_ =	shalt  }
0x7a: {  	_ =	shalt  }
0x7b: {  	_ =	shalt  }
0x7c: {  	_ =	shalt  }
0x7d: {  	_ =	shalt  }
0x7e: {  	_ =	shalt  }
0x7f: {  	_ =	shalt  }
0x80: {  	_ =	shalt  }
0x81: {  	_ =	shalt  }
0x82: {  	_ =	shalt  }
0x83: {  	_ =	shalt  }
0x84: {  	_ =	shalt  }
0x85: {  	_ =	shalt  }
0x86: {  	_ =	shalt  }
0x87: {  	_ =	shalt  }
.Lfunc_end0:
.L_simem_size_0:
called_computation_lowered:
.L_overlay_start_0:
0x88: {  	s2 =	sld [smem:$0x3FD9]  }
0x89: {  	s3 =	sld [smem:$0x3FFE];
	_ =	sdelay $0x1  }
0x8a: {  	s1 =	srdreg.scid  }
0x8b: {  	s0 =	sand.u32 $0x1, s1  }
0x8c: {  	s17 =	sshll.u32 s0, $0xA;
	s2 =	sadd.s32 s3, s2  }
0x8d: {  	s2 =	sadd.s32 s2, s17  }
0x8e: {  	[smem:$0x3FC2] =	sst s2  }
0x8f: {  	_ = 	snop  }
0x90: {  	s2 =	sld [smem:$0x3FD0];
	(tm) =	ssettm $0x1  }
0x91: {  	s18 =	sld [smem:$0x3FFB];
	_ =	sdelay $0x3  }
0x92: {  	_ =	strace s18  }
0x93: {  	s3 =	sld [smem:$0x3FFC];
	_ =	sdelay $0x3  }
0x94: {  	_ =	strace s3  }
0x95: {  	s3 =	sld [smem:$0x3FFD];
	_ =	sdelay $0x3  }
0x96: {  	_ =	strace s3  }
0x97: {  	_ =	strace $0x8FFFFFFF  }
0x98: {  	s19 =	sld [smem:$0x3FDB];
	_ =	sdelay $0x1  }
0x99: {  	s4 =	simm.s32 $_scs_section_size  }
0x9a: {  	s5 =	simm.s32 $_size__tile_overlayer_lowered;
	s6 =	simm.s32 $_tile_overlayer_lowered  }
0x9b: {  	s22 =	simm.s32 $0x1BFF;
	s21 =	sshll.u32 s6, $0x1;
	s3 =	sadd.s32 s4, s19  }
0x9c: {  	s7 =	simm.s32 $0x0;
	s20 =	sshll.u32 s5, $0x1;
	s5 =	sadd.s32 s21, s3  }
0x9d: {  	[timem:s7], [sflag:s22] =	dma.local [hbm:s5], s20  }
0x9e: {  	_ =	swait.ge [sflag:s22], s20  }
0x9f: {  	s4 =	ssub.s32 $0x0, s20;
	[sflag:s22] =	ssyncset.done $0x0  }
0xa0: {  	[sflag:s22] =	ssyncadd.s32 s4;
	_ =	sdelay $0x1  }
0xa1: {  	s23 =	simm.s32 $0x1B8B  }
0xa2: {  	_ =	swait.ge [sflag:s23], $0x1  }
0xa3: {  	[sflag:s23] =	ssyncset.done $0x0  }
0xa4: {  	s25 =	simm.s32 $0x1B8E;
	s24 =	sld [smem:$0x3FFE];
	[sflag:s23] =	ssyncadd.s32 $0xFFFFFFFF  }
0xa5: {  	s26 =	simm.s32 $execute0_lowered;
	[smem:$0x3FD2] =	sst s25  }
0xa6: {  	s5 =	sshll.u32 s26, $0x1;
	_ =	strace $0x80000046;
	[dreg:$0x1] =	wrdreg $0xFFFFFFFF  }
0xa7: {  	s28 =	simm.s32 $_size_execute0_lowered;
	s3 =	sadd.s32 s3, s5;
	[dreg:$0x0] =	wrdreg $0x0  }
0xa8: {  	s5 =	sshll.u32 s28, $0x1;
	[dreg:$0x2] =	wrdreg s3  }
0xa9: {  	[dreg:$0x3] =	wrdreg s5  }
0xaa: {  	[dreg:$0x4] =	wrdreg $0xC0  }
0xab: {  	_ =	task [dreg:s7], $0x5FFFF  }
0xac: {  	[dreg:$0x1] =	wrdreg $0xFFFFFFFF  }
0xad: {  	[dreg:$0x0] =	wrdreg $0x60  }
0xae: {  	[dreg:$0x2] =	wrdreg s24  }
0xaf: {  	[dreg:$0x3] =	wrdreg s2  }
0xb0: {  	[dreg:$0x4] =	wrdreg $0x0  }
0xb1: {  	[dreg:$0x5] =	wrdreg $0x9  }
0xb2: {  	_ =	task.clear_ibuf [dreg:s7], $0x6FFFF;
	_ =	strace $0x90000046  }
0xb3: {  	s29 =	simm.s32 $0x9;
	_ =	strace $0x80000048  }
0xb4: {  	_ =	swait.ge [sflag:s29], $0x1  }
0xb5: {  	[sflag:s29] =	ssyncadd.s32 $0xFFFFFFFF  }
0xb6: {  	_ =	strace $0x90000048  }
0xb7: {  	_ =	sfence  }
0xb8: {  	s30 =	sld [smem:$0x0];
	_ =	sdelay $0x2  }
0xb9: {  	s31 =	sshll.u32 s1, $0xD;
	s1 =	sshrl.u32 s1, $0x2  }
0xba: {  	s3 =	sand.u32 $0x4000, s31;
	s1 =	sadd.s32 s1, s30  }
0xbb: {  	s0 =	sor.u32 s3, s0;
	s1 =	sshll.u32 s1, $0x11  }
0xbc: {  	s0 =	sor.u32 s1, s0  }
0xbd: {  	s0 =	sadd.s32 $0x8F2B, s0  }
0xbe: {  	[sflag:s0] =	ssyncadd.remote.s32 $0x1  }
0xbf: {  	_ =	sfence.sel $0xFFFF  }
0xc0: {  	[dreg:$0x0] =	wrdreg $0xFFFFFFFF;
	(pc) =	sbr.abs _section_cstart, $3  }
0xc1: {  	[dreg:$0x1] =	wrdreg $0xFFFFFFFF  }
0xc2: {  	_ =	task.clear_ibuf [dreg:s7], $0x2FFFF;
	_ =	strace $0x9FFFFFFF  }
0xc3: {  	(tm) =	ssettm $0x7FFFFFFF  }
tec
execute0_lowered:
.L_overlay_start_1:
0x0: {  	(tag) =	ssettag $0x1  }
0x1: {  	s5 =	rddreg [dreg:$0x0]  }
0x2: {  	s6 =	rddreg [dreg:$0x1]  }
0x3: {  	s1 =	srdreg.scid;
	s0 =	stileid.u32  }
0x4: {  	s2 =	rddreg [dreg:$0x2];
	s3 =	simm.s32 $0x0;
	s13 =	simm.s32 $0x4F10  }
0x5: {  	s14 =	simm.s32 $0x7D;
	s15 =	simm.s32 $0x2790;
	s16 =	simm.s32 $0x2810  }
0x6: {  	s17 =	simm.s32 $0x2890;
	s18 =	simm.s32 $0x2910;
	s19 =	simm.s32 $0x2990  }
0x7: {  	s20 =	simm.s32 $0x1;
	s21 =	simm.s32 $0x0;
	s7 =	sand.u32 $0x1, s1  }
0x8: {  	s4 =	sshll.u32 s0, $0x1;
	s1 =	rddreg [dreg:$0x3];
	s9 =	smul.u32 $0x271, s0  }
0x9: {  	[smem:$0x7FF] =	sst s3;
	s12 =	smul.u32 $0x2710, s0;
	s31 =	sshll.u32 s0, $0x6  }
0xa: {  	s4 =	sor.u32 s7, s4;
	s10 =	ssub.s32 $0x2, s7;
	s7 =	smul.u32 $0x2710, s7  }
0xb: {  	_ =	strace $0x80000047;
	s4 =	smul.u32 $0x500, s4;
	s11 =	sshrl.u32 s10, $0x1  }
0xc: {  	s9 =	sadd.s32 s9, s5;
	s29 =	sadd.s32 s12, s2;
	s30 =	sshrl.u32 s12, $0x3  }
0xd: {  	s12 =	simm.s32 $0x2710;
	s10 =	ssub.s32 s10, s11;
	s9 =	sadd.s32 s7, s9  }
0xe: {  	s11 =	simm.s32 $0x2;
	s8 =	sadd.s32 s4, s5;
	s4 =	sadd.s32 $0xB600, s5  }
0xf: {  	s5 =	sadd.s32 s6, s30;
	s6 =	sor.u32 $0x1C02, s31;
	s7 =	sadd.s32 $0x1600, s8  }
0x10: {  	s8 =	sadd.s32 $0xB800, s9;
	s9 =	smax.u32 s10, $0x1;
	s10 =	sshrl.u32 s29, $0x3  }
.LBB2_1:
0x11: {  	[spmem:s10], [sflag:s6] =	dma.local [hbm:s5], $0x4E2  }
0x12: {  	_ =	swait.ge [sflag:s11], $0x4E2  }
0x13: {  	[sflag:s11] =	ssyncset.done $0x0  }
0x14: {  	[sflag:s11] =	ssyncadd.s32 $0xFFFFFB1E  }
0x15: {  	[tilespmem:s12], [sflag:$0x2] =	stream.linear.gather [hbm4b:s7+s3], $0x2800, $0x38;
	[tilespmem:$0x56E0] =	vst v63  }
0x16: {  	_ =	swait.ge [sflag:s11], $0x2800  }
0x17: {  	[sflag:s11] =	ssyncset.done $0x0  }
0x18: {  	[sflag:s11] =	ssyncadd.s32 $0xFFFFD800  }
0x19: {  	[tilespmem:s13], [sflag:$0x2] =	stream.linear.gather [hbm4b:s4+s3], $0x7D0, $0x38;
	[tilespmem:$0x56E0] =	vst v63  }
0x1a: {  	_ =	swait.ge [sflag:s11], $0x7D0  }
0x1b: {  	[sflag:s11] =	ssyncset.done $0x0  }
0x1c: {  	[sflag:s11] =	ssyncadd.s32 $0xFFFFF830  }
0x1d: {  	[bflag:$0x0] =	sbarrier.arrive $0xFFFF  }
0x1e: {  	[spmem:s2] =	stream.indirect.scatter.add.f32 [tilespmem:s13], [sflag:$0x1], $0x10, s12, s14, $0xb8;
	[tilespmem:$0x56E0] =	vst v63  }
0x1f: {  	_ = 	snop  }
0x20: {  	[spmem:s2] =	stream.indirect.scatter.add.f32 [tilespmem:s13], [sflag:$0x1], $0x10, s15, s14, $0xb8;
	[tilespmem:$0x56E0] =	vst v63  }
0x21: {  	_ = 	snop  }
0x22: {  	[spmem:s2] =	stream.indirect.scatter.add.f32 [tilespmem:s13], [sflag:$0x1], $0x10, s16, s14, $0xb8;
	[tilespmem:$0x56E0] =	vst v63  }
0x23: {  	_ = 	snop  }
0x24: {  	[spmem:s2] =	stream.indirect.scatter.add.f32 [tilespmem:s13], [sflag:$0x1], $0x10, s17, s14, $0xb8;
	[tilespmem:$0x56E0] =	vst v63  }
0x25: {  	_ = 	snop  }
0x26: {  	[spmem:s2] =	stream.indirect.scatter.add.f32 [tilespmem:s13], [sflag:$0x1], $0x10, s18, s14, $0xb8;
	[tilespmem:$0x56E0] =	vst v63  }
0x27: {  	_ = 	snop  }
0x28: {  	[spmem:s2] =	stream.indirect.scatter.add.f32 [tilespmem:s13], [sflag:$0x1], $0x10, s19, s14, $0xb8;
	[tilespmem:$0x56E0] =	vst v63  }
0x29: {  	s22 =	simm.s32 $0x2A10  }
0x2a: {  	[spmem:s2] =	stream.indirect.scatter.add.f32 [tilespmem:s13], [sflag:$0x1], $0x10, s22, s14, $0xb8;
	[tilespmem:$0x56E0] =	vst v63  }
0x2b: {  	s22 =	simm.s32 $0xE00;
	_ =	swait.ge [sflag:s20], $0x7D0  }
.LBB2_2:
0x2c: {  	s23 =	sshra.s32 s22, $0x2;
	[sflag:s20] =	ssyncset.done $0x0;
	p0 =	sne.s32 s22, $0x9E00  }
.Ltmp0:
0x2d: {  	s23 =	sadd.s32 $0x2710, s23;
	[sflag:s20] =	ssyncadd.s32 $0xFFFFF830;
	(pc) =	sbr.rel @p0 .LBB2_2-.Ltmp0, $3  }
0x2e: {  	[spmem:s2] =	stream.indirect.scatter.add.f32 [tilespmem:s13], [sflag:$0x1], $0x10, s23, s14, $0xb8;
	[tilespmem:$0x56E0] =	vst v63  }
0x2f: {  	s22 =	sadd.s32 $0x200, s22;
	_ =	sdelay $0x1  }
0x30: {  	_ =	swait.ge [sflag:s20], $0x7D0  }
0x31: {  	[sflag:s20] =	ssyncset.done $0x0  }
0x32: {  	[sflag:s20] =	ssyncadd.s32 $0xFFFFF830  }
0x33: {  	_ =	swait.ge [sflag:s20], $0x7D0  }
0x34: {  	[sflag:s20] =	ssyncset.done $0x0  }
0x35: {  	[sflag:s20] =	ssyncadd.s32 $0xFFFFF830  }
0x36: {  	_ =	swait.ge [sflag:s20], $0x7D0  }
0x37: {  	[sflag:s20] =	ssyncset.done $0x0  }
0x38: {  	[sflag:s20] =	ssyncadd.s32 $0xFFFFF830  }
0x39: {  	_ =	swait.ge [sflag:s20], $0x7D0  }
0x3a: {  	[sflag:s20] =	ssyncset.done $0x0  }
0x3b: {  	[sflag:s20] =	ssyncadd.s32 $0xFFFFF830  }
0x3c: {  	_ =	swait.ge [sflag:s20], $0x7D0  }
0x3d: {  	[sflag:s20] =	ssyncset.done $0x0  }
0x3e: {  	[sflag:s20] =	ssyncadd.s32 $0xFFFFF830  }
0x3f: {  	_ =	swait.ge [sflag:s20], $0x7D0  }
0x40: {  	[sflag:s20] =	ssyncset.done $0x0  }
0x41: {  	[sflag:s20] =	ssyncadd.s32 $0xFFFFF830  }
0x42: {  	_ =	swait.ge [sflag:s20], $0x7D0  }
0x43: {  	s21 =	sadd.s32 $0x1, s21;
	[sflag:s20] =	ssyncset.done $0x0  }
0x44: {  	p0 =	sne.s32 s21, s9;
	[sflag:s20] =	ssyncadd.s32 $0xFFFFF830  }
.Ltmp1:
0x45: {  	[bflag:$0x0] =	sbarrier.arrive $0xFFFF;
	(pc) =	sbr.rel @p0 .LBB2_1-.Ltmp1, $4  }
0x46: {  	[hbm:s8@s20], [sflag:s6] =	dma.strided [spmem:s10@s11], $0x271, s20, $0x1   }
0x47: {  	_ =	swait.ge [sflag:s11], $0x271  }
0x48: {  	[sflag:s11] =	ssyncset.done $0x0  }
0x49: {  	[sflag:s11] =	ssyncadd.s32 $0xFFFFFD8F  }
0x4a: {  	_ =	sfence.sel $0x180000  }
0x4b: {  	[bflag:$0x0] =	sbarrier.arrive $0xFFFF  }
0x4c: {  	p0 =	sne.s32 s0, $0x0;
	_ =	strace $0x90000047  }
0x4d: {  	s0 =	sadd.s32 @!p0 $0x100000, s1;
	[bflag:$0x2] =	sbarrier.arrive $0xFFFF  }
0x4e: {  	[sflag:s0] =	ssyncadd.tile.s32 @!p0 $0x1;
	_ =	shalt  }
.Lfunc_end2:
_tile_overlayer_lowered:
.L_overlay_start_2:
0x4f: {  	(tag) =	ssettag $0x2  }
0x50: {  	s0 =	rddreg [dreg:$0x0];
	s2 =	stileid.u32  }
0x51: {  	s1 =	rddreg [dreg:$0x1];
	p0 =	sne.s32 s2, $0x0  }
0x52: {  	s3 =	rddreg [dreg:$0x2];
	[bflag:$0x3] =	sbarrier.arrive $0xFFFF;
	s2 =	simm.s32 @!p0 $0x1C02  }
0x53: {  	[timem:s3], [sflag:s2] =	dma.local @!p0 [hbm:s0], s1  }
0x54: {  	s0 =	simm.s32 @!p0 $0x2  }
0x55: {  	_ =	swait.ge @!p0 [sflag:s0], s1  }
0x56: {  	s1 =	ssub.s32 @!p0 $0x0, s1;
	[sflag:s0] =	ssyncset.done @!p0 $0x0  }
0x57: {  	[sflag:s0] =	ssyncadd.s32 @!p0 s1  }
0x58: {  	[bflag:$0x3] =	sbarrier.arrive $0xFFFF  }
0x59: {  	_ =	shalt  }

</sc_bundles>
